<compile_context>
chip_gen: v7x
topology: tpu7x:2x2x1
jax: 0.10.2.dev20260603
libtpu: 0.0.44.dev20260713+nightly
codegen_flags: <defaults>
</compile_context>

<pallas_src>
import functools

import jax
import jax.numpy as jnp
from jax import lax
from jax.experimental import pallas as pl
from jax.experimental.pallas import tpu as pltpu
from jax.experimental.pallas import tpu_sc as plsc

N = 10000
E = 160000
D_IN = 256
D_OUT = 256
H = 128
NT = 16
RPT = 632
RPT_LAST = N - (NT - 1) * RPT

_mesh = plsc.VectorSubcoreMesh(core_axis_name="c", subcore_axis_name="s")


def _fill_ones(ref, n):
    one16 = jnp.full((16,), 1.0, jnp.float32)
    for j in range(n // 16):
        ref[pl.ds(j * 16, 16)] = one16
    if n % 16:
        ref[pl.ds(n - 16, 16)] = one16


CHA = 80
EPTA = E // NT
NCHA = EPTA // CHA
KA = 5
NGA = NCHA // KA


@functools.partial(
    pl.kernel,
    out_type=jax.ShapeDtypeStruct((2, N), jnp.float32),
    mesh=_mesh,
    scratch_types=[
        pltpu.VMEM((2, KA, CHA), jnp.int32),
        pltpu.VMEM((CHA,), jnp.float32),
        pltpu.VMEM_SHARED((N,), jnp.float32),
        pltpu.SemaphoreType.DMA((2,)),
        pltpu.SemaphoreType.DMA((2,)),
    ],
)
def _degree_kernel(src_hbm, dst_hbm, zeros_hbm, deg_hbm, idx_v, ones_v, acc_sh,
                   sem_i, sem_s):
    c = lax.axis_index("c")
    s = lax.axis_index("s")

    @pl.when(s == 0)
    def _():
        pltpu.sync_copy(zeros_hbm, acc_sh)

    _fill_ones(ones_v, CHA)
    plsc.subcore_barrier()

    base = s * EPTA

    def run(edge_hbm):
        def issue_group(g, p):
            for b in range(KA):
                off = base + g * (KA * CHA) + b * CHA
                pltpu.async_copy(edge_hbm.at[pl.ds(off, CHA)],
                                 idx_v.at[p, b], sem_i.at[p])

        def drain_scatters(p):
            for b in range(KA):
                pltpu.make_async_copy(ones_v, acc_sh.at[idx_v.at[p, b]],
                                      sem_s.at[p]).wait()

        issue_group(0, 0)

        def body(g, carry):
            p = lax.rem(g, 2)
            q = 1 - p

            @pl.when(g >= 1)
            def _():
                drain_scatters(q)

            @pl.when(g + 1 < NGA)
            def _():
                issue_group(g + 1, q)

            for b in range(KA):
                pltpu.make_async_copy(edge_hbm.at[pl.ds(base, CHA)],
                                      idx_v.at[p, b], sem_i.at[p]).wait()
            for b in range(KA):
                pltpu.async_copy(ones_v, acc_sh.at[idx_v.at[p, b]],
                                 sem_s.at[p], add=True)
            return carry

        lax.fori_loop(0, NGA, body, 0)
        drain_scatters((NGA - 1) % 2)

    @pl.when(c == 0)
    def _():
        run(src_hbm)

    @pl.when(c == 1)
    def _():
        run(dst_hbm)

    plsc.subcore_barrier()

    @pl.when(s == 0)
    def _():
        pltpu.sync_copy(acc_sh, deg_hbm.at[c])


def _scale_body(x_ref, degt_ref, gl_ref, gr_ref):
    dt = degt_ref[...]
    d2 = lax.rsqrt(jnp.maximum(dt[:, 0:1], 1.0))
    g = x_ref[...] * d2
    gl_ref[...] = g[:, :H]
    gr_ref[...] = g[:, H:]


def _scale_call(x, degT):
    R = 1000
    grid = N // R
    return pl.pallas_call(
        _scale_body,
        grid=(grid,),
        in_specs=[
            pl.BlockSpec((R, D_IN), lambda i: (i, 0)),
            pl.BlockSpec((R, 2), lambda i: (i, 0)),
        ],
        out_specs=[
            pl.BlockSpec((R, H), lambda i: (i, 0)),
            pl.BlockSpec((R, H), lambda i: (i, 0)),
        ],
        out_shape=[
            jax.ShapeDtypeStruct((N, H), jnp.float32),
            jax.ShapeDtypeStruct((N, H), jnp.float32),
        ],
    )(x, degT)


CHC = 80
EPT = E // NT
NGC = EPT // CHC
NSETS = 4
NIDX = 5


@functools.partial(
    pl.kernel,
    out_type=[
        jax.ShapeDtypeStruct((N, H), jnp.float32),
        jax.ShapeDtypeStruct((N, H), jnp.float32),
    ],
    mesh=_mesh,
    scratch_types=[
        pltpu.VMEM((NIDX, CHC), jnp.int32),
        pltpu.VMEM((NIDX, CHC), jnp.int32),
        pltpu.VMEM((NSETS, CHC, H), jnp.float32),
        pltpu.VMEM_SHARED((N, H), jnp.float32),
        pltpu.SemaphoreType.DMA((NIDX,)),
        pltpu.SemaphoreType.DMA((NSETS,)),
        pltpu.SemaphoreType.DMA((NSETS,)),
    ],
)
def _gather_scatter_kernel(gl_hbm, gr_hbm, src_hbm, dst_hbm, zeros_hbm,
                           aggl_hbm, aggr_hbm,
                           src_v, dst_v, rows_v, acc_sh,
                           sem_i, sem_g, sem_s):
    c = lax.axis_index("c")
    s = lax.axis_index("s")

    def _rowslice(ref):
        start = pl.multiple_of(s * RPT, 8)
        return ref.at[pl.ds(start, RPT)]

    def _rowslice_last(ref):
        return ref.at[pl.ds((NT - 1) * RPT, RPT_LAST)]

    @pl.when(s < NT - 1)
    def _():
        pltpu.sync_copy(_rowslice(zeros_hbm), _rowslice(acc_sh))

    @pl.when(s == NT - 1)
    def _():
        pltpu.sync_copy(_rowslice_last(zeros_hbm), _rowslice_last(acc_sh))

    plsc.subcore_barrier()

    base = s * EPT

    def run(g_hbm):
        def issue_idx(g):
            p = lax.rem(g, NIDX)
            off = base + g * CHC
            pltpu.async_copy(src_hbm.at[pl.ds(off, CHC)], src_v.at[p],
                             sem_i.at[p])
            pltpu.async_copy(dst_hbm.at[pl.ds(off, CHC)], dst_v.at[p],
                             sem_i.at[p])

        def wait_idx(g):
            p = lax.rem(g, NIDX)
            pltpu.make_async_copy(src_hbm.at[pl.ds(base, CHC)], src_v.at[p],
                                  sem_i.at[p]).wait()
            pltpu.make_async_copy(dst_hbm.at[pl.ds(base, CHC)], dst_v.at[p],
                                  sem_i.at[p]).wait()

        def issue_gather(g):
            pltpu.async_copy(g_hbm.at[src_v.at[lax.rem(g, NIDX)]],
                             rows_v.at[lax.rem(g, NSETS)],
                             sem_g.at[lax.rem(g, NSETS)])

        def wait_gather(g):
            pltpu.make_async_copy(g_hbm.at[src_v.at[lax.rem(g, NIDX)]],
                                  rows_v.at[lax.rem(g, NSETS)],
                                  sem_g.at[lax.rem(g, NSETS)]).wait()

        def issue_scatter(g):
            pltpu.async_copy(rows_v.at[lax.rem(g, NSETS)],
                             acc_sh.at[dst_v.at[lax.rem(g, NIDX)]],
                             sem_s.at[lax.rem(g, NSETS)], add=True)

        def drain_scatter(g):
            pltpu.make_async_copy(rows_v.at[lax.rem(g, NSETS)],
                                  acc_sh.at[dst_v.at[lax.rem(g, NIDX)]],
                                  sem_s.at[lax.rem(g, NSETS)]).wait()

        issue_idx(0)
        issue_idx(1)
        issue_idx(2)
        wait_idx(0)
        issue_gather(0)
        wait_idx(1)
        issue_gather(1)

        def body(g, carry):
            @pl.when(g >= 2)
            def _():
                drain_scatter(g - 2)

            @pl.when(g + 3 < NGC)
            def _():
                issue_idx(g + 3)

            @pl.when(g + 2 < NGC)
            def _():
                wait_idx(g + 2)
                issue_gather(g + 2)

            wait_gather(g)
            issue_scatter(g)
            return carry

        lax.fori_loop(0, NGC, body, 0)
        drain_scatter(NGC - 2)
        drain_scatter(NGC - 1)

    @pl.when(c == 0)
    def _():
        run(gl_hbm)

    @pl.when(c == 1)
    def _():
        run(gr_hbm)

    plsc.subcore_barrier()

    def writeout(agg_hbm):
        @pl.when(s < NT - 1)
        def _():
            pltpu.sync_copy(_rowslice(acc_sh), _rowslice(agg_hbm))

        @pl.when(s == NT - 1)
        def _():
            pltpu.sync_copy(_rowslice_last(acc_sh), _rowslice_last(agg_hbm))

    @pl.when(c == 0)
    def _():
        writeout(aggl_hbm)

    @pl.when(c == 1)
    def _():
        writeout(aggr_hbm)


def _matmul_body(al_ref, ar_ref, w_ref, ind_ref, ft_ref):
    w = w_ref[...]
    acc = lax.dot_general(al_ref[...], w[:, :H], (((1,), (1,)), ((), ())),
                          preferred_element_type=jnp.float32)
    acc = acc + lax.dot_general(ar_ref[...], w[:, H:], (((1,), (1,)), ((), ())),
                                preferred_element_type=jnp.float32)
    d0 = lax.rsqrt(jnp.maximum(ind_ref[...], 1.0))
    ft_ref[...] = acc * d0


def _matmul_call(aggl, aggr, W_fc, ind):
    R = 1000
    grid = N // R
    return pl.pallas_call(
        _matmul_body,
        grid=(grid,),
        in_specs=[
            pl.BlockSpec((R, H), lambda i: (i, 0)),
            pl.BlockSpec((R, H), lambda i: (i, 0)),
            pl.BlockSpec((D_OUT, D_IN), lambda i: (0, 0)),
            pl.BlockSpec((R, 1), lambda i: (i, 0)),
        ],
        out_specs=pl.BlockSpec((R, D_OUT), lambda i: (i, 0)),
        out_shape=jax.ShapeDtypeStruct((N, D_OUT), jnp.float32),
    )(aggl, aggr, W_fc, ind)


def kernel(x, loc, edge_index, inter_ids, W_fc, W_G, embed_table, boundaries):
    src = edge_index[0]
    dst = edge_index[1]
    zeros_n = jnp.zeros((N,), jnp.float32)
    zeros_nd = jnp.zeros((N, H), jnp.float32)

    deg = _degree_kernel(src, dst, zeros_n)
    gl, gr = _scale_call(x, deg.T)
    aggl, aggr = _gather_scatter_kernel(gl, gr, src, dst, zeros_nd)
    return _matmul_call(aggl, aggr, W_fc, deg[1].reshape(N, 1))

# --- scband reference (transcript-rebuilt; emitter-appended) ---
"""Pipeline reference for scband-dist-gatlayer-37967510897367 (READ-ONLY COPY).

The authoritative reference and input builder live on the scoring server;
editing this copy changes nothing except your own understanding.
"""

import jax, jax.numpy as jnp
import numpy as np

N = 10000
E = 160000
D_IN = 256
D_OUT = 256
DIST_DIM = 16
NUM_BOUND = 32


def setup_inputs(seed: int = 0) -> dict:
    key = jax.random.key(seed)
    ks = jax.random.split(key, 8)
    x = jax.random.normal(ks[0], (N, D_IN), dtype=jnp.float32)
    loc = jax.random.normal(ks[1], (N, 3), dtype=jnp.float32)
    edge_index = jax.random.randint(ks[2], (2, E), 0, N, dtype=jnp.int32)
    # in the torch module inter_ids is sampled randomly inside forward via
    # dgl.sampling.sample_neighbors; we materialize it as a fixed random input
    inter_ids = jax.random.randint(ks[3], (E,), 0, N, dtype=jnp.int32)
    # learned params (transform=True, residual=False, activation=None)
    W_fc = jax.random.normal(ks[4], (D_OUT, D_IN), dtype=jnp.float32) * (1.0 / np.sqrt(D_IN))
    W_G = jax.random.normal(ks[5], (D_OUT, DIST_DIM), dtype=jnp.float32) * (1.0 / np.sqrt(DIST_DIM))
    embed_table = jax.random.normal(ks[6], (NUM_BOUND + 1, DIST_DIM), dtype=jnp.float32)
    boundaries = jnp.arange(1, NUM_BOUND + 1, dtype=jnp.float32) * 0.25
    return {"x": x, "loc": loc, "edge_index": edge_index, "inter_ids": inter_ids,
            "W_fc": W_fc, "W_G": W_G, "embed_table": embed_table, "boundaries": boundaries}


def reference(x, loc, edge_index, inter_ids, W_fc, W_G, embed_table, boundaries):
    src = edge_index[0]
    dst = edge_index[1]
    n = x.shape[0]
    # transform=True: feat = fc(feat)
    feat = x @ W_fc.T
    # d0 = in_degree^-0.5, d2 = out_degree^-0.5 (clamped at 1)
    ones = jnp.ones((src.shape[0],), dtype=jnp.float32)
    in_deg = jnp.zeros((n,), jnp.float32).at[dst].add(ones)
    out_deg = jnp.zeros((n,), jnp.float32).at[src].add(ones)
    d0 = jnp.power(jnp.clip(in_deg, 1.0, None), -0.5)
    d2 = jnp.power(jnp.clip(out_deg, 1.0, None), -0.5)
    # combine_double_dist: distance embeddings are computed but unused in the
    # returned edge feature (faithful to original dead code)
    inter_pos = loc[inter_ids]
    dist1 = jnp.linalg.norm(loc[dst] - loc[src], axis=1)
    dist_ = jnp.linalg.norm(loc[src] - inter_pos, axis=1)
    b1 = jnp.searchsorted(boundaries, dist1, side='left')
    b_ = jnp.searchsorted(boundaries, dist_, side='left')
    _de1 = embed_table[b1] @ W_G.T
    _de_ = embed_table[b_] @ W_G.T
    # edge message h = d0[dst] * d2[src] * feat[src]
    h = d0[dst][:, None] * d2[src][:, None] * feat[src]
    # update_all(copy_e('h','m'), sum('m','ft')): scatter-add over dst
    ft = jnp.zeros((n, feat.shape[1]), dtype=jnp.float32).at[dst].add(h)
    # residual=False, activation=None
    return ft

if __name__ == "__main__":
    import jax
    _d = setup_inputs()
    print(jax.jit(kernel)(*tuple(_d.values())))

</pallas_src>

<mosaic_0001>
#map = affine_map<(d0, d1) -> (0, 0)>
#map1 = affine_map<(d0, d1) -> (0)>
module attributes {stable_mosaic.version = 14 : i64} {
  func.func @_gather_scatter_kernel(%arg0: i32, %arg1: i32, %arg2: memref<10000x128xf32, #tpu.memory_space<hbm>>, %arg3: memref<10000x128xf32, #tpu.memory_space<hbm>>, %arg4: memref<160000xi32, #tpu.memory_space<hbm>>, %arg5: memref<160000xi32, #tpu.memory_space<hbm>>, %arg6: memref<10000x128xf32, #tpu.memory_space<hbm>>, %arg7: memref<10000x128xf32, #tpu.memory_space<hbm>>, %arg8: memref<10000x128xf32, #tpu.memory_space<hbm>>, %arg9: memref<5x80xi32, #tpu.memory_space<vmem>>, %arg10: memref<5x80xi32, #tpu.memory_space<vmem>>, %arg11: memref<4x80x128xf32, #tpu.memory_space<vmem>>, %arg12: memref<10000x128xf32, #tpu.memory_space<vmem_shared>>, %arg13: memref<5x!tpu.dma_semaphore, #tpu.memory_space<semaphore_mem>>, %arg14: memref<4x!tpu.dma_semaphore, #tpu.memory_space<semaphore_mem>>, %arg15: memref<4x!tpu.dma_semaphore, #tpu.memory_space<semaphore_mem>>) attributes {dimension_semantics = [#tpu.dimension_semantics<core_parallel>, #tpu.dimension_semantics<subcore_parallel>], iteration_bounds = array<i64: 2, 16>, scalar_prefetch = 0 : i64, scratch_operands = 7 : i64, tpu.core_type = #tpu.core_type<sc_vector_subcore>, window_params = [{transform_indices = #map}, {transform_indices = #map}, {transform_indices = #map1}, {transform_indices = #map1}, {transform_indices = #map}, {transform_indices = #map}, {transform_indices = #map}]} {
    %lt3A = arith.constant 15 : i32
    %lt3A_0 = arith.cmpi slt, %arg1, %lt3A : i32
    %convert_element_type3A = arith.extui %lt3A_0 : i1 to i32
    %cond3A = arith.constant 0 : i32
    %cond3A_1 = arith.cmpi ne, %convert_element_type3A, %cond3A : i32
    scf.if %cond3A_1 {
      %mul3A_28 = arith.constant 632 : i32
      %mul3A_29 = arith.muli %arg1, %mul3A_28 : i32
      %multiple_of3A = tpu.assume_multiple %mul3A_29, 8 : i32
      %mul3A_30 = arith.constant 632 : i32
      %mul3A_31 = arith.muli %arg1, %mul3A_30 : i32
      %multiple_of3A_32 = tpu.assume_multiple %mul3A_31, 8 : i32
      "tpu.region"() ({
        %run_scoped3A = tpu.sem_alloc : memref<!tpu.dma_semaphore, #tpu.memory_space<semaphore_mem>>
        %dma_start3A = arith.constant 0 : i32
        %dma_start3A_33 = tpu.memref_slice %arg12[%multiple_of3A_32, %dma_start3A] : memref<10000x128xf32, #tpu.memory_space<vmem_shared>> -> memref<632x128xf32, #tpu.memory_space<vmem_shared>>
        %dma_start3A_34 = arith.constant 0 : i32
        %dma_start3A_35 = tpu.memref_slice %arg6[%multiple_of3A, %dma_start3A_34] : memref<10000x128xf32, #tpu.memory_space<hbm>> -> memref<632x128xf32, #tpu.memory_space<hbm>>
        tpu.enqueue_dma source(%dma_start3A_35 : memref<632x128xf32, #tpu.memory_space<hbm>>) target(%dma_start3A_33 : memref<632x128xf32, #tpu.memory_space<vmem_shared>>) target_semaphore(%run_scoped3A : memref<!tpu.dma_semaphore, #tpu.memory_space<semaphore_mem>>)
        %dma_wait3A = arith.constant 0 : i32
        %dma_wait3A_36 = tpu.memref_slice %arg12[%multiple_of3A_32, %dma_wait3A] : memref<10000x128xf32, #tpu.memory_space<vmem_shared>> -> memref<632x128xf32, #tpu.memory_space<vmem_shared>>
        %dma_wait3A_37 = arith.constant 0 : i32
        %dma_wait3A_38 = tpu.memref_slice %arg6[%multiple_of3A, %dma_wait3A_37] : memref<10000x128xf32, #tpu.memory_space<hbm>> -> memref<632x128xf32, #tpu.memory_space<hbm>>
        tpu.wait_dma2 semaphore(%run_scoped3A : memref<!tpu.dma_semaphore, #tpu.memory_space<semaphore_mem>>) src(%dma_wait3A_38 : memref<632x128xf32, #tpu.memory_space<hbm>>) dst(%dma_wait3A_36 : memref<632x128xf32, #tpu.memory_space<vmem_shared>>)
        tpu.yield
      }) : () -> ()
    } else {
    }
    %eq3A = arith.constant 15 : i32
    %eq3A_2 = arith.cmpi eq, %arg1, %eq3A : i32
    %convert_element_type3A_3 = arith.extui %eq3A_2 : i1 to i32
    %cond3A_4 = arith.constant 0 : i32
    %cond3A_5 = arith.cmpi ne, %convert_element_type3A_3, %cond3A_4 : i32
    scf.if %cond3A_5 {
      "tpu.region"() ({
        %run_scoped3A = tpu.sem_alloc : memref<!tpu.dma_semaphore, #tpu.memory_space<semaphore_mem>>
        %dma_start3A = arith.constant 9480 : i32
        %dma_start3A_28 = arith.constant 0 : i32
        %dma_start3A_29 = tpu.memref_slice %arg12[%dma_start3A, %dma_start3A_28] : memref<10000x128xf32, #tpu.memory_space<vmem_shared>> -> memref<520x128xf32, #tpu.memory_space<vmem_shared>>
        %dma_start3A_30 = arith.constant 9480 : i32
        %dma_start3A_31 = arith.constant 0 : i32
        %dma_start3A_32 = tpu.memref_slice %arg6[%dma_start3A_30, %dma_start3A_31] : memref<10000x128xf32, #tpu.memory_space<hbm>> -> memref<520x128xf32, #tpu.memory_space<hbm>>
        tpu.enqueue_dma source(%dma_start3A_32 : memref<520x128xf32, #tpu.memory_space<hbm>>) target(%dma_start3A_29 : memref<520x128xf32, #tpu.memory_space<vmem_shared>>) target_semaphore(%run_scoped3A : memref<!tpu.dma_semaphore, #tpu.memory_space<semaphore_mem>>)
        %dma_wait3A = arith.constant 9480 : i32
        %dma_wait3A_33 = arith.constant 0 : i32
        %dma_wait3A_34 = tpu.memref_slice %arg12[%dma_wait3A, %dma_wait3A_33] : memref<10000x128xf32, #tpu.memory_space<vmem_shared>> -> memref<520x128xf32, #tpu.memory_space<vmem_shared>>
        %dma_wait3A_35 = arith.constant 9480 : i32
        %dma_wait3A_36 = arith.constant 0 : i32
        %dma_wait3A_37 = tpu.memref_slice %arg6[%dma_wait3A_35, %dma_wait3A_36] : memref<10000x128xf32, #tpu.memory_space<hbm>> -> memref<520x128xf32, #tpu.memory_space<hbm>>
        tpu.wait_dma2 semaphore(%run_scoped3A : memref<!tpu.dma_semaphore, #tpu.memory_space<semaphore_mem>>) src(%dma_wait3A_37 : memref<520x128xf32, #tpu.memory_space<hbm>>) dst(%dma_wait3A_34 : memref<520x128xf32, #tpu.memory_space<vmem_shared>>)
        tpu.yield
      }) : () -> ()
    } else {
    }
    %barrier3A = arith.constant 0 : index
    tpu.barrier barrier_id(%barrier3A)
    %mul3A = arith.constant 10000 : i32
    %mul3A_6 = arith.muli %arg1, %mul3A : i32
    %eq3A_7 = arith.constant 0 : i32
    %eq3A_8 = arith.cmpi eq, %arg0, %eq3A_7 : i32
    %convert_element_type3A_9 = arith.extui %eq3A_8 : i1 to i32
    %cond3A_10 = arith.constant 0 : i32
    %cond3A_11 = arith.cmpi ne, %convert_element_type3A_9, %cond3A_10 : i32
    scf.if %cond3A_11 {
      %rem3A = arith.constant 0 : i32
      %rem3A_28 = arith.constant 5 : i32
      %rem3A_29 = arith.remsi %rem3A, %rem3A_28 : i32
      %add3A = arith.constant 0 : i32
      %add3A_30 = arith.addi %mul3A_6, %add3A : i32
      %dma_start3A = arith.constant 0 : i32
      %dma_start3A_31 = tpu.memref_slice %arg9[%rem3A_29, %dma_start3A] : memref<5x80xi32, #tpu.memory_space<vmem>> -> memref<1x80xi32, #tpu.memory_space<vmem>>
      %dma_start3A_32 = tpu.memref_squeeze %dma_start3A_31 : memref<1x80xi32, #tpu.memory_space<vmem>> -> memref<80xi32, #tpu.memory_space<vmem>>
      %dma_start3A_33 = tpu.memref_slice %arg4[%add3A_30] : memref<160000xi32, #tpu.memory_space<hbm>> -> memref<80xi32, #tpu.memory_space<hbm>>
      %dma_start3A_34 = tpu.memref_slice %arg13[%rem3A_29] : memref<5x!tpu.dma_semaphore, #tpu.memory_space<semaphore_mem>> -> memref<1x!tpu.dma_semaphore, #tpu.memory_space<semaphore_mem>>
      %dma_start3A_35 = tpu.memref_squeeze %dma_start3A_34 : memref<1x!tpu.dma_semaphore, #tpu.memory_space<semaphore_mem>> -> memref<!tpu.dma_semaphore, #tpu.memory_space<semaphore_mem>>
      %dma_start3A_36 = arith.constant 0 : i32
      %dma_start3A_37 = tpu.memref_slice %arg9[%rem3A_29, %dma_start3A_36] : memref<5x80xi32, #tpu.memory_space<vmem>> -> memref<1x80xi32, #tpu.memory_space<vmem>>
      %dma_start3A_38 = tpu.memref_squeeze %dma_start3A_37 : memref<1x80xi32, #tpu.memory_space<vmem>> -> memref<80xi32, #tpu.memory_space<vmem>>
      %dma_start3A_39 = tpu.memref_slice %arg4[%add3A_30] : memref<160000xi32, #tpu.memory_space<hbm>> -> memref<80xi32, #tpu.memory_space<hbm>>
      tpu.enqueue_dma source(%dma_start3A_39 : memref<80xi32, #tpu.memory_space<hbm>>) target(%dma_start3A_38 : memref<80xi32, #tpu.memory_space<vmem>>) target_semaphore(%dma_start3A_35 : memref<!tpu.dma_semaphore, #tpu.memory_space<semaphore_mem>>)
      %dma_start3A_40 = arith.constant 0 : i32
      %dma_start3A_41 = tpu.memref_slice %arg10[%rem3A_29, %dma_start3A_40] : memref<5x80xi32, #tpu.memory_space<vmem>> -> memref<1x80xi32, #tpu.memory_space<vmem>>
      %dma_start3A_42 = tpu.memref_squeeze %dma_start3A_41 : memref<1x80xi32, #tpu.memory_space<vmem>> -> memref<80xi32, #tpu.memory_space<vmem>>
      %dma_start3A_43 = tpu.memref_slice %arg5[%add3A_30] : memref<160000xi32, #tpu.memory_space<hbm>> -> memref<80xi32, #tpu.memory_space<hbm>>
      %dma_start3A_44 = tpu.memref_slice %arg13[%rem3A_29] : memref<5x!tpu.dma_semaphore, #tpu.memory_space<semaphore_mem>> -> memref<1x!tpu.dma_semaphore, #tpu.memory_space<semaphore_mem>>
      %dma_start3A_45 = tpu.memref_squeeze %dma_start3A_44 : memref<1x!tpu.dma_semaphore, #tpu.memory_space<semaphore_mem>> -> memref<!tpu.dma_semaphore, #tpu.memory_space<semaphore_mem>>
      %dma_start3A_46 = arith.constant 0 : i32
      %dma_start3A_47 = tpu.memref_slice %arg10[%rem3A_29, %dma_start3A_46] : memref<5x80xi32, #tpu.memory_space<vmem>> -> memref<1x80xi32, #tpu.memory_space<vmem>>
      %dma_start3A_48 = tpu.memref_squeeze %dma_start3A_47 : memref<1x80xi32, #tpu.memory_space<vmem>> -> memref<80xi32, #tpu.memory_space<vmem>>
      %dma_start3A_49 = tpu.memref_slice %arg5[%add3A_30] : memref<160000xi32, #tpu.memory_space<hbm>> -> memref<80xi32, #tpu.memory_space<hbm>>
      tpu.enqueue_dma source(%dma_start3A_49 : memref<80xi32, #tpu.memory_space<hbm>>) target(%dma_start3A_48 : memref<80xi32, #tpu.memory_space<vmem>>) target_semaphore(%dma_start3A_45 : memref<!tpu.dma_semaphore, #tpu.memory_space<semaphore_mem>>)
      %rem3A_50 = arith.constant 1 : i32
      %rem3A_51 = arith.constant 5 : i32
      %rem3A_52 = arith.remsi %rem3A_50, %rem3A_51 : i32
      %add3A_53 = arith.constant 80 : i32
      %add3A_54 = arith.addi %mul3A_6, %add3A_53 : i32
      %dma_start3A_55 = arith.constant 0 : i32
      %dma_start3A_56 = tpu.memref_slice %arg9[%rem3A_52, %dma_start3A_55] : memref<5x80xi32, #tpu.memory_space<vmem>> -> memref<1x80xi32, #tpu.memory_space<vmem>>
      %dma_start3A_57 = tpu.memref_squeeze %dma_start3A_56 : memref<1x80xi32, #tpu.memory_space<vmem>> -> memref<80xi32, #tpu.memory_space<vmem>>
      %dma_start3A_58 = tpu.memref_slice %arg4[%add3A_54] : memref<160000xi32, #tpu.memory_space<hbm>> -> memref<80xi32, #tpu.memory_space<hbm>>
      %dma_start3A_59 = tpu.memref_slice %arg13[%rem3A_52] : memref<5x!tpu.dma_semaphore, #tpu.memory_space<semaphore_mem>> -> memref<1x!tpu.dma_semaphore, #tpu.memory_space<semaphore_mem>>
      %dma_start3A_60 = tpu.memref_squeeze %dma_start3A_59 : memref<1x!tpu.dma_semaphore, #tpu.memory_space<semaphore_mem>> -> memref<!tpu.dma_semaphore, #tpu.memory_space<semaphore_mem>>
      %dma_start3A_61 = arith.constant 0 : i32
      %dma_start3A_62 = tpu.memref_slice %arg9[%rem3A_52, %dma_start3A_61] : memref<5x80xi32, #tpu.memory_space<vmem>> -> memref<1x80xi32, #tpu.memory_space<vmem>>
      %dma_start3A_63 = tpu.memref_squeeze %dma_start3A_62 : memref<1x80xi32, #tpu.memory_space<vmem>> -> memref<80xi32, #tpu.memory_space<vmem>>
      %dma_start3A_64 = tpu.memref_slice %arg4[%add3A_54] : memref<160000xi32, #tpu.memory_space<hbm>> -> memref<80xi32, #tpu.memory_space<hbm>>
      tpu.enqueue_dma source(%dma_start3A_64 : memref<80xi32, #tpu.memory_space<hbm>>) target(%dma_start3A_63 : memref<80xi32, #tpu.memory_space<vmem>>) target_semaphore(%dma_start3A_60 : memref<!tpu.dma_semaphore, #tpu.memory_space<semaphore_mem>>)
      %dma_start3A_65 = arith.constant 0 : i32
      %dma_start3A_66 = tpu.memref_slice %arg10[%rem3A_52, %dma_start3A_65] : memref<5x80xi32, #tpu.memory_space<vmem>> -> memref<1x80xi32, #tpu.memory_space<vmem>>
      %dma_start3A_67 = tpu.memref_squeeze %dma_start3A_66 : memref<1x80xi32, #tpu.memory_space<vmem>> -> memref<80xi32, #tpu.memory_space<vmem>>
      %dma_start3A_68 = tpu.memref_slice %arg5[%add3A_54] : memref<160000xi32, #tpu.memory_space<hbm>> -> memref<80xi32, #tpu.memory_space<hbm>>
      %dma_start3A_69 = tpu.memref_slice %arg13[%rem3A_52] : memref<5x!tpu.dma_semaphore, #tpu.memory_space<semaphore_mem>> -> memref<1x!tpu.dma_semaphore, #tpu.memory_space<semaphore_mem>>
      %dma_start3A_70 = tpu.memref_squeeze %dma_start3A_69 : memref<1x!tpu.dma_semaphore, #tpu.memory_space<semaphore_mem>> -> memref<!tpu.dma_semaphore, #tpu.memory_space<semaphore_mem>>
      %dma_start3A_71 = arith.constant 0 : i32
      %dma_start3A_72 = tpu.memref_slice %arg10[%rem3A_52, %dma_start3A_71] : memref<5x80xi32, #tpu.memory_space<vmem>> -> memref<1x80xi32, #tpu.memory_space<vmem>>
      %dma_start3A_73 = tpu.memref_squeeze %dma_start3A_72 : memref<1x80xi32, #tpu.memory_space<vmem>> -> memref<80xi32, #tpu.memory_space<vmem>>
      %dma_start3A_74 = tpu.memref_slice %arg5[%add3A_54] : memref<160000xi32, #tpu.memory_space<hbm>> -> memref<80xi32, #tpu.memory_space<hbm>>
      tpu.enqueue_dma source(%dma_start3A_74 : memref<80xi32, #tpu.memory_space<hbm>>) target(%dma_start3A_73 : memref<80xi32, #tpu.memory_space<vmem>>) target_semaphore(%dma_start3A_70 : memref<!tpu.dma_semaphore, #tpu.memory_space<semaphore_mem>>)
      %rem3A_75 = arith.constant 2 : i32
      %rem3A_76 = arith.constant 5 : i32
      %rem3A_77 = arith.remsi %rem3A_75, %rem3A_76 : i32
      %add3A_78 = arith.constant 160 : i32
      %add3A_79 = arith.addi %mul3A_6, %add3A_78 : i32
      %dma_start3A_80 = arith.constant 0 : i32
      %dma_start3A_81 = tpu.memref_slice %arg9[%rem3A_77, %dma_start3A_80] : memref<5x80xi32, #tpu.memory_space<vmem>> -> memref<1x80xi32, #tpu.memory_space<vmem>>
      %dma_start3A_82 = tpu.memref_squeeze %dma_start3A_81 : memref<1x80xi32, #tpu.memory_space<vmem>> -> memref<80xi32, #tpu.memory_space<vmem>>
      %dma_start3A_83 = tpu.memref_slice %arg4[%add3A_79] : memref<160000xi32, #tpu.memory_space<hbm>> -> memref<80xi32, #tpu.memory_space<hbm>>
      %dma_start3A_84 = tpu.memref_slice %arg13[%rem3A_77] : memref<5x!tpu.dma_semaphore, #tpu.memory_space<semaphore_mem>> -> memref<1x!tpu.dma_semaphore, #tpu.memory_space<semaphore_mem>>
      %dma_start3A_85 = tpu.memref_squeeze %dma_start3A_84 : memref<1x!tpu.dma_semaphore, #tpu.memory_space<semaphore_mem>> -> memref<!tpu.dma_semaphore, #tpu.memory_space<semaphore_mem>>
      %dma_start3A_86 = arith.constant 0 : i32
      %dma_start3A_87 = tpu.memref_slice %arg9[%rem3A_77, %dma_start3A_86] : memref<5x80xi32, #tpu.memory_space<vmem>> -> memref<1x80xi32, #tpu.memory_space<vmem>>
      %dma_start3A_88 = tpu.memref_squeeze %dma_start3A_87 : memref<1x80xi32, #tpu.memory_space<vmem>> -> memref<80xi32, #tpu.memory_space<vmem>>
      %dma_start3A_89 = tpu.memref_slice %arg4[%add3A_79] : memref<160000xi32, #tpu.memory_space<hbm>> -> memref<80xi32, #tpu.memory_space<hbm>>
      tpu.enqueue_dma source(%dma_start3A_89 : memref<80xi32, #tpu.memory_space<hbm>>) target(%dma_start3A_88 : memref<80xi32, #tpu.memory_space<vmem>>) target_semaphore(%dma_start3A_85 : memref<!tpu.dma_semaphore, #tpu.memory_space<semaphore_mem>>)
      %dma_start3A_90 = arith.constant 0 : i32
      %dma_start3A_91 = tpu.memref_slice %arg10[%rem3A_77, %dma_start3A_90] : memref<5x80xi32, #tpu.memory_space<vmem>> -> memref<1x80xi32, #tpu.memory_space<vmem>>
      %dma_start3A_92 = tpu.memref_squeeze %dma_start3A_91 : memref<1x80xi32, #tpu.memory_space<vmem>> -> memref<80xi32, #tpu.memory_space<vmem>>
      %dma_start3A_93 = tpu.memref_slice %arg5[%add3A_79] : memref<160000xi32, #tpu.memory_space<hbm>> -> memref<80xi32, #tpu.memory_space<hbm>>
      %dma_start3A_94 = tpu.memref_slice %arg13[%rem3A_77] : memref<5x!tpu.dma_semaphore, #tpu.memory_space<semaphore_mem>> -> memref<1x!tpu.dma_semaphore, #tpu.memory_space<semaphore_mem>>
      %dma_start3A_95 = tpu.memref_squeeze %dma_start3A_94 : memref<1x!tpu.dma_semaphore, #tpu.memory_space<semaphore_mem>> -> memref<!tpu.dma_semaphore, #tpu.memory_space<semaphore_mem>>
      %dma_start3A_96 = arith.constant 0 : i32
      %dma_start3A_97 = tpu.memref_slice %arg10[%rem3A_77, %dma_start3A_96] : memref<5x80xi32, #tpu.memory_space<vmem>> -> memref<1x80xi32, #tpu.memory_space<vmem>>
      %dma_start3A_98 = tpu.memref_squeeze %dma_start3A_97 : memref<1x80xi32, #tpu.memory_space<vmem>> -> memref<80xi32, #tpu.memory_space<vmem>>
      %dma_start3A_99 = tpu.memref_slice %arg5[%add3A_79] : memref<160000xi32, #tpu.memory_space<hbm>> -> memref<80xi32, #tpu.memory_space<hbm>>
      tpu.enqueue_dma source(%dma_start3A_99 : memref<80xi32, #tpu.memory_space<hbm>>) target(%dma_start3A_98 : memref<80xi32, #tpu.memory_space<vmem>>) target_semaphore(%dma_start3A_95 : memref<!tpu.dma_semaphore, #tpu.memory_space<semaphore_mem>>)
      %rem3A_100 = arith.constant 0 : i32
      %rem3A_101 = arith.constant 5 : i32
      %rem3A_102 = arith.remsi %rem3A_100, %rem3A_101 : i32
      %dma_wait3A = arith.constant 0 : i32
      %dma_wait3A_103 = tpu.memref_slice %arg9[%rem3A_102, %dma_wait3A] : memref<5x80xi32, #tpu.memory_space<vmem>> -> memref<1x80xi32, #tpu.memory_space<vmem>>
      %dma_wait3A_104 = tpu.memref_squeeze %dma_wait3A_103 : memref<1x80xi32, #tpu.memory_space<vmem>> -> memref<80xi32, #tpu.memory_space<vmem>>
      %dma_wait3A_105 = tpu.memref_slice %arg4[%mul3A_6] : memref<160000xi32, #tpu.memory_space<hbm>> -> memref<80xi32, #tpu.memory_space<hbm>>
      %dma_wait3A_106 = tpu.memref_slice %arg13[%rem3A_102] : memref<5x!tpu.dma_semaphore, #tpu.memory_space<semaphore_mem>> -> memref<1x!tpu.dma_semaphore, #tpu.memory_space<semaphore_mem>>
      %dma_wait3A_107 = tpu.memref_squeeze %dma_wait3A_106 : memref<1x!tpu.dma_semaphore, #tpu.memory_space<semaphore_mem>> -> memref<!tpu.dma_semaphore, #tpu.memory_space<semaphore_mem>>
      %dma_wait3A_108 = arith.constant 0 : i32
      %dma_wait3A_109 = tpu.memref_slice %arg9[%rem3A_102, %dma_wait3A_108] : memref<5x80xi32, #tpu.memory_space<vmem>> -> memref<1x80xi32, #tpu.memory_space<vmem>>
      %dma_wait3A_110 = tpu.memref_squeeze %dma_wait3A_109 : memref<1x80xi32, #tpu.memory_space<vmem>> -> memref<80xi32, #tpu.memory_space<vmem>>
      %dma_wait3A_111 = tpu.memref_slice %arg4[%mul3A_6] : memref<160000xi32, #tpu.memory_space<hbm>> -> memref<80xi32, #tpu.memory_space<hbm>>
      tpu.wait_dma2 semaphore(%dma_wait3A_107 : memref<!tpu.dma_semaphore, #tpu.memory_space<semaphore_mem>>) src(%dma_wait3A_111 : memref<80xi32, #tpu.memory_space<hbm>>) dst(%dma_wait3A_110 : memref<80xi32, #tpu.memory_space<vmem>>)
      %dma_wait3A_112 = arith.constant 0 : i32
      %dma_wait3A_113 = tpu.memref_slice %arg10[%rem3A_102, %dma_wait3A_112] : memref<5x80xi32, #tpu.memory_space<vmem>> -> memref<1x80xi32, #tpu.memory_space<vmem>>
      %dma_wait3A_114 = tpu.memref_squeeze %dma_wait3A_113 : memref<1x80xi32, #tpu.memory_space<vmem>> -> memref<80xi32, #tpu.memory_space<vmem>>
      %dma_wait3A_115 = tpu.memref_slice %arg5[%mul3A_6] : memref<160000xi32, #tpu.memory_space<hbm>> -> memref<80xi32, #tpu.memory_space<hbm>>
      %dma_wait3A_116 = tpu.memref_slice %arg13[%rem3A_102] : memref<5x!tpu.dma_semaphore, #tpu.memory_space<semaphore_mem>> -> memref<1x!tpu.dma_semaphore, #tpu.memory_space<semaphore_mem>>
      %dma_wait3A_117 = tpu.memref_squeeze %dma_wait3A_116 : memref<1x!tpu.dma_semaphore, #tpu.memory_space<semaphore_mem>> -> memref<!tpu.dma_semaphore, #tpu.memory_space<semaphore_mem>>
      %dma_wait3A_118 = arith.constant 0 : i32
      %dma_wait3A_119 = tpu.memref_slice %arg10[%rem3A_102, %dma_wait3A_118] : memref<5x80xi32, #tpu.memory_space<vmem>> -> memref<1x80xi32, #tpu.memory_space<vmem>>
      %dma_wait3A_120 = tpu.memref_squeeze %dma_wait3A_119 : memref<1x80xi32, #tpu.memory_space<vmem>> -> memref<80xi32, #tpu.memory_space<vmem>>
      %dma_wait3A_121 = tpu.memref_slice %arg5[%mul3A_6] : memref<160000xi32, #tpu.memory_space<hbm>> -> memref<80xi32, #tpu.memory_space<hbm>>
      tpu.wait_dma2 semaphore(%dma_wait3A_117 : memref<!tpu.dma_semaphore, #tpu.memory_space<semaphore_mem>>) src(%dma_wait3A_121 : memref<80xi32, #tpu.memory_space<hbm>>) dst(%dma_wait3A_120 : memref<80xi32, #tpu.memory_space<vmem>>)
      %rem3A_122 = arith.constant 0 : i32
      %rem3A_123 = arith.constant 5 : i32
      %rem3A_124 = arith.remsi %rem3A_122, %rem3A_123 : i32
      %rem3A_125 = arith.constant 0 : i32
      %rem3A_126 = arith.constant 4 : i32
      %rem3A_127 = arith.remsi %rem3A_125, %rem3A_126 : i32
      %rem3A_128 = arith.constant 0 : i32
      %rem3A_129 = arith.constant 4 : i32
      %rem3A_130 = arith.remsi %rem3A_128, %rem3A_129 : i32
      %dma_start3A_131 = arith.constant 0 : i32
      %dma_start3A_132 = arith.constant 0 : i32
      %dma_start3A_133 = tpu.memref_slice %arg11[%rem3A_127, %dma_start3A_131, %dma_start3A_132] : memref<4x80x128xf32, #tpu.memory_space<vmem>> -> memref<1x80x128xf32, #tpu.memory_space<vmem>>
      %dma_start3A_134 = tpu.memref_squeeze %dma_start3A_133 : memref<1x80x128xf32, #tpu.memory_space<vmem>> -> memref<80x128xf32, #tpu.memory_space<vmem>>
      %dma_start3A_135 = arith.constant 0 : i32
      %dma_start3A_136 = tpu.memref_slice %arg9[%rem3A_124, %dma_start3A_135] : memref<5x80xi32, #tpu.memory_space<vmem>> -> memref<1x80xi32, #tpu.memory_space<vmem>>
      %dma_start3A_137 = tpu.memref_squeeze %dma_start3A_136 : memref<1x80xi32, #tpu.memory_space<vmem>> -> memref<80xi32, #tpu.memory_space<vmem>>
      %dma_start3A_138 = arith.constant 0 : i32
      %dma_start3A_139 = arith.constant 0 : i32
      %dma_start3A_140 = tpu.memref_slice %arg2[%dma_start3A_138, %dma_start3A_139] : memref<10000x128xf32, #tpu.memory_space<hbm>> -> memref<10000x128xf32, #tpu.memory_space<hbm>>
      %dma_start3A_141 = tpu.memref_slice %arg14[%rem3A_130] : memref<4x!tpu.dma_semaphore, #tpu.memory_space<semaphore_mem>> -> memref<1x!tpu.dma_semaphore, #tpu.memory_space<semaphore_mem>>
      %dma_start3A_142 = tpu.memref_squeeze %dma_start3A_141 : memref<1x!tpu.dma_semaphore, #tpu.memory_space<semaphore_mem>> -> memref<!tpu.dma_semaphore, #tpu.memory_space<semaphore_mem>>
      tpu.enqueue_indirect_dma source(%dma_start3A_140 : memref<10000x128xf32, #tpu.memory_space<hbm>>) target(%dma_start3A_134 : memref<80x128xf32, #tpu.memory_space<vmem>>) offsets(%dma_start3A_137 : memref<80xi32, #tpu.memory_space<vmem>>) semaphore(%dma_start3A_142 : memref<!tpu.dma_semaphore, #tpu.memory_space<semaphore_mem>>)
      %rem3A_143 = arith.constant 1 : i32
      %rem3A_144 = arith.constant 5 : i32
      %rem3A_145 = arith.remsi %rem3A_143, %rem3A_144 : i32
      %dma_wait3A_146 = arith.constant 0 : i32
      %dma_wait3A_147 = tpu.memref_slice %arg9[%rem3A_145, %dma_wait3A_146] : memref<5x80xi32, #tpu.memory_space<vmem>> -> memref<1x80xi32, #tpu.memory_space<vmem>>
      %dma_wait3A_148 = tpu.memref_squeeze %dma_wait3A_147 : memref<1x80xi32, #tpu.memory_space<vmem>> -> memref<80xi32, #tpu.memory_space<vmem>>
      %dma_wait3A_149 = tpu.memref_slice %arg4[%mul3A_6] : memref<160000xi32, #tpu.memory_space<hbm>> -> memref<80xi32, #tpu.memory_space<hbm>>
      %dma_wait3A_150 = tpu.memref_slice %arg13[%rem3A_145] : memref<5x!tpu.dma_semaphore, #tpu.memory_space<semaphore_mem>> -> memref<1x!tpu.dma_semaphore, #tpu.memory_space<semaphore_mem>>
      %dma_wait3A_151 = tpu.memref_squeeze %dma_wait3A_150 : memref<1x!tpu.dma_semaphore, #tpu.memory_space<semaphore_mem>> -> memref<!tpu.dma_semaphore, #tpu.memory_space<semaphore_mem>>
      %dma_wait3A_152 = arith.constant 0 : i32
      %dma_wait3A_153 = tpu.memref_slice %arg9[%rem3A_145, %dma_wait3A_152] : memref<5x80xi32, #tpu.memory_space<vmem>> -> memref<1x80xi32, #tpu.memory_space<vmem>>
      %dma_wait3A_154 = tpu.memref_squeeze %dma_wait3A_153 : memref<1x80xi32, #tpu.memory_space<vmem>> -> memref<80xi32, #tpu.memory_space<vmem>>
      %dma_wait3A_155 = tpu.memref_slice %arg4[%mul3A_6] : memref<160000xi32, #tpu.memory_space<hbm>> -> memref<80xi32, #tpu.memory_space<hbm>>
      tpu.wait_dma2 semaphore(%dma_wait3A_151 : memref<!tpu.dma_semaphore, #tpu.memory_space<semaphore_mem>>) src(%dma_wait3A_155 : memref<80xi32, #tpu.memory_space<hbm>>) dst(%dma_wait3A_154 : memref<80xi32, #tpu.memory_space<vmem>>)
      %dma_wait3A_156 = arith.constant 0 : i32
      %dma_wait3A_157 = tpu.memref_slice %arg10[%rem3A_145, %dma_wait3A_156] : memref<5x80xi32, #tpu.memory_space<vmem>> -> memref<1x80xi32, #tpu.memory_space<vmem>>
      %dma_wait3A_158 = tpu.memref_squeeze %dma_wait3A_157 : memref<1x80xi32, #tpu.memory_space<vmem>> -> memref<80xi32, #tpu.memory_space<vmem>>
      %dma_wait3A_159 = tpu.memref_slice %arg5[%mul3A_6] : memref<160000xi32, #tpu.memory_space<hbm>> -> memref<80xi32, #tpu.memory_space<hbm>>
      %dma_wait3A_160 = tpu.memref_slice %arg13[%rem3A_145] : memref<5x!tpu.dma_semaphore, #tpu.memory_space<semaphore_mem>> -> memref<1x!tpu.dma_semaphore, #tpu.memory_space<semaphore_mem>>
      %dma_wait3A_161 = tpu.memref_squeeze %dma_wait3A_160 : memref<1x!tpu.dma_semaphore, #tpu.memory_space<semaphore_mem>> -> memref<!tpu.dma_semaphore, #tpu.memory_space<semaphore_mem>>
      %dma_wait3A_162 = arith.constant 0 : i32
      %dma_wait3A_163 = tpu.memref_slice %arg10[%rem3A_145, %dma_wait3A_162] : memref<5x80xi32, #tpu.memory_space<vmem>> -> memref<1x80xi32, #tpu.memory_space<vmem>>
      %dma_wait3A_164 = tpu.memref_squeeze %dma_wait3A_163 : memref<1x80xi32, #tpu.memory_space<vmem>> -> memref<80xi32, #tpu.memory_space<vmem>>
      %dma_wait3A_165 = tpu.memref_slice %arg5[%mul3A_6] : memref<160000xi32, #tpu.memory_space<hbm>> -> memref<80xi32, #tpu.memory_space<hbm>>
      tpu.wait_dma2 semaphore(%dma_wait3A_161 : memref<!tpu.dma_semaphore, #tpu.memory_space<semaphore_mem>>) src(%dma_wait3A_165 : memref<80xi32, #tpu.memory_space<hbm>>) dst(%dma_wait3A_164 : memref<80xi32, #tpu.memory_space<vmem>>)
      %rem3A_166 = arith.constant 1 : i32
      %rem3A_167 = arith.constant 5 : i32
      %rem3A_168 = arith.remsi %rem3A_166, %rem3A_167 : i32
      %rem3A_169 = arith.constant 1 : i32
      %rem3A_170 = arith.constant 4 : i32
      %rem3A_171 = arith.remsi %rem3A_169, %rem3A_170 : i32
      %rem3A_172 = arith.constant 1 : i32
      %rem3A_173 = arith.constant 4 : i32
      %rem3A_174 = arith.remsi %rem3A_172, %rem3A_173 : i32
      %dma_start3A_175 = arith.constant 0 : i32
      %dma_start3A_176 = arith.constant 0 : i32
      %dma_start3A_177 = tpu.memref_slice %arg11[%rem3A_171, %dma_start3A_175, %dma_start3A_176] : memref<4x80x128xf32, #tpu.memory_space<vmem>> -> memref<1x80x128xf32, #tpu.memory_space<vmem>>
      %dma_start3A_178 = tpu.memref_squeeze %dma_start3A_177 : memref<1x80x128xf32, #tpu.memory_space<vmem>> -> memref<80x128xf32, #tpu.memory_space<vmem>>
      %dma_start3A_179 = arith.constant 0 : i32
      %dma_start3A_180 = tpu.memref_slice %arg9[%rem3A_168, %dma_start3A_179] : memref<5x80xi32, #tpu.memory_space<vmem>> -> memref<1x80xi32, #tpu.memory_space<vmem>>
      %dma_start3A_181 = tpu.memref_squeeze %dma_start3A_180 : memref<1x80xi32, #tpu.memory_space<vmem>> -> memref<80xi32, #tpu.memory_space<vmem>>
      %dma_start3A_182 = arith.constant 0 : i32
      %dma_start3A_183 = arith.constant 0 : i32
      %dma_start3A_184 = tpu.memref_slice %arg2[%dma_start3A_182, %dma_start3A_183] : memref<10000x128xf32, #tpu.memory_space<hbm>> -> memref<10000x128xf32, #tpu.memory_space<hbm>>
      %dma_start3A_185 = tpu.memref_slice %arg14[%rem3A_174] : memref<4x!tpu.dma_semaphore, #tpu.memory_space<semaphore_mem>> -> memref<1x!tpu.dma_semaphore, #tpu.memory_space<semaphore_mem>>
      %dma_start3A_186 = tpu.memref_squeeze %dma_start3A_185 : memref<1x!tpu.dma_semaphore, #tpu.memory_space<semaphore_mem>> -> memref<!tpu.dma_semaphore, #tpu.memory_space<semaphore_mem>>
      tpu.enqueue_indirect_dma source(%dma_start3A_184 : memref<10000x128xf32, #tpu.memory_space<hbm>>) target(%dma_start3A_178 : memref<80x128xf32, #tpu.memory_space<vmem>>) offsets(%dma_start3A_181 : memref<80xi32, #tpu.memory_space<vmem>>) semaphore(%dma_start3A_186 : memref<!tpu.dma_semaphore, #tpu.memory_space<semaphore_mem>>)
      %scan3A = arith.constant 0 : i32
      %scan3A_187 = arith.constant 0 : i32
      %scan3A_188 = arith.constant 125 : i32
      %scan3A_189 = arith.addi %scan3A_187, %scan3A_188 : i32
      %scan3A_190 = arith.constant 1 : i32
      scf.for %scan3A_234 = %scan3A_187 to %scan3A_189 step %scan3A_190  : i32 {
        %ge3A = arith.constant 2 : i32
        %ge3A_235 = arith.cmpi sge, %scan3A_234, %ge3A : i32
        %convert_element_type3A_236 = arith.extui %ge3A_235 : i1 to i32
        %cond3A_237 = arith.constant 0 : i32
        %cond3A_238 = arith.cmpi ne, %convert_element_type3A_236, %cond3A_237 : i32
        scf.if %cond3A_238 {
          %sub3A = arith.constant 2 : i32
          %sub3A_289 = arith.subi %scan3A_234, %sub3A : i32
          %rem3A_290 = arith.constant 4 : i32
          %rem3A_291 = arith.remsi %sub3A_289, %rem3A_290 : i32
          %rem3A_292 = arith.constant 5 : i32
          %rem3A_293 = arith.remsi %sub3A_289, %rem3A_292 : i32
          %rem3A_294 = arith.constant 4 : i32
          %rem3A_295 = arith.remsi %sub3A_289, %rem3A_294 : i32
          %dma_wait3A_296 = arith.constant 0 : i32
          %dma_wait3A_297 = arith.constant 0 : i32
          %dma_wait3A_298 = tpu.memref_slice %arg11[%rem3A_291, %dma_wait3A_296, %dma_wait3A_297] : memref<4x80x128xf32, #tpu.memory_space<vmem>> -> memref<1x80x128xf32, #tpu.memory_space<vmem>>
          %dma_wait3A_299 = tpu.memref_squeeze %dma_wait3A_298 : memref<1x80x128xf32, #tpu.memory_space<vmem>> -> memref<80x128xf32, #tpu.memory_space<vmem>>
          %dma_wait3A_300 = arith.constant 0 : i32
          %dma_wait3A_301 = tpu.memref_slice %arg10[%rem3A_293, %dma_wait3A_300] : memref<5x80xi32, #tpu.memory_space<vmem>> -> memref<1x80xi32, #tpu.memory_space<vmem>>
          %dma_wait3A_302 = tpu.memref_squeeze %dma_wait3A_301 : memref<1x80xi32, #tpu.memory_space<vmem>> -> memref<80xi32, #tpu.memory_space<vmem>>
          %dma_wait3A_303 = arith.constant 0 : i32
          %dma_wait3A_304 = arith.constant 0 : i32
          %dma_wait3A_305 = tpu.memref_slice %arg12[%dma_wait3A_303, %dma_wait3A_304] : memref<10000x128xf32, #tpu.memory_space<vmem_shared>> -> memref<10000x128xf32, #tpu.memory_space<vmem_shared>>
          %dma_wait3A_306 = tpu.memref_slice %arg15[%rem3A_295] : memref<4x!tpu.dma_semaphore, #tpu.memory_space<semaphore_mem>> -> memref<1x!tpu.dma_semaphore, #tpu.memory_space<semaphore_mem>>
          %dma_wait3A_307 = tpu.memref_squeeze %dma_wait3A_306 : memref<1x!tpu.dma_semaphore, #tpu.memory_space<semaphore_mem>> -> memref<!tpu.dma_semaphore, #tpu.memory_space<semaphore_mem>>
          tpu.wait_indirect_dma semaphore(%dma_wait3A_307 : memref<!tpu.dma_semaphore, #tpu.memory_space<semaphore_mem>>) src(%dma_wait3A_299 : memref<80x128xf32, #tpu.memory_space<vmem>>) dst(%dma_wait3A_305 : memref<10000x128xf32, #tpu.memory_space<vmem_shared>>)
        } else {
        }
        %add3A_239 = arith.constant 3 : i32
        %add3A_240 = arith.addi %scan3A_234, %add3A_239 : i32
        %lt3A_241 = arith.constant 125 : i32
        %lt3A_242 = arith.cmpi slt, %add3A_240, %lt3A_241 : i32
        %convert_element_type3A_243 = arith.extui %lt3A_242 : i1 to i32
        %cond3A_244 = arith.constant 0 : i32
        %cond3A_245 = arith.cmpi ne, %convert_element_type3A_243, %cond3A_244 : i32
        scf.if %cond3A_245 {
          %add3A_289 = arith.constant 3 : i32
          %add3A_290 = arith.addi %scan3A_234, %add3A_289 : i32
          %rem3A_291 = arith.constant 5 : i32
          %rem3A_292 = arith.remsi %add3A_290, %rem3A_291 : i32
          %mul3A_293 = arith.constant 80 : i32
          %mul3A_294 = arith.muli %add3A_290, %mul3A_293 : i32
          %add3A_295 = arith.addi %mul3A_6, %mul3A_294 : i32
          %dma_start3A_296 = arith.constant 0 : i32
          %dma_start3A_297 = tpu.memref_slice %arg9[%rem3A_292, %dma_start3A_296] : memref<5x80xi32, #tpu.memory_space<vmem>> -> memref<1x80xi32, #tpu.memory_space<vmem>>
          %dma_start3A_298 = tpu.memref_squeeze %dma_start3A_297 : memref<1x80xi32, #tpu.memory_space<vmem>> -> memref<80xi32, #tpu.memory_space<vmem>>
          %dma_start3A_299 = tpu.memref_slice %arg4[%add3A_295] : memref<160000xi32, #tpu.memory_space<hbm>> -> memref<80xi32, #tpu.memory_space<hbm>>
          %dma_start3A_300 = tpu.memref_slice %arg13[%rem3A_292] : memref<5x!tpu.dma_semaphore, #tpu.memory_space<semaphore_mem>> -> memref<1x!tpu.dma_semaphore, #tpu.memory_space<semaphore_mem>>
          %dma_start3A_301 = tpu.memref_squeeze %dma_start3A_300 : memref<1x!tpu.dma_semaphore, #tpu.memory_space<semaphore_mem>> -> memref<!tpu.dma_semaphore, #tpu.memory_space<semaphore_mem>>
          %dma_start3A_302 = arith.constant 0 : i32
          %dma_start3A_303 = tpu.memref_slice %arg9[%rem3A_292, %dma_start3A_302] : memref<5x80xi32, #tpu.memory_space<vmem>> -> memref<1x80xi32, #tpu.memory_space<vmem>>
          %dma_start3A_304 = tpu.memref_squeeze %dma_start3A_303 : memref<1x80xi32, #tpu.memory_space<vmem>> -> memref<80xi32, #tpu.memory_space<vmem>>
          %dma_start3A_305 = tpu.memref_slice %arg4[%add3A_295] : memref<160000xi32, #tpu.memory_space<hbm>> -> memref<80xi32, #tpu.memory_space<hbm>>
          tpu.enqueue_dma source(%dma_start3A_305 : memref<80xi32, #tpu.memory_space<hbm>>) target(%dma_start3A_304 : memref<80xi32, #tpu.memory_space<vmem>>) target_semaphore(%dma_start3A_301 : memref<!tpu.dma_semaphore, #tpu.memory_space<semaphore_mem>>)
          %dma_start3A_306 = arith.constant 0 : i32
          %dma_start3A_307 = tpu.memref_slice %arg10[%rem3A_292, %dma_start3A_306] : memref<5x80xi32, #tpu.memory_space<vmem>> -> memref<1x80xi32, #tpu.memory_space<vmem>>
          %dma_start3A_308 = tpu.memref_squeeze %dma_start3A_307 : memref<1x80xi32, #tpu.memory_space<vmem>> -> memref<80xi32, #tpu.memory_space<vmem>>
          %dma_start3A_309 = tpu.memref_slice %arg5[%add3A_295] : memref<160000xi32, #tpu.memory_space<hbm>> -> memref<80xi32, #tpu.memory_space<hbm>>
          %dma_start3A_310 = tpu.memref_slice %arg13[%rem3A_292] : memref<5x!tpu.dma_semaphore, #tpu.memory_space<semaphore_mem>> -> memref<1x!tpu.dma_semaphore, #tpu.memory_space<semaphore_mem>>
          %dma_start3A_311 = tpu.memref_squeeze %dma_start3A_310 : memref<1x!tpu.dma_semaphore, #tpu.memory_space<semaphore_mem>> -> memref<!tpu.dma_semaphore, #tpu.memory_space<semaphore_mem>>
          %dma_start3A_312 = arith.constant 0 : i32
          %dma_start3A_313 = tpu.memref_slice %arg10[%rem3A_292, %dma_start3A_312] : memref<5x80xi32, #tpu.memory_space<vmem>> -> memref<1x80xi32, #tpu.memory_space<vmem>>
          %dma_start3A_314 = tpu.memref_squeeze %dma_start3A_313 : memref<1x80xi32, #tpu.memory_space<vmem>> -> memref<80xi32, #tpu.memory_space<vmem>>
          %dma_start3A_315 = tpu.memref_slice %arg5[%add3A_295] : memref<160000xi32, #tpu.memory_space<hbm>> -> memref<80xi32, #tpu.memory_space<hbm>>
          tpu.enqueue_dma source(%dma_start3A_315 : memref<80xi32, #tpu.memory_space<hbm>>) target(%dma_start3A_314 : memref<80xi32, #tpu.memory_space<vmem>>) target_semaphore(%dma_start3A_311 : memref<!tpu.dma_semaphore, #tpu.memory_space<semaphore_mem>>)
        } else {
        }
        %add3A_246 = arith.constant 2 : i32
        %add3A_247 = arith.addi %scan3A_234, %add3A_246 : i32
        %lt3A_248 = arith.constant 125 : i32
        %lt3A_249 = arith.cmpi slt, %add3A_247, %lt3A_248 : i32
        %convert_element_type3A_250 = arith.extui %lt3A_249 : i1 to i32
        %cond3A_251 = arith.constant 0 : i32
        %cond3A_252 = arith.cmpi ne, %convert_element_type3A_250, %cond3A_251 : i32
        scf.if %cond3A_252 {
          %add3A_289 = arith.constant 2 : i32
          %add3A_290 = arith.addi %scan3A_234, %add3A_289 : i32
          %rem3A_291 = arith.constant 5 : i32
          %rem3A_292 = arith.remsi %add3A_290, %rem3A_291 : i32
          %dma_wait3A_293 = arith.constant 0 : i32
          %dma_wait3A_294 = tpu.memref_slice %arg9[%rem3A_292, %dma_wait3A_293] : memref<5x80xi32, #tpu.memory_space<vmem>> -> memref<1x80xi32, #tpu.memory_space<vmem>>
          %dma_wait3A_295 = tpu.memref_squeeze %dma_wait3A_294 : memref<1x80xi32, #tpu.memory_space<vmem>> -> memref<80xi32, #tpu.memory_space<vmem>>
          %dma_wait3A_296 = tpu.memref_slice %arg4[%mul3A_6] : memref<160000xi32, #tpu.memory_space<hbm>> -> memref<80xi32, #tpu.memory_space<hbm>>
          %dma_wait3A_297 = tpu.memref_slice %arg13[%rem3A_292] : memref<5x!tpu.dma_semaphore, #tpu.memory_space<semaphore_mem>> -> memref<1x!tpu.dma_semaphore, #tpu.memory_space<semaphore_mem>>
          %dma_wait3A_298 = tpu.memref_squeeze %dma_wait3A_297 : memref<1x!tpu.dma_semaphore, #tpu.memory_space<semaphore_mem>> -> memref<!tpu.dma_semaphore, #tpu.memory_space<semaphore_mem>>
          %dma_wait3A_299 = arith.constant 0 : i32
          %dma_wait3A_300 = tpu.memref_slice %arg9[%rem3A_292, %dma_wait3A_299] : memref<5x80xi32, #tpu.memory_space<vmem>> -> memref<1x80xi32, #tpu.memory_space<vmem>>
          %dma_wait3A_301 = tpu.memref_squeeze %dma_wait3A_300 : memref<1x80xi32, #tpu.memory_space<vmem>> -> memref<80xi32, #tpu.memory_space<vmem>>
          %dma_wait3A_302 = tpu.memref_slice %arg4[%mul3A_6] : memref<160000xi32, #tpu.memory_space<hbm>> -> memref<80xi32, #tpu.memory_space<hbm>>
          tpu.wait_dma2 semaphore(%dma_wait3A_298 : memref<!tpu.dma_semaphore, #tpu.memory_space<semaphore_mem>>) src(%dma_wait3A_302 : memref<80xi32, #tpu.memory_space<hbm>>) dst(%dma_wait3A_301 : memref<80xi32, #tpu.memory_space<vmem>>)
          %dma_wait3A_303 = arith.constant 0 : i32
          %dma_wait3A_304 = tpu.memref_slice %arg10[%rem3A_292, %dma_wait3A_303] : memref<5x80xi32, #tpu.memory_space<vmem>> -> memref<1x80xi32, #tpu.memory_space<vmem>>
          %dma_wait3A_305 = tpu.memref_squeeze %dma_wait3A_304 : memref<1x80xi32, #tpu.memory_space<vmem>> -> memref<80xi32, #tpu.memory_space<vmem>>
          %dma_wait3A_306 = tpu.memref_slice %arg5[%mul3A_6] : memref<160000xi32, #tpu.memory_space<hbm>> -> memref<80xi32, #tpu.memory_space<hbm>>
          %dma_wait3A_307 = tpu.memref_slice %arg13[%rem3A_292] : memref<5x!tpu.dma_semaphore, #tpu.memory_space<semaphore_mem>> -> memref<1x!tpu.dma_semaphore, #tpu.memory_space<semaphore_mem>>
          %dma_wait3A_308 = tpu.memref_squeeze %dma_wait3A_307 : memref<1x!tpu.dma_semaphore, #tpu.memory_space<semaphore_mem>> -> memref<!tpu.dma_semaphore, #tpu.memory_space<semaphore_mem>>
          %dma_wait3A_309 = arith.constant 0 : i32
          %dma_wait3A_310 = tpu.memref_slice %arg10[%rem3A_292, %dma_wait3A_309] : memref<5x80xi32, #tpu.memory_space<vmem>> -> memref<1x80xi32, #tpu.memory_space<vmem>>
          %dma_wait3A_311 = tpu.memref_squeeze %dma_wait3A_310 : memref<1x80xi32, #tpu.memory_space<vmem>> -> memref<80xi32, #tpu.memory_space<vmem>>
          %dma_wait3A_312 = tpu.memref_slice %arg5[%mul3A_6] : memref<160000xi32, #tpu.memory_space<hbm>> -> memref<80xi32, #tpu.memory_space<hbm>>
          tpu.wait_dma2 semaphore(%dma_wait3A_308 : memref<!tpu.dma_semaphore, #tpu.memory_space<semaphore_mem>>) src(%dma_wait3A_312 : memref<80xi32, #tpu.memory_space<hbm>>) dst(%dma_wait3A_311 : memref<80xi32, #tpu.memory_space<vmem>>)
          %add3A_313 = arith.constant 2 : i32
          %add3A_314 = arith.addi %scan3A_234, %add3A_313 : i32
          %rem3A_315 = arith.constant 5 : i32
          %rem3A_316 = arith.remsi %add3A_314, %rem3A_315 : i32
          %rem3A_317 = arith.constant 4 : i32
          %rem3A_318 = arith.remsi %add3A_314, %rem3A_317 : i32
          %rem3A_319 = arith.constant 4 : i32
          %rem3A_320 = arith.remsi %add3A_314, %rem3A_319 : i32
          %dma_start3A_321 = arith.constant 0 : i32
          %dma_start3A_322 = arith.constant 0 : i32
          %dma_start3A_323 = tpu.memref_slice %arg11[%rem3A_318, %dma_start3A_321, %dma_start3A_322] : memref<4x80x128xf32, #tpu.memory_space<vmem>> -> memref<1x80x128xf32, #tpu.memory_space<vmem>>
          %dma_start3A_324 = tpu.memref_squeeze %dma_start3A_323 : memref<1x80x128xf32, #tpu.memory_space<vmem>> -> memref<80x128xf32, #tpu.memory_space<vmem>>
          %dma_start3A_325 = arith.constant 0 : i32
          %dma_start3A_326 = tpu.memref_slice %arg9[%rem3A_316, %dma_start3A_325] : memref<5x80xi32, #tpu.memory_space<vmem>> -> memref<1x80xi32, #tpu.memory_space<vmem>>
          %dma_start3A_327 = tpu.memref_squeeze %dma_start3A_326 : memref<1x80xi32, #tpu.memory_space<vmem>> -> memref<80xi32, #tpu.memory_space<vmem>>
          %dma_start3A_328 = arith.constant 0 : i32
          %dma_start3A_329 = arith.constant 0 : i32
          %dma_start3A_330 = tpu.memref_slice %arg2[%dma_start3A_328, %dma_start3A_329] : memref<10000x128xf32, #tpu.memory_space<hbm>> -> memref<10000x128xf32, #tpu.memory_space<hbm>>
          %dma_start3A_331 = tpu.memref_slice %arg14[%rem3A_320] : memref<4x!tpu.dma_semaphore, #tpu.memory_space<semaphore_mem>> -> memref<1x!tpu.dma_semaphore, #tpu.memory_space<semaphore_mem>>
          %dma_start3A_332 = tpu.memref_squeeze %dma_start3A_331 : memref<1x!tpu.dma_semaphore, #tpu.memory_space<semaphore_mem>> -> memref<!tpu.dma_semaphore, #tpu.memory_space<semaphore_mem>>
          tpu.enqueue_indirect_dma source(%dma_start3A_330 : memref<10000x128xf32, #tpu.memory_space<hbm>>) target(%dma_start3A_324 : memref<80x128xf32, #tpu.memory_space<vmem>>) offsets(%dma_start3A_327 : memref<80xi32, #tpu.memory_space<vmem>>) semaphore(%dma_start3A_332 : memref<!tpu.dma_semaphore, #tpu.memory_space<semaphore_mem>>)
        } else {
        }
        %rem3A_253 = arith.constant 5 : i32
        %rem3A_254 = arith.remsi %scan3A_234, %rem3A_253 : i32
        %rem3A_255 = arith.constant 4 : i32
        %rem3A_256 = arith.remsi %scan3A_234, %rem3A_255 : i32
        %rem3A_257 = arith.constant 4 : i32
        %rem3A_258 = arith.remsi %scan3A_234, %rem3A_257 : i32
        %dma_wait3A_259 = arith.constant 0 : i32
        %dma_wait3A_260 = arith.constant 0 : i32
        %dma_wait3A_261 = tpu.memref_slice %arg11[%rem3A_256, %dma_wait3A_259, %dma_wait3A_260] : memref<4x80x128xf32, #tpu.memory_space<vmem>> -> memref<1x80x128xf32, #tpu.memory_space<vmem>>
        %dma_wait3A_262 = tpu.memref_squeeze %dma_wait3A_261 : memref<1x80x128xf32, #tpu.memory_space<vmem>> -> memref<80x128xf32, #tpu.memory_space<vmem>>
        %dma_wait3A_263 = arith.constant 0 : i32
        %dma_wait3A_264 = tpu.memref_slice %arg9[%rem3A_254, %dma_wait3A_263] : memref<5x80xi32, #tpu.memory_space<vmem>> -> memref<1x80xi32, #tpu.memory_space<vmem>>
        %dma_wait3A_265 = tpu.memref_squeeze %dma_wait3A_264 : memref<1x80xi32, #tpu.memory_space<vmem>> -> memref<80xi32, #tpu.memory_space<vmem>>
        %dma_wait3A_266 = arith.constant 0 : i32
        %dma_wait3A_267 = arith.constant 0 : i32
        %dma_wait3A_268 = tpu.memref_slice %arg2[%dma_wait3A_266, %dma_wait3A_267] : memref<10000x128xf32, #tpu.memory_space<hbm>> -> memref<10000x128xf32, #tpu.memory_space<hbm>>
        %dma_wait3A_269 = tpu.memref_slice %arg14[%rem3A_258] : memref<4x!tpu.dma_semaphore, #tpu.memory_space<semaphore_mem>> -> memref<1x!tpu.dma_semaphore, #tpu.memory_space<semaphore_mem>>
        %dma_wait3A_270 = tpu.memref_squeeze %dma_wait3A_269 : memref<1x!tpu.dma_semaphore, #tpu.memory_space<semaphore_mem>> -> memref<!tpu.dma_semaphore, #tpu.memory_space<semaphore_mem>>
        tpu.wait_indirect_dma semaphore(%dma_wait3A_270 : memref<!tpu.dma_semaphore, #tpu.memory_space<semaphore_mem>>) src(%dma_wait3A_268 : memref<10000x128xf32, #tpu.memory_space<hbm>>) dst(%dma_wait3A_262 : memref<80x128xf32, #tpu.memory_space<vmem>>)
        %rem3A_271 = arith.constant 4 : i32
        %rem3A_272 = arith.remsi %scan3A_234, %rem3A_271 : i32
        %rem3A_273 = arith.constant 5 : i32
        %rem3A_274 = arith.remsi %scan3A_234, %rem3A_273 : i32
        %rem3A_275 = arith.constant 4 : i32
        %rem3A_276 = arith.remsi %scan3A_234, %rem3A_275 : i32
        %dma_start3A_277 = arith.constant 0 : i32
        %dma_start3A_278 = arith.constant 0 : i32
        %dma_start3A_279 = tpu.memref_slice %arg11[%rem3A_272, %dma_start3A_277, %dma_start3A_278] : memref<4x80x128xf32, #tpu.memory_space<vmem>> -> memref<1x80x128xf32, #tpu.memory_space<vmem>>
        %dma_start3A_280 = tpu.memref_squeeze %dma_start3A_279 : memref<1x80x128xf32, #tpu.memory_space<vmem>> -> memref<80x128xf32, #tpu.memory_space<vmem>>
        %dma_start3A_281 = arith.constant 0 : i32
        %dma_start3A_282 = tpu.memref_slice %arg10[%rem3A_274, %dma_start3A_281] : memref<5x80xi32, #tpu.memory_space<vmem>> -> memref<1x80xi32, #tpu.memory_space<vmem>>
        %dma_start3A_283 = tpu.memref_squeeze %dma_start3A_282 : memref<1x80xi32, #tpu.memory_space<vmem>> -> memref<80xi32, #tpu.memory_space<vmem>>
        %dma_start3A_284 = arith.constant 0 : i32
        %dma_start3A_285 = arith.constant 0 : i32
        %dma_start3A_286 = tpu.memref_slice %arg12[%dma_start3A_284, %dma_start3A_285] : memref<10000x128xf32, #tpu.memory_space<vmem_shared>> -> memref<10000x128xf32, #tpu.memory_space<vmem_shared>>
        %dma_start3A_287 = tpu.memref_slice %arg15[%rem3A_276] : memref<4x!tpu.dma_semaphore, #tpu.memory_space<semaphore_mem>> -> memref<1x!tpu.dma_semaphore, #tpu.memory_space<semaphore_mem>>
        %dma_start3A_288 = tpu.memref_squeeze %dma_start3A_287 : memref<1x!tpu.dma_semaphore, #tpu.memory_space<semaphore_mem>> -> memref<!tpu.dma_semaphore, #tpu.memory_space<semaphore_mem>>
        tpu.enqueue_indirect_dma source(%dma_start3A_280 : memref<80x128xf32, #tpu.memory_space<vmem>>) target(%dma_start3A_286 : memref<10000x128xf32, #tpu.memory_space<vmem_shared>>) offsets(%dma_start3A_283 : memref<80xi32, #tpu.memory_space<vmem>>) semaphore(%dma_start3A_288 : memref<!tpu.dma_semaphore, #tpu.memory_space<semaphore_mem>>) {add = true}
      }
      %scan3A_191 = arith.constant 125 : i32
      %rem3A_192 = arith.constant 123 : i32
      %rem3A_193 = arith.constant 4 : i32
      %rem3A_194 = arith.remsi %rem3A_192, %rem3A_193 : i32
      %rem3A_195 = arith.constant 123 : i32
      %rem3A_196 = arith.constant 5 : i32
      %rem3A_197 = arith.remsi %rem3A_195, %rem3A_196 : i32
      %rem3A_198 = arith.constant 123 : i32
      %rem3A_199 = arith.constant 4 : i32
      %rem3A_200 = arith.remsi %rem3A_198, %rem3A_199 : i32
      %dma_wait3A_201 = arith.constant 0 : i32
      %dma_wait3A_202 = arith.constant 0 : i32
      %dma_wait3A_203 = tpu.memref_slice %arg11[%rem3A_194, %dma_wait3A_201, %dma_wait3A_202] : memref<4x80x128xf32, #tpu.memory_space<vmem>> -> memref<1x80x128xf32, #tpu.memory_space<vmem>>
      %dma_wait3A_204 = tpu.memref_squeeze %dma_wait3A_203 : memref<1x80x128xf32, #tpu.memory_space<vmem>> -> memref<80x128xf32, #tpu.memory_space<vmem>>
      %dma_wait3A_205 = arith.constant 0 : i32
      %dma_wait3A_206 = tpu.memref_slice %arg10[%rem3A_197, %dma_wait3A_205] : memref<5x80xi32, #tpu.memory_space<vmem>> -> memref<1x80xi32, #tpu.memory_space<vmem>>
      %dma_wait3A_207 = tpu.memref_squeeze %dma_wait3A_206 : memref<1x80xi32, #tpu.memory_space<vmem>> -> memref<80xi32, #tpu.memory_space<vmem>>
      %dma_wait3A_208 = arith.constant 0 : i32
      %dma_wait3A_209 = arith.constant 0 : i32
      %dma_wait3A_210 = tpu.memref_slice %arg12[%dma_wait3A_208, %dma_wait3A_209] : memref<10000x128xf32, #tpu.memory_space<vmem_shared>> -> memref<10000x128xf32, #tpu.memory_space<vmem_shared>>
      %dma_wait3A_211 = tpu.memref_slice %arg15[%rem3A_200] : memref<4x!tpu.dma_semaphore, #tpu.memory_space<semaphore_mem>> -> memref<1x!tpu.dma_semaphore, #tpu.memory_space<semaphore_mem>>
      %dma_wait3A_212 = tpu.memref_squeeze %dma_wait3A_211 : memref<1x!tpu.dma_semaphore, #tpu.memory_space<semaphore_mem>> -> memref<!tpu.dma_semaphore, #tpu.memory_space<semaphore_mem>>
      tpu.wait_indirect_dma semaphore(%dma_wait3A_212 : memref<!tpu.dma_semaphore, #tpu.memory_space<semaphore_mem>>) src(%dma_wait3A_204 : memref<80x128xf32, #tpu.memory_space<vmem>>) dst(%dma_wait3A_210 : memref<10000x128xf32, #tpu.memory_space<vmem_shared>>)
      %rem3A_213 = arith.constant 124 : i32
      %rem3A_214 = arith.constant 4 : i32
      %rem3A_215 = arith.remsi %rem3A_213, %rem3A_214 : i32
      %rem3A_216 = arith.constant 124 : i32
      %rem3A_217 = arith.constant 5 : i32
      %rem3A_218 = arith.remsi %rem3A_216, %rem3A_217 : i32
      %rem3A_219 = arith.constant 124 : i32
      %rem3A_220 = arith.constant 4 : i32
      %rem3A_221 = arith.remsi %rem3A_219, %rem3A_220 : i32
      %dma_wait3A_222 = arith.constant 0 : i32
      %dma_wait3A_223 = arith.constant 0 : i32
      %dma_wait3A_224 = tpu.memref_slice %arg11[%rem3A_215, %dma_wait3A_222, %dma_wait3A_223] : memref<4x80x128xf32, #tpu.memory_space<vmem>> -> memref<1x80x128xf32, #tpu.memory_space<vmem>>
      %dma_wait3A_225 = tpu.memref_squeeze %dma_wait3A_224 : memref<1x80x128xf32, #tpu.memory_space<vmem>> -> memref<80x128xf32, #tpu.memory_space<vmem>>
      %dma_wait3A_226 = arith.constant 0 : i32
      %dma_wait3A_227 = tpu.memref_slice %arg10[%rem3A_218, %dma_wait3A_226] : memref<5x80xi32, #tpu.memory_space<vmem>> -> memref<1x80xi32, #tpu.memory_space<vmem>>
      %dma_wait3A_228 = tpu.memref_squeeze %dma_wait3A_227 : memref<1x80xi32, #tpu.memory_space<vmem>> -> memref<80xi32, #tpu.memory_space<vmem>>
      %dma_wait3A_229 = arith.constant 0 : i32
      %dma_wait3A_230 = arith.constant 0 : i32
      %dma_wait3A_231 = tpu.memref_slice %arg12[%dma_wait3A_229, %dma_wait3A_230] : memref<10000x128xf32, #tpu.memory_space<vmem_shared>> -> memref<10000x128xf32, #tpu.memory_space<vmem_shared>>
      %dma_wait3A_232 = tpu.memref_slice %arg15[%rem3A_221] : memref<4x!tpu.dma_semaphore, #tpu.memory_space<semaphore_mem>> -> memref<1x!tpu.dma_semaphore, #tpu.memory_space<semaphore_mem>>
      %dma_wait3A_233 = tpu.memref_squeeze %dma_wait3A_232 : memref<1x!tpu.dma_semaphore, #tpu.memory_space<semaphore_mem>> -> memref<!tpu.dma_semaphore, #tpu.memory_space<semaphore_mem>>
      tpu.wait_indirect_dma semaphore(%dma_wait3A_233 : memref<!tpu.dma_semaphore, #tpu.memory_space<semaphore_mem>>) src(%dma_wait3A_225 : memref<80x128xf32, #tpu.memory_space<vmem>>) dst(%dma_wait3A_231 : memref<10000x128xf32, #tpu.memory_space<vmem_shared>>)
    } else {
    }
    %eq3A_12 = arith.constant 1 : i32
    %eq3A_13 = arith.cmpi eq, %arg0, %eq3A_12 : i32
    %convert_element_type3A_14 = arith.extui %eq3A_13 : i1 to i32
    %cond3A_15 = arith.constant 0 : i32
    %cond3A_16 = arith.cmpi ne, %convert_element_type3A_14, %cond3A_15 : i32
    scf.if %cond3A_16 {
      %rem3A = arith.constant 0 : i32
      %rem3A_28 = arith.constant 5 : i32
      %rem3A_29 = arith.remsi %rem3A, %rem3A_28 : i32
      %add3A = arith.constant 0 : i32
      %add3A_30 = arith.addi %mul3A_6, %add3A : i32
      %dma_start3A = arith.constant 0 : i32
      %dma_start3A_31 = tpu.memref_slice %arg9[%rem3A_29, %dma_start3A] : memref<5x80xi32, #tpu.memory_space<vmem>> -> memref<1x80xi32, #tpu.memory_space<vmem>>
      %dma_start3A_32 = tpu.memref_squeeze %dma_start3A_31 : memref<1x80xi32, #tpu.memory_space<vmem>> -> memref<80xi32, #tpu.memory_space<vmem>>
      %dma_start3A_33 = tpu.memref_slice %arg4[%add3A_30] : memref<160000xi32, #tpu.memory_space<hbm>> -> memref<80xi32, #tpu.memory_space<hbm>>
      %dma_start3A_34 = tpu.memref_slice %arg13[%rem3A_29] : memref<5x!tpu.dma_semaphore, #tpu.memory_space<semaphore_mem>> -> memref<1x!tpu.dma_semaphore, #tpu.memory_space<semaphore_mem>>
      %dma_start3A_35 = tpu.memref_squeeze %dma_start3A_34 : memref<1x!tpu.dma_semaphore, #tpu.memory_space<semaphore_mem>> -> memref<!tpu.dma_semaphore, #tpu.memory_space<semaphore_mem>>
      %dma_start3A_36 = arith.constant 0 : i32
      %dma_start3A_37 = tpu.memref_slice %arg9[%rem3A_29, %dma_start3A_36] : memref<5x80xi32, #tpu.memory_space<vmem>> -> memref<1x80xi32, #tpu.memory_space<vmem>>
      %dma_start3A_38 = tpu.memref_squeeze %dma_start3A_37 : memref<1x80xi32, #tpu.memory_space<vmem>> -> memref<80xi32, #tpu.memory_space<vmem>>
      %dma_start3A_39 = tpu.memref_slice %arg4[%add3A_30] : memref<160000xi32, #tpu.memory_space<hbm>> -> memref<80xi32, #tpu.memory_space<hbm>>
      tpu.enqueue_dma source(%dma_start3A_39 : memref<80xi32, #tpu.memory_space<hbm>>) target(%dma_start3A_38 : memref<80xi32, #tpu.memory_space<vmem>>) target_semaphore(%dma_start3A_35 : memref<!tpu.dma_semaphore, #tpu.memory_space<semaphore_mem>>)
      %dma_start3A_40 = arith.constant 0 : i32
      %dma_start3A_41 = tpu.memref_slice %arg10[%rem3A_29, %dma_start3A_40] : memref<5x80xi32, #tpu.memory_space<vmem>> -> memref<1x80xi32, #tpu.memory_space<vmem>>
      %dma_start3A_42 = tpu.memref_squeeze %dma_start3A_41 : memref<1x80xi32, #tpu.memory_space<vmem>> -> memref<80xi32, #tpu.memory_space<vmem>>
      %dma_start3A_43 = tpu.memref_slice %arg5[%add3A_30] : memref<160000xi32, #tpu.memory_space<hbm>> -> memref<80xi32, #tpu.memory_space<hbm>>
      %dma_start3A_44 = tpu.memref_slice %arg13[%rem3A_29] : memref<5x!tpu.dma_semaphore, #tpu.memory_space<semaphore_mem>> -> memref<1x!tpu.dma_semaphore, #tpu.memory_space<semaphore_mem>>
      %dma_start3A_45 = tpu.memref_squeeze %dma_start3A_44 : memref<1x!tpu.dma_semaphore, #tpu.memory_space<semaphore_mem>> -> memref<!tpu.dma_semaphore, #tpu.memory_space<semaphore_mem>>
      %dma_start3A_46 = arith.constant 0 : i32
      %dma_start3A_47 = tpu.memref_slice %arg10[%rem3A_29, %dma_start3A_46] : memref<5x80xi32, #tpu.memory_space<vmem>> -> memref<1x80xi32, #tpu.memory_space<vmem>>
      %dma_start3A_48 = tpu.memref_squeeze %dma_start3A_47 : memref<1x80xi32, #tpu.memory_space<vmem>> -> memref<80xi32, #tpu.memory_space<vmem>>
      %dma_start3A_49 = tpu.memref_slice %arg5[%add3A_30] : memref<160000xi32, #tpu.memory_space<hbm>> -> memref<80xi32, #tpu.memory_space<hbm>>
      tpu.enqueue_dma source(%dma_start3A_49 : memref<80xi32, #tpu.memory_space<hbm>>) target(%dma_start3A_48 : memref<80xi32, #tpu.memory_space<vmem>>) target_semaphore(%dma_start3A_45 : memref<!tpu.dma_semaphore, #tpu.memory_space<semaphore_mem>>)
      %rem3A_50 = arith.constant 1 : i32
      %rem3A_51 = arith.constant 5 : i32
      %rem3A_52 = arith.remsi %rem3A_50, %rem3A_51 : i32
      %add3A_53 = arith.constant 80 : i32
      %add3A_54 = arith.addi %mul3A_6, %add3A_53 : i32
      %dma_start3A_55 = arith.constant 0 : i32
      %dma_start3A_56 = tpu.memref_slice %arg9[%rem3A_52, %dma_start3A_55] : memref<5x80xi32, #tpu.memory_space<vmem>> -> memref<1x80xi32, #tpu.memory_space<vmem>>
      %dma_start3A_57 = tpu.memref_squeeze %dma_start3A_56 : memref<1x80xi32, #tpu.memory_space<vmem>> -> memref<80xi32, #tpu.memory_space<vmem>>
      %dma_start3A_58 = tpu.memref_slice %arg4[%add3A_54] : memref<160000xi32, #tpu.memory_space<hbm>> -> memref<80xi32, #tpu.memory_space<hbm>>
      %dma_start3A_59 = tpu.memref_slice %arg13[%rem3A_52] : memref<5x!tpu.dma_semaphore, #tpu.memory_space<semaphore_mem>> -> memref<1x!tpu.dma_semaphore, #tpu.memory_space<semaphore_mem>>
      %dma_start3A_60 = tpu.memref_squeeze %dma_start3A_59 : memref<1x!tpu.dma_semaphore, #tpu.memory_space<semaphore_mem>> -> memref<!tpu.dma_semaphore, #tpu.memory_space<semaphore_mem>>
      %dma_start3A_61 = arith.constant 0 : i32
      %dma_start3A_62 = tpu.memref_slice %arg9[%rem3A_52, %dma_start3A_61] : memref<5x80xi32, #tpu.memory_space<vmem>> -> memref<1x80xi32, #tpu.memory_space<vmem>>
      %dma_start3A_63 = tpu.memref_squeeze %dma_start3A_62 : memref<1x80xi32, #tpu.memory_space<vmem>> -> memref<80xi32, #tpu.memory_space<vmem>>
      %dma_start3A_64 = tpu.memref_slice %arg4[%add3A_54] : memref<160000xi32, #tpu.memory_space<hbm>> -> memref<80xi32, #tpu.memory_space<hbm>>
      tpu.enqueue_dma source(%dma_start3A_64 : memref<80xi32, #tpu.memory_space<hbm>>) target(%dma_start3A_63 : memref<80xi32, #tpu.memory_space<vmem>>) target_semaphore(%dma_start3A_60 : memref<!tpu.dma_semaphore, #tpu.memory_space<semaphore_mem>>)
      %dma_start3A_65 = arith.constant 0 : i32
      %dma_start3A_66 = tpu.memref_slice %arg10[%rem3A_52, %dma_start3A_65] : memref<5x80xi32, #tpu.memory_space<vmem>> -> memref<1x80xi32, #tpu.memory_space<vmem>>
      %dma_start3A_67 = tpu.memref_squeeze %dma_start3A_66 : memref<1x80xi32, #tpu.memory_space<vmem>> -> memref<80xi32, #tpu.memory_space<vmem>>
      %dma_start3A_68 = tpu.memref_slice %arg5[%add3A_54] : memref<160000xi32, #tpu.memory_space<hbm>> -> memref<80xi32, #tpu.memory_space<hbm>>
      %dma_start3A_69 = tpu.memref_slice %arg13[%rem3A_52] : memref<5x!tpu.dma_semaphore, #tpu.memory_space<semaphore_mem>> -> memref<1x!tpu.dma_semaphore, #tpu.memory_space<semaphore_mem>>
      %dma_start3A_70 = tpu.memref_squeeze %dma_start3A_69 : memref<1x!tpu.dma_semaphore, #tpu.memory_space<semaphore_mem>> -> memref<!tpu.dma_semaphore, #tpu.memory_space<semaphore_mem>>
      %dma_start3A_71 = arith.constant 0 : i32
      %dma_start3A_72 = tpu.memref_slice %arg10[%rem3A_52, %dma_start3A_71] : memref<5x80xi32, #tpu.memory_space<vmem>> -> memref<1x80xi32, #tpu.memory_space<vmem>>
      %dma_start3A_73 = tpu.memref_squeeze %dma_start3A_72 : memref<1x80xi32, #tpu.memory_space<vmem>> -> memref<80xi32, #tpu.memory_space<vmem>>
      %dma_start3A_74 = tpu.memref_slice %arg5[%add3A_54] : memref<160000xi32, #tpu.memory_space<hbm>> -> memref<80xi32, #tpu.memory_space<hbm>>
      tpu.enqueue_dma source(%dma_start3A_74 : memref<80xi32, #tpu.memory_space<hbm>>) target(%dma_start3A_73 : memref<80xi32, #tpu.memory_space<vmem>>) target_semaphore(%dma_start3A_70 : memref<!tpu.dma_semaphore, #tpu.memory_space<semaphore_mem>>)
      %rem3A_75 = arith.constant 2 : i32
      %rem3A_76 = arith.constant 5 : i32
      %rem3A_77 = arith.remsi %rem3A_75, %rem3A_76 : i32
      %add3A_78 = arith.constant 160 : i32
      %add3A_79 = arith.addi %mul3A_6, %add3A_78 : i32
      %dma_start3A_80 = arith.constant 0 : i32
      %dma_start3A_81 = tpu.memref_slice %arg9[%rem3A_77, %dma_start3A_80] : memref<5x80xi32, #tpu.memory_space<vmem>> -> memref<1x80xi32, #tpu.memory_space<vmem>>
      %dma_start3A_82 = tpu.memref_squeeze %dma_start3A_81 : memref<1x80xi32, #tpu.memory_space<vmem>> -> memref<80xi32, #tpu.memory_space<vmem>>
      %dma_start3A_83 = tpu.memref_slice %arg4[%add3A_79] : memref<160000xi32, #tpu.memory_space<hbm>> -> memref<80xi32, #tpu.memory_space<hbm>>
      %dma_start3A_84 = tpu.memref_slice %arg13[%rem3A_77] : memref<5x!tpu.dma_semaphore, #tpu.memory_space<semaphore_mem>> -> memref<1x!tpu.dma_semaphore, #tpu.memory_space<semaphore_mem>>
      %dma_start3A_85 = tpu.memref_squeeze %dma_start3A_84 : memref<1x!tpu.dma_semaphore, #tpu.memory_space<semaphore_mem>> -> memref<!tpu.dma_semaphore, #tpu.memory_space<semaphore_mem>>
      %dma_start3A_86 = arith.constant 0 : i32
      %dma_start3A_87 = tpu.memref_slice %arg9[%rem3A_77, %dma_start3A_86] : memref<5x80xi32, #tpu.memory_space<vmem>> -> memref<1x80xi32, #tpu.memory_space<vmem>>
      %dma_start3A_88 = tpu.memref_squeeze %dma_start3A_87 : memref<1x80xi32, #tpu.memory_space<vmem>> -> memref<80xi32, #tpu.memory_space<vmem>>
      %dma_start3A_89 = tpu.memref_slice %arg4[%add3A_79] : memref<160000xi32, #tpu.memory_space<hbm>> -> memref<80xi32, #tpu.memory_space<hbm>>
      tpu.enqueue_dma source(%dma_start3A_89 : memref<80xi32, #tpu.memory_space<hbm>>) target(%dma_start3A_88 : memref<80xi32, #tpu.memory_space<vmem>>) target_semaphore(%dma_start3A_85 : memref<!tpu.dma_semaphore, #tpu.memory_space<semaphore_mem>>)
      %dma_start3A_90 = arith.constant 0 : i32
      %dma_start3A_91 = tpu.memref_slice %arg10[%rem3A_77, %dma_start3A_90] : memref<5x80xi32, #tpu.memory_space<vmem>> -> memref<1x80xi32, #tpu.memory_space<vmem>>
      %dma_start3A_92 = tpu.memref_squeeze %dma_start3A_91 : memref<1x80xi32, #tpu.memory_space<vmem>> -> memref<80xi32, #tpu.memory_space<vmem>>
      %dma_start3A_93 = tpu.memref_slice %arg5[%add3A_79] : memref<160000xi32, #tpu.memory_space<hbm>> -> memref<80xi32, #tpu.memory_space<hbm>>
      %dma_start3A_94 = tpu.memref_slice %arg13[%rem3A_77] : memref<5x!tpu.dma_semaphore, #tpu.memory_space<semaphore_mem>> -> memref<1x!tpu.dma_semaphore, #tpu.memory_space<semaphore_mem>>
      %dma_start3A_95 = tpu.memref_squeeze %dma_start3A_94 : memref<1x!tpu.dma_semaphore, #tpu.memory_space<semaphore_mem>> -> memref<!tpu.dma_semaphore, #tpu.memory_space<semaphore_mem>>
      %dma_start3A_96 = arith.constant 0 : i32
      %dma_start3A_97 = tpu.memref_slice %arg10[%rem3A_77, %dma_start3A_96] : memref<5x80xi32, #tpu.memory_space<vmem>> -> memref<1x80xi32, #tpu.memory_space<vmem>>
      %dma_start3A_98 = tpu.memref_squeeze %dma_start3A_97 : memref<1x80xi32, #tpu.memory_space<vmem>> -> memref<80xi32, #tpu.memory_space<vmem>>
      %dma_start3A_99 = tpu.memref_slice %arg5[%add3A_79] : memref<160000xi32, #tpu.memory_space<hbm>> -> memref<80xi32, #tpu.memory_space<hbm>>
      tpu.enqueue_dma source(%dma_start3A_99 : memref<80xi32, #tpu.memory_space<hbm>>) target(%dma_start3A_98 : memref<80xi32, #tpu.memory_space<vmem>>) target_semaphore(%dma_start3A_95 : memref<!tpu.dma_semaphore, #tpu.memory_space<semaphore_mem>>)
      %rem3A_100 = arith.constant 0 : i32
      %rem3A_101 = arith.constant 5 : i32
      %rem3A_102 = arith.remsi %rem3A_100, %rem3A_101 : i32
      %dma_wait3A = arith.constant 0 : i32
      %dma_wait3A_103 = tpu.memref_slice %arg9[%rem3A_102, %dma_wait3A] : memref<5x80xi32, #tpu.memory_space<vmem>> -> memref<1x80xi32, #tpu.memory_space<vmem>>
      %dma_wait3A_104 = tpu.memref_squeeze %dma_wait3A_103 : memref<1x80xi32, #tpu.memory_space<vmem>> -> memref<80xi32, #tpu.memory_space<vmem>>
      %dma_wait3A_105 = tpu.memref_slice %arg4[%mul3A_6] : memref<160000xi32, #tpu.memory_space<hbm>> -> memref<80xi32, #tpu.memory_space<hbm>>
      %dma_wait3A_106 = tpu.memref_slice %arg13[%rem3A_102] : memref<5x!tpu.dma_semaphore, #tpu.memory_space<semaphore_mem>> -> memref<1x!tpu.dma_semaphore, #tpu.memory_space<semaphore_mem>>
      %dma_wait3A_107 = tpu.memref_squeeze %dma_wait3A_106 : memref<1x!tpu.dma_semaphore, #tpu.memory_space<semaphore_mem>> -> memref<!tpu.dma_semaphore, #tpu.memory_space<semaphore_mem>>
      %dma_wait3A_108 = arith.constant 0 : i32
      %dma_wait3A_109 = tpu.memref_slice %arg9[%rem3A_102, %dma_wait3A_108] : memref<5x80xi32, #tpu.memory_space<vmem>> -> memref<1x80xi32, #tpu.memory_space<vmem>>
      %dma_wait3A_110 = tpu.memref_squeeze %dma_wait3A_109 : memref<1x80xi32, #tpu.memory_space<vmem>> -> memref<80xi32, #tpu.memory_space<vmem>>
      %dma_wait3A_111 = tpu.memref_slice %arg4[%mul3A_6] : memref<160000xi32, #tpu.memory_space<hbm>> -> memref<80xi32, #tpu.memory_space<hbm>>
      tpu.wait_dma2 semaphore(%dma_wait3A_107 : memref<!tpu.dma_semaphore, #tpu.memory_space<semaphore_mem>>) src(%dma_wait3A_111 : memref<80xi32, #tpu.memory_space<hbm>>) dst(%dma_wait3A_110 : memref<80xi32, #tpu.memory_space<vmem>>)
      %dma_wait3A_112 = arith.constant 0 : i32
      %dma_wait3A_113 = tpu.memref_slice %arg10[%rem3A_102, %dma_wait3A_112] : memref<5x80xi32, #tpu.memory_space<vmem>> -> memref<1x80xi32, #tpu.memory_space<vmem>>
      %dma_wait3A_114 = tpu.memref_squeeze %dma_wait3A_113 : memref<1x80xi32, #tpu.memory_space<vmem>> -> memref<80xi32, #tpu.memory_space<vmem>>
      %dma_wait3A_115 = tpu.memref_slice %arg5[%mul3A_6] : memref<160000xi32, #tpu.memory_space<hbm>> -> memref<80xi32, #tpu.memory_space<hbm>>
      %dma_wait3A_116 = tpu.memref_slice %arg13[%rem3A_102] : memref<5x!tpu.dma_semaphore, #tpu.memory_space<semaphore_mem>> -> memref<1x!tpu.dma_semaphore, #tpu.memory_space<semaphore_mem>>
      %dma_wait3A_117 = tpu.memref_squeeze %dma_wait3A_116 : memref<1x!tpu.dma_semaphore, #tpu.memory_space<semaphore_mem>> -> memref<!tpu.dma_semaphore, #tpu.memory_space<semaphore_mem>>
      %dma_wait3A_118 = arith.constant 0 : i32
      %dma_wait3A_119 = tpu.memref_slice %arg10[%rem3A_102, %dma_wait3A_118] : memref<5x80xi32, #tpu.memory_space<vmem>> -> memref<1x80xi32, #tpu.memory_space<vmem>>
      %dma_wait3A_120 = tpu.memref_squeeze %dma_wait3A_119 : memref<1x80xi32, #tpu.memory_space<vmem>> -> memref<80xi32, #tpu.memory_space<vmem>>
      %dma_wait3A_121 = tpu.memref_slice %arg5[%mul3A_6] : memref<160000xi32, #tpu.memory_space<hbm>> -> memref<80xi32, #tpu.memory_space<hbm>>
      tpu.wait_dma2 semaphore(%dma_wait3A_117 : memref<!tpu.dma_semaphore, #tpu.memory_space<semaphore_mem>>) src(%dma_wait3A_121 : memref<80xi32, #tpu.memory_space<hbm>>) dst(%dma_wait3A_120 : memref<80xi32, #tpu.memory_space<vmem>>)
      %rem3A_122 = arith.constant 0 : i32
      %rem3A_123 = arith.constant 5 : i32
      %rem3A_124 = arith.remsi %rem3A_122, %rem3A_123 : i32
      %rem3A_125 = arith.constant 0 : i32
      %rem3A_126 = arith.constant 4 : i32
      %rem3A_127 = arith.remsi %rem3A_125, %rem3A_126 : i32
      %rem3A_128 = arith.constant 0 : i32
      %rem3A_129 = arith.constant 4 : i32
      %rem3A_130 = arith.remsi %rem3A_128, %rem3A_129 : i32
      %dma_start3A_131 = arith.constant 0 : i32
      %dma_start3A_132 = arith.constant 0 : i32
      %dma_start3A_133 = tpu.memref_slice %arg11[%rem3A_127, %dma_start3A_131, %dma_start3A_132] : memref<4x80x128xf32, #tpu.memory_space<vmem>> -> memref<1x80x128xf32, #tpu.memory_space<vmem>>
      %dma_start3A_134 = tpu.memref_squeeze %dma_start3A_133 : memref<1x80x128xf32, #tpu.memory_space<vmem>> -> memref<80x128xf32, #tpu.memory_space<vmem>>
      %dma_start3A_135 = arith.constant 0 : i32
      %dma_start3A_136 = tpu.memref_slice %arg9[%rem3A_124, %dma_start3A_135] : memref<5x80xi32, #tpu.memory_space<vmem>> -> memref<1x80xi32, #tpu.memory_space<vmem>>
      %dma_start3A_137 = tpu.memref_squeeze %dma_start3A_136 : memref<1x80xi32, #tpu.memory_space<vmem>> -> memref<80xi32, #tpu.memory_space<vmem>>
      %dma_start3A_138 = arith.constant 0 : i32
      %dma_start3A_139 = arith.constant 0 : i32
      %dma_start3A_140 = tpu.memref_slice %arg3[%dma_start3A_138, %dma_start3A_139] : memref<10000x128xf32, #tpu.memory_space<hbm>> -> memref<10000x128xf32, #tpu.memory_space<hbm>>
      %dma_start3A_141 = tpu.memref_slice %arg14[%rem3A_130] : memref<4x!tpu.dma_semaphore, #tpu.memory_space<semaphore_mem>> -> memref<1x!tpu.dma_semaphore, #tpu.memory_space<semaphore_mem>>
      %dma_start3A_142 = tpu.memref_squeeze %dma_start3A_141 : memref<1x!tpu.dma_semaphore, #tpu.memory_space<semaphore_mem>> -> memref<!tpu.dma_semaphore, #tpu.memory_space<semaphore_mem>>
      tpu.enqueue_indirect_dma source(%dma_start3A_140 : memref<10000x128xf32, #tpu.memory_space<hbm>>) target(%dma_start3A_134 : memref<80x128xf32, #tpu.memory_space<vmem>>) offsets(%dma_start3A_137 : memref<80xi32, #tpu.memory_space<vmem>>) semaphore(%dma_start3A_142 : memref<!tpu.dma_semaphore, #tpu.memory_space<semaphore_mem>>)
      %rem3A_143 = arith.constant 1 : i32
      %rem3A_144 = arith.constant 5 : i32
      %rem3A_145 = arith.remsi %rem3A_143, %rem3A_144 : i32
      %dma_wait3A_146 = arith.constant 0 : i32
      %dma_wait3A_147 = tpu.memref_slice %arg9[%rem3A_145, %dma_wait3A_146] : memref<5x80xi32, #tpu.memory_space<vmem>> -> memref<1x80xi32, #tpu.memory_space<vmem>>
      %dma_wait3A_148 = tpu.memref_squeeze %dma_wait3A_147 : memref<1x80xi32, #tpu.memory_space<vmem>> -> memref<80xi32, #tpu.memory_space<vmem>>
      %dma_wait3A_149 = tpu.memref_slice %arg4[%mul3A_6] : memref<160000xi32, #tpu.memory_space<hbm>> -> memref<80xi32, #tpu.memory_space<hbm>>
      %dma_wait3A_150 = tpu.memref_slice %arg13[%rem3A_145] : memref<5x!tpu.dma_semaphore, #tpu.memory_space<semaphore_mem>> -> memref<1x!tpu.dma_semaphore, #tpu.memory_space<semaphore_mem>>
      %dma_wait3A_151 = tpu.memref_squeeze %dma_wait3A_150 : memref<1x!tpu.dma_semaphore, #tpu.memory_space<semaphore_mem>> -> memref<!tpu.dma_semaphore, #tpu.memory_space<semaphore_mem>>
      %dma_wait3A_152 = arith.constant 0 : i32
      %dma_wait3A_153 = tpu.memref_slice %arg9[%rem3A_145, %dma_wait3A_152] : memref<5x80xi32, #tpu.memory_space<vmem>> -> memref<1x80xi32, #tpu.memory_space<vmem>>
      %dma_wait3A_154 = tpu.memref_squeeze %dma_wait3A_153 : memref<1x80xi32, #tpu.memory_space<vmem>> -> memref<80xi32, #tpu.memory_space<vmem>>
      %dma_wait3A_155 = tpu.memref_slice %arg4[%mul3A_6] : memref<160000xi32, #tpu.memory_space<hbm>> -> memref<80xi32, #tpu.memory_space<hbm>>
      tpu.wait_dma2 semaphore(%dma_wait3A_151 : memref<!tpu.dma_semaphore, #tpu.memory_space<semaphore_mem>>) src(%dma_wait3A_155 : memref<80xi32, #tpu.memory_space<hbm>>) dst(%dma_wait3A_154 : memref<80xi32, #tpu.memory_space<vmem>>)
      %dma_wait3A_156 = arith.constant 0 : i32
      %dma_wait3A_157 = tpu.memref_slice %arg10[%rem3A_145, %dma_wait3A_156] : memref<5x80xi32, #tpu.memory_space<vmem>> -> memref<1x80xi32, #tpu.memory_space<vmem>>
      %dma_wait3A_158 = tpu.memref_squeeze %dma_wait3A_157 : memref<1x80xi32, #tpu.memory_space<vmem>> -> memref<80xi32, #tpu.memory_space<vmem>>
      %dma_wait3A_159 = tpu.memref_slice %arg5[%mul3A_6] : memref<160000xi32, #tpu.memory_space<hbm>> -> memref<80xi32, #tpu.memory_space<hbm>>
      %dma_wait3A_160 = tpu.memref_slice %arg13[%rem3A_145] : memref<5x!tpu.dma_semaphore, #tpu.memory_space<semaphore_mem>> -> memref<1x!tpu.dma_semaphore, #tpu.memory_space<semaphore_mem>>
      %dma_wait3A_161 = tpu.memref_squeeze %dma_wait3A_160 : memref<1x!tpu.dma_semaphore, #tpu.memory_space<semaphore_mem>> -> memref<!tpu.dma_semaphore, #tpu.memory_space<semaphore_mem>>
      %dma_wait3A_162 = arith.constant 0 : i32
      %dma_wait3A_163 = tpu.memref_slice %arg10[%rem3A_145, %dma_wait3A_162] : memref<5x80xi32, #tpu.memory_space<vmem>> -> memref<1x80xi32, #tpu.memory_space<vmem>>
      %dma_wait3A_164 = tpu.memref_squeeze %dma_wait3A_163 : memref<1x80xi32, #tpu.memory_space<vmem>> -> memref<80xi32, #tpu.memory_space<vmem>>
      %dma_wait3A_165 = tpu.memref_slice %arg5[%mul3A_6] : memref<160000xi32, #tpu.memory_space<hbm>> -> memref<80xi32, #tpu.memory_space<hbm>>
      tpu.wait_dma2 semaphore(%dma_wait3A_161 : memref<!tpu.dma_semaphore, #tpu.memory_space<semaphore_mem>>) src(%dma_wait3A_165 : memref<80xi32, #tpu.memory_space<hbm>>) dst(%dma_wait3A_164 : memref<80xi32, #tpu.memory_space<vmem>>)
      %rem3A_166 = arith.constant 1 : i32
      %rem3A_167 = arith.constant 5 : i32
      %rem3A_168 = arith.remsi %rem3A_166, %rem3A_167 : i32
      %rem3A_169 = arith.constant 1 : i32
      %rem3A_170 = arith.constant 4 : i32
      %rem3A_171 = arith.remsi %rem3A_169, %rem3A_170 : i32
      %rem3A_172 = arith.constant 1 : i32
      %rem3A_173 = arith.constant 4 : i32
      %rem3A_174 = arith.remsi %rem3A_172, %rem3A_173 : i32
      %dma_start3A_175 = arith.constant 0 : i32
      %dma_start3A_176 = arith.constant 0 : i32
      %dma_start3A_177 = tpu.memref_slice %arg11[%rem3A_171, %dma_start3A_175, %dma_start3A_176] : memref<4x80x128xf32, #tpu.memory_space<vmem>> -> memref<1x80x128xf32, #tpu.memory_space<vmem>>
      %dma_start3A_178 = tpu.memref_squeeze %dma_start3A_177 : memref<1x80x128xf32, #tpu.memory_space<vmem>> -> memref<80x128xf32, #tpu.memory_space<vmem>>
      %dma_start3A_179 = arith.constant 0 : i32
      %dma_start3A_180 = tpu.memref_slice %arg9[%rem3A_168, %dma_start3A_179] : memref<5x80xi32, #tpu.memory_space<vmem>> -> memref<1x80xi32, #tpu.memory_space<vmem>>
      %dma_start3A_181 = tpu.memref_squeeze %dma_start3A_180 : memref<1x80xi32, #tpu.memory_space<vmem>> -> memref<80xi32, #tpu.memory_space<vmem>>
      %dma_start3A_182 = arith.constant 0 : i32
      %dma_start3A_183 = arith.constant 0 : i32
      %dma_start3A_184 = tpu.memref_slice %arg3[%dma_start3A_182, %dma_start3A_183] : memref<10000x128xf32, #tpu.memory_space<hbm>> -> memref<10000x128xf32, #tpu.memory_space<hbm>>
      %dma_start3A_185 = tpu.memref_slice %arg14[%rem3A_174] : memref<4x!tpu.dma_semaphore, #tpu.memory_space<semaphore_mem>> -> memref<1x!tpu.dma_semaphore, #tpu.memory_space<semaphore_mem>>
      %dma_start3A_186 = tpu.memref_squeeze %dma_start3A_185 : memref<1x!tpu.dma_semaphore, #tpu.memory_space<semaphore_mem>> -> memref<!tpu.dma_semaphore, #tpu.memory_space<semaphore_mem>>
      tpu.enqueue_indirect_dma source(%dma_start3A_184 : memref<10000x128xf32, #tpu.memory_space<hbm>>) target(%dma_start3A_178 : memref<80x128xf32, #tpu.memory_space<vmem>>) offsets(%dma_start3A_181 : memref<80xi32, #tpu.memory_space<vmem>>) semaphore(%dma_start3A_186 : memref<!tpu.dma_semaphore, #tpu.memory_space<semaphore_mem>>)
      %scan3A = arith.constant 0 : i32
      %scan3A_187 = arith.constant 0 : i32
      %scan3A_188 = arith.constant 125 : i32
      %scan3A_189 = arith.addi %scan3A_187, %scan3A_188 : i32
      %scan3A_190 = arith.constant 1 : i32
      scf.for %scan3A_234 = %scan3A_187 to %scan3A_189 step %scan3A_190  : i32 {
        %ge3A = arith.constant 2 : i32
        %ge3A_235 = arith.cmpi sge, %scan3A_234, %ge3A : i32
        %convert_element_type3A_236 = arith.extui %ge3A_235 : i1 to i32
        %cond3A_237 = arith.constant 0 : i32
        %cond3A_238 = arith.cmpi ne, %convert_element_type3A_236, %cond3A_237 : i32
        scf.if %cond3A_238 {
          %sub3A = arith.constant 2 : i32
          %sub3A_289 = arith.subi %scan3A_234, %sub3A : i32
          %rem3A_290 = arith.constant 4 : i32
          %rem3A_291 = arith.remsi %sub3A_289, %rem3A_290 : i32
          %rem3A_292 = arith.constant 5 : i32
          %rem3A_293 = arith.remsi %sub3A_289, %rem3A_292 : i32
          %rem3A_294 = arith.constant 4 : i32
          %rem3A_295 = arith.remsi %sub3A_289, %rem3A_294 : i32
          %dma_wait3A_296 = arith.constant 0 : i32
          %dma_wait3A_297 = arith.constant 0 : i32
          %dma_wait3A_298 = tpu.memref_slice %arg11[%rem3A_291, %dma_wait3A_296, %dma_wait3A_297] : memref<4x80x128xf32, #tpu.memory_space<vmem>> -> memref<1x80x128xf32, #tpu.memory_space<vmem>>
          %dma_wait3A_299 = tpu.memref_squeeze %dma_wait3A_298 : memref<1x80x128xf32, #tpu.memory_space<vmem>> -> memref<80x128xf32, #tpu.memory_space<vmem>>
          %dma_wait3A_300 = arith.constant 0 : i32
          %dma_wait3A_301 = tpu.memref_slice %arg10[%rem3A_293, %dma_wait3A_300] : memref<5x80xi32, #tpu.memory_space<vmem>> -> memref<1x80xi32, #tpu.memory_space<vmem>>
          %dma_wait3A_302 = tpu.memref_squeeze %dma_wait3A_301 : memref<1x80xi32, #tpu.memory_space<vmem>> -> memref<80xi32, #tpu.memory_space<vmem>>
          %dma_wait3A_303 = arith.constant 0 : i32
          %dma_wait3A_304 = arith.constant 0 : i32
          %dma_wait3A_305 = tpu.memref_slice %arg12[%dma_wait3A_303, %dma_wait3A_304] : memref<10000x128xf32, #tpu.memory_space<vmem_shared>> -> memref<10000x128xf32, #tpu.memory_space<vmem_shared>>
          %dma_wait3A_306 = tpu.memref_slice %arg15[%rem3A_295] : memref<4x!tpu.dma_semaphore, #tpu.memory_space<semaphore_mem>> -> memref<1x!tpu.dma_semaphore, #tpu.memory_space<semaphore_mem>>
          %dma_wait3A_307 = tpu.memref_squeeze %dma_wait3A_306 : memref<1x!tpu.dma_semaphore, #tpu.memory_space<semaphore_mem>> -> memref<!tpu.dma_semaphore, #tpu.memory_space<semaphore_mem>>
          tpu.wait_indirect_dma semaphore(%dma_wait3A_307 : memref<!tpu.dma_semaphore, #tpu.memory_space<semaphore_mem>>) src(%dma_wait3A_299 : memref<80x128xf32, #tpu.memory_space<vmem>>) dst(%dma_wait3A_305 : memref<10000x128xf32, #tpu.memory_space<vmem_shared>>)
        } else {
        }
        %add3A_239 = arith.constant 3 : i32
        %add3A_240 = arith.addi %scan3A_234, %add3A_239 : i32
        %lt3A_241 = arith.constant 125 : i32
        %lt3A_242 = arith.cmpi slt, %add3A_240, %lt3A_241 : i32
        %convert_element_type3A_243 = arith.extui %lt3A_242 : i1 to i32
        %cond3A_244 = arith.constant 0 : i32
        %cond3A_245 = arith.cmpi ne, %convert_element_type3A_243, %cond3A_244 : i32
        scf.if %cond3A_245 {
          %add3A_289 = arith.constant 3 : i32
          %add3A_290 = arith.addi %scan3A_234, %add3A_289 : i32
          %rem3A_291 = arith.constant 5 : i32
          %rem3A_292 = arith.remsi %add3A_290, %rem3A_291 : i32
          %mul3A_293 = arith.constant 80 : i32
          %mul3A_294 = arith.muli %add3A_290, %mul3A_293 : i32
          %add3A_295 = arith.addi %mul3A_6, %mul3A_294 : i32
          %dma_start3A_296 = arith.constant 0 : i32
          %dma_start3A_297 = tpu.memref_slice %arg9[%rem3A_292, %dma_start3A_296] : memref<5x80xi32, #tpu.memory_space<vmem>> -> memref<1x80xi32, #tpu.memory_space<vmem>>
          %dma_start3A_298 = tpu.memref_squeeze %dma_start3A_297 : memref<1x80xi32, #tpu.memory_space<vmem>> -> memref<80xi32, #tpu.memory_space<vmem>>
          %dma_start3A_299 = tpu.memref_slice %arg4[%add3A_295] : memref<160000xi32, #tpu.memory_space<hbm>> -> memref<80xi32, #tpu.memory_space<hbm>>
          %dma_start3A_300 = tpu.memref_slice %arg13[%rem3A_292] : memref<5x!tpu.dma_semaphore, #tpu.memory_space<semaphore_mem>> -> memref<1x!tpu.dma_semaphore, #tpu.memory_space<semaphore_mem>>
          %dma_start3A_301 = tpu.memref_squeeze %dma_start3A_300 : memref<1x!tpu.dma_semaphore, #tpu.memory_space<semaphore_mem>> -> memref<!tpu.dma_semaphore, #tpu.memory_space<semaphore_mem>>
          %dma_start3A_302 = arith.constant 0 : i32
          %dma_start3A_303 = tpu.memref_slice %arg9[%rem3A_292, %dma_start3A_302] : memref<5x80xi32, #tpu.memory_space<vmem>> -> memref<1x80xi32, #tpu.memory_space<vmem>>
          %dma_start3A_304 = tpu.memref_squeeze %dma_start3A_303 : memref<1x80xi32, #tpu.memory_space<vmem>> -> memref<80xi32, #tpu.memory_space<vmem>>
          %dma_start3A_305 = tpu.memref_slice %arg4[%add3A_295] : memref<160000xi32, #tpu.memory_space<hbm>> -> memref<80xi32, #tpu.memory_space<hbm>>
          tpu.enqueue_dma source(%dma_start3A_305 : memref<80xi32, #tpu.memory_space<hbm>>) target(%dma_start3A_304 : memref<80xi32, #tpu.memory_space<vmem>>) target_semaphore(%dma_start3A_301 : memref<!tpu.dma_semaphore, #tpu.memory_space<semaphore_mem>>)
          %dma_start3A_306 = arith.constant 0 : i32
          %dma_start3A_307 = tpu.memref_slice %arg10[%rem3A_292, %dma_start3A_306] : memref<5x80xi32, #tpu.memory_space<vmem>> -> memref<1x80xi32, #tpu.memory_space<vmem>>
          %dma_start3A_308 = tpu.memref_squeeze %dma_start3A_307 : memref<1x80xi32, #tpu.memory_space<vmem>> -> memref<80xi32, #tpu.memory_space<vmem>>
          %dma_start3A_309 = tpu.memref_slice %arg5[%add3A_295] : memref<160000xi32, #tpu.memory_space<hbm>> -> memref<80xi32, #tpu.memory_space<hbm>>
          %dma_start3A_310 = tpu.memref_slice %arg13[%rem3A_292] : memref<5x!tpu.dma_semaphore, #tpu.memory_space<semaphore_mem>> -> memref<1x!tpu.dma_semaphore, #tpu.memory_space<semaphore_mem>>
          %dma_start3A_311 = tpu.memref_squeeze %dma_start3A_310 : memref<1x!tpu.dma_semaphore, #tpu.memory_space<semaphore_mem>> -> memref<!tpu.dma_semaphore, #tpu.memory_space<semaphore_mem>>
          %dma_start3A_312 = arith.constant 0 : i32
          %dma_start3A_313 = tpu.memref_slice %arg10[%rem3A_292, %dma_start3A_312] : memref<5x80xi32, #tpu.memory_space<vmem>> -> memref<1x80xi32, #tpu.memory_space<vmem>>
          %dma_start3A_314 = tpu.memref_squeeze %dma_start3A_313 : memref<1x80xi32, #tpu.memory_space<vmem>> -> memref<80xi32, #tpu.memory_space<vmem>>
          %dma_start3A_315 = tpu.memref_slice %arg5[%add3A_295] : memref<160000xi32, #tpu.memory_space<hbm>> -> memref<80xi32, #tpu.memory_space<hbm>>
          tpu.enqueue_dma source(%dma_start3A_315 : memref<80xi32, #tpu.memory_space<hbm>>) target(%dma_start3A_314 : memref<80xi32, #tpu.memory_space<vmem>>) target_semaphore(%dma_start3A_311 : memref<!tpu.dma_semaphore, #tpu.memory_space<semaphore_mem>>)
        } else {
        }
        %add3A_246 = arith.constant 2 : i32
        %add3A_247 = arith.addi %scan3A_234, %add3A_246 : i32
        %lt3A_248 = arith.constant 125 : i32
        %lt3A_249 = arith.cmpi slt, %add3A_247, %lt3A_248 : i32
        %convert_element_type3A_250 = arith.extui %lt3A_249 : i1 to i32
        %cond3A_251 = arith.constant 0 : i32
        %cond3A_252 = arith.cmpi ne, %convert_element_type3A_250, %cond3A_251 : i32
        scf.if %cond3A_252 {
          %add3A_289 = arith.constant 2 : i32
          %add3A_290 = arith.addi %scan3A_234, %add3A_289 : i32
          %rem3A_291 = arith.constant 5 : i32
          %rem3A_292 = arith.remsi %add3A_290, %rem3A_291 : i32
          %dma_wait3A_293 = arith.constant 0 : i32
          %dma_wait3A_294 = tpu.memref_slice %arg9[%rem3A_292, %dma_wait3A_293] : memref<5x80xi32, #tpu.memory_space<vmem>> -> memref<1x80xi32, #tpu.memory_space<vmem>>
          %dma_wait3A_295 = tpu.memref_squeeze %dma_wait3A_294 : memref<1x80xi32, #tpu.memory_space<vmem>> -> memref<80xi32, #tpu.memory_space<vmem>>
          %dma_wait3A_296 = tpu.memref_slice %arg4[%mul3A_6] : memref<160000xi32, #tpu.memory_space<hbm>> -> memref<80xi32, #tpu.memory_space<hbm>>
          %dma_wait3A_297 = tpu.memref_slice %arg13[%rem3A_292] : memref<5x!tpu.dma_semaphore, #tpu.memory_space<semaphore_mem>> -> memref<1x!tpu.dma_semaphore, #tpu.memory_space<semaphore_mem>>
          %dma_wait3A_298 = tpu.memref_squeeze %dma_wait3A_297 : memref<1x!tpu.dma_semaphore, #tpu.memory_space<semaphore_mem>> -> memref<!tpu.dma_semaphore, #tpu.memory_space<semaphore_mem>>
          %dma_wait3A_299 = arith.constant 0 : i32
          %dma_wait3A_300 = tpu.memref_slice %arg9[%rem3A_292, %dma_wait3A_299] : memref<5x80xi32, #tpu.memory_space<vmem>> -> memref<1x80xi32, #tpu.memory_space<vmem>>
          %dma_wait3A_301 = tpu.memref_squeeze %dma_wait3A_300 : memref<1x80xi32, #tpu.memory_space<vmem>> -> memref<80xi32, #tpu.memory_space<vmem>>
          %dma_wait3A_302 = tpu.memref_slice %arg4[%mul3A_6] : memref<160000xi32, #tpu.memory_space<hbm>> -> memref<80xi32, #tpu.memory_space<hbm>>
          tpu.wait_dma2 semaphore(%dma_wait3A_298 : memref<!tpu.dma_semaphore, #tpu.memory_space<semaphore_mem>>) src(%dma_wait3A_302 : memref<80xi32, #tpu.memory_space<hbm>>) dst(%dma_wait3A_301 : memref<80xi32, #tpu.memory_space<vmem>>)
          %dma_wait3A_303 = arith.constant 0 : i32
          %dma_wait3A_304 = tpu.memref_slice %arg10[%rem3A_292, %dma_wait3A_303] : memref<5x80xi32, #tpu.memory_space<vmem>> -> memref<1x80xi32, #tpu.memory_space<vmem>>
          %dma_wait3A_305 = tpu.memref_squeeze %dma_wait3A_304 : memref<1x80xi32, #tpu.memory_space<vmem>> -> memref<80xi32, #tpu.memory_space<vmem>>
          %dma_wait3A_306 = tpu.memref_slice %arg5[%mul3A_6] : memref<160000xi32, #tpu.memory_space<hbm>> -> memref<80xi32, #tpu.memory_space<hbm>>
          %dma_wait3A_307 = tpu.memref_slice %arg13[%rem3A_292] : memref<5x!tpu.dma_semaphore, #tpu.memory_space<semaphore_mem>> -> memref<1x!tpu.dma_semaphore, #tpu.memory_space<semaphore_mem>>
          %dma_wait3A_308 = tpu.memref_squeeze %dma_wait3A_307 : memref<1x!tpu.dma_semaphore, #tpu.memory_space<semaphore_mem>> -> memref<!tpu.dma_semaphore, #tpu.memory_space<semaphore_mem>>
          %dma_wait3A_309 = arith.constant 0 : i32
          %dma_wait3A_310 = tpu.memref_slice %arg10[%rem3A_292, %dma_wait3A_309] : memref<5x80xi32, #tpu.memory_space<vmem>> -> memref<1x80xi32, #tpu.memory_space<vmem>>
          %dma_wait3A_311 = tpu.memref_squeeze %dma_wait3A_310 : memref<1x80xi32, #tpu.memory_space<vmem>> -> memref<80xi32, #tpu.memory_space<vmem>>
          %dma_wait3A_312 = tpu.memref_slice %arg5[%mul3A_6] : memref<160000xi32, #tpu.memory_space<hbm>> -> memref<80xi32, #tpu.memory_space<hbm>>
          tpu.wait_dma2 semaphore(%dma_wait3A_308 : memref<!tpu.dma_semaphore, #tpu.memory_space<semaphore_mem>>) src(%dma_wait3A_312 : memref<80xi32, #tpu.memory_space<hbm>>) dst(%dma_wait3A_311 : memref<80xi32, #tpu.memory_space<vmem>>)
          %add3A_313 = arith.constant 2 : i32
          %add3A_314 = arith.addi %scan3A_234, %add3A_313 : i32
          %rem3A_315 = arith.constant 5 : i32
          %rem3A_316 = arith.remsi %add3A_314, %rem3A_315 : i32
          %rem3A_317 = arith.constant 4 : i32
          %rem3A_318 = arith.remsi %add3A_314, %rem3A_317 : i32
          %rem3A_319 = arith.constant 4 : i32
          %rem3A_320 = arith.remsi %add3A_314, %rem3A_319 : i32
          %dma_start3A_321 = arith.constant 0 : i32
          %dma_start3A_322 = arith.constant 0 : i32
          %dma_start3A_323 = tpu.memref_slice %arg11[%rem3A_318, %dma_start3A_321, %dma_start3A_322] : memref<4x80x128xf32, #tpu.memory_space<vmem>> -> memref<1x80x128xf32, #tpu.memory_space<vmem>>
          %dma_start3A_324 = tpu.memref_squeeze %dma_start3A_323 : memref<1x80x128xf32, #tpu.memory_space<vmem>> -> memref<80x128xf32, #tpu.memory_space<vmem>>
          %dma_start3A_325 = arith.constant 0 : i32
          %dma_start3A_326 = tpu.memref_slice %arg9[%rem3A_316, %dma_start3A_325] : memref<5x80xi32, #tpu.memory_space<vmem>> -> memref<1x80xi32, #tpu.memory_space<vmem>>
          %dma_start3A_327 = tpu.memref_squeeze %dma_start3A_326 : memref<1x80xi32, #tpu.memory_space<vmem>> -> memref<80xi32, #tpu.memory_space<vmem>>
          %dma_start3A_328 = arith.constant 0 : i32
          %dma_start3A_329 = arith.constant 0 : i32
          %dma_start3A_330 = tpu.memref_slice %arg3[%dma_start3A_328, %dma_start3A_329] : memref<10000x128xf32, #tpu.memory_space<hbm>> -> memref<10000x128xf32, #tpu.memory_space<hbm>>
          %dma_start3A_331 = tpu.memref_slice %arg14[%rem3A_320] : memref<4x!tpu.dma_semaphore, #tpu.memory_space<semaphore_mem>> -> memref<1x!tpu.dma_semaphore, #tpu.memory_space<semaphore_mem>>
          %dma_start3A_332 = tpu.memref_squeeze %dma_start3A_331 : memref<1x!tpu.dma_semaphore, #tpu.memory_space<semaphore_mem>> -> memref<!tpu.dma_semaphore, #tpu.memory_space<semaphore_mem>>
          tpu.enqueue_indirect_dma source(%dma_start3A_330 : memref<10000x128xf32, #tpu.memory_space<hbm>>) target(%dma_start3A_324 : memref<80x128xf32, #tpu.memory_space<vmem>>) offsets(%dma_start3A_327 : memref<80xi32, #tpu.memory_space<vmem>>) semaphore(%dma_start3A_332 : memref<!tpu.dma_semaphore, #tpu.memory_space<semaphore_mem>>)
        } else {
        }
        %rem3A_253 = arith.constant 5 : i32
        %rem3A_254 = arith.remsi %scan3A_234, %rem3A_253 : i32
        %rem3A_255 = arith.constant 4 : i32
        %rem3A_256 = arith.remsi %scan3A_234, %rem3A_255 : i32
        %rem3A_257 = arith.constant 4 : i32
        %rem3A_258 = arith.remsi %scan3A_234, %rem3A_257 : i32
        %dma_wait3A_259 = arith.constant 0 : i32
        %dma_wait3A_260 = arith.constant 0 : i32
        %dma_wait3A_261 = tpu.memref_slice %arg11[%rem3A_256, %dma_wait3A_259, %dma_wait3A_260] : memref<4x80x128xf32, #tpu.memory_space<vmem>> -> memref<1x80x128xf32, #tpu.memory_space<vmem>>
        %dma_wait3A_262 = tpu.memref_squeeze %dma_wait3A_261 : memref<1x80x128xf32, #tpu.memory_space<vmem>> -> memref<80x128xf32, #tpu.memory_space<vmem>>
        %dma_wait3A_263 = arith.constant 0 : i32
        %dma_wait3A_264 = tpu.memref_slice %arg9[%rem3A_254, %dma_wait3A_263] : memref<5x80xi32, #tpu.memory_space<vmem>> -> memref<1x80xi32, #tpu.memory_space<vmem>>
        %dma_wait3A_265 = tpu.memref_squeeze %dma_wait3A_264 : memref<1x80xi32, #tpu.memory_space<vmem>> -> memref<80xi32, #tpu.memory_space<vmem>>
        %dma_wait3A_266 = arith.constant 0 : i32
        %dma_wait3A_267 = arith.constant 0 : i32
        %dma_wait3A_268 = tpu.memref_slice %arg3[%dma_wait3A_266, %dma_wait3A_267] : memref<10000x128xf32, #tpu.memory_space<hbm>> -> memref<10000x128xf32, #tpu.memory_space<hbm>>
        %dma_wait3A_269 = tpu.memref_slice %arg14[%rem3A_258] : memref<4x!tpu.dma_semaphore, #tpu.memory_space<semaphore_mem>> -> memref<1x!tpu.dma_semaphore, #tpu.memory_space<semaphore_mem>>
        %dma_wait3A_270 = tpu.memref_squeeze %dma_wait3A_269 : memref<1x!tpu.dma_semaphore, #tpu.memory_space<semaphore_mem>> -> memref<!tpu.dma_semaphore, #tpu.memory_space<semaphore_mem>>
        tpu.wait_indirect_dma semaphore(%dma_wait3A_270 : memref<!tpu.dma_semaphore, #tpu.memory_space<semaphore_mem>>) src(%dma_wait3A_268 : memref<10000x128xf32, #tpu.memory_space<hbm>>) dst(%dma_wait3A_262 : memref<80x128xf32, #tpu.memory_space<vmem>>)
        %rem3A_271 = arith.constant 4 : i32
        %rem3A_272 = arith.remsi %scan3A_234, %rem3A_271 : i32
        %rem3A_273 = arith.constant 5 : i32
        %rem3A_274 = arith.remsi %scan3A_234, %rem3A_273 : i32
        %rem3A_275 = arith.constant 4 : i32
        %rem3A_276 = arith.remsi %scan3A_234, %rem3A_275 : i32
        %dma_start3A_277 = arith.constant 0 : i32
        %dma_start3A_278 = arith.constant 0 : i32
        %dma_start3A_279 = tpu.memref_slice %arg11[%rem3A_272, %dma_start3A_277, %dma_start3A_278] : memref<4x80x128xf32, #tpu.memory_space<vmem>> -> memref<1x80x128xf32, #tpu.memory_space<vmem>>
        %dma_start3A_280 = tpu.memref_squeeze %dma_start3A_279 : memref<1x80x128xf32, #tpu.memory_space<vmem>> -> memref<80x128xf32, #tpu.memory_space<vmem>>
        %dma_start3A_281 = arith.constant 0 : i32
        %dma_start3A_282 = tpu.memref_slice %arg10[%rem3A_274, %dma_start3A_281] : memref<5x80xi32, #tpu.memory_space<vmem>> -> memref<1x80xi32, #tpu.memory_space<vmem>>
        %dma_start3A_283 = tpu.memref_squeeze %dma_start3A_282 : memref<1x80xi32, #tpu.memory_space<vmem>> -> memref<80xi32, #tpu.memory_space<vmem>>
        %dma_start3A_284 = arith.constant 0 : i32
        %dma_start3A_285 = arith.constant 0 : i32
        %dma_start3A_286 = tpu.memref_slice %arg12[%dma_start3A_284, %dma_start3A_285] : memref<10000x128xf32, #tpu.memory_space<vmem_shared>> -> memref<10000x128xf32, #tpu.memory_space<vmem_shared>>
        %dma_start3A_287 = tpu.memref_slice %arg15[%rem3A_276] : memref<4x!tpu.dma_semaphore, #tpu.memory_space<semaphore_mem>> -> memref<1x!tpu.dma_semaphore, #tpu.memory_space<semaphore_mem>>
        %dma_start3A_288 = tpu.memref_squeeze %dma_start3A_287 : memref<1x!tpu.dma_semaphore, #tpu.memory_space<semaphore_mem>> -> memref<!tpu.dma_semaphore, #tpu.memory_space<semaphore_mem>>
        tpu.enqueue_indirect_dma source(%dma_start3A_280 : memref<80x128xf32, #tpu.memory_space<vmem>>) target(%dma_start3A_286 : memref<10000x128xf32, #tpu.memory_space<vmem_shared>>) offsets(%dma_start3A_283 : memref<80xi32, #tpu.memory_space<vmem>>) semaphore(%dma_start3A_288 : memref<!tpu.dma_semaphore, #tpu.memory_space<semaphore_mem>>) {add = true}
      }
      %scan3A_191 = arith.constant 125 : i32
      %rem3A_192 = arith.constant 123 : i32
      %rem3A_193 = arith.constant 4 : i32
      %rem3A_194 = arith.remsi %rem3A_192, %rem3A_193 : i32
      %rem3A_195 = arith.constant 123 : i32
      %rem3A_196 = arith.constant 5 : i32
      %rem3A_197 = arith.remsi %rem3A_195, %rem3A_196 : i32
      %rem3A_198 = arith.constant 123 : i32
      %rem3A_199 = arith.constant 4 : i32
      %rem3A_200 = arith.remsi %rem3A_198, %rem3A_199 : i32
      %dma_wait3A_201 = arith.constant 0 : i32
      %dma_wait3A_202 = arith.constant 0 : i32
      %dma_wait3A_203 = tpu.memref_slice %arg11[%rem3A_194, %dma_wait3A_201, %dma_wait3A_202] : memref<4x80x128xf32, #tpu.memory_space<vmem>> -> memref<1x80x128xf32, #tpu.memory_space<vmem>>
      %dma_wait3A_204 = tpu.memref_squeeze %dma_wait3A_203 : memref<1x80x128xf32, #tpu.memory_space<vmem>> -> memref<80x128xf32, #tpu.memory_space<vmem>>
      %dma_wait3A_205 = arith.constant 0 : i32
      %dma_wait3A_206 = tpu.memref_slice %arg10[%rem3A_197, %dma_wait3A_205] : memref<5x80xi32, #tpu.memory_space<vmem>> -> memref<1x80xi32, #tpu.memory_space<vmem>>
      %dma_wait3A_207 = tpu.memref_squeeze %dma_wait3A_206 : memref<1x80xi32, #tpu.memory_space<vmem>> -> memref<80xi32, #tpu.memory_space<vmem>>
      %dma_wait3A_208 = arith.constant 0 : i32
      %dma_wait3A_209 = arith.constant 0 : i32
      %dma_wait3A_210 = tpu.memref_slice %arg12[%dma_wait3A_208, %dma_wait3A_209] : memref<10000x128xf32, #tpu.memory_space<vmem_shared>> -> memref<10000x128xf32, #tpu.memory_space<vmem_shared>>
      %dma_wait3A_211 = tpu.memref_slice %arg15[%rem3A_200] : memref<4x!tpu.dma_semaphore, #tpu.memory_space<semaphore_mem>> -> memref<1x!tpu.dma_semaphore, #tpu.memory_space<semaphore_mem>>
      %dma_wait3A_212 = tpu.memref_squeeze %dma_wait3A_211 : memref<1x!tpu.dma_semaphore, #tpu.memory_space<semaphore_mem>> -> memref<!tpu.dma_semaphore, #tpu.memory_space<semaphore_mem>>
      tpu.wait_indirect_dma semaphore(%dma_wait3A_212 : memref<!tpu.dma_semaphore, #tpu.memory_space<semaphore_mem>>) src(%dma_wait3A_204 : memref<80x128xf32, #tpu.memory_space<vmem>>) dst(%dma_wait3A_210 : memref<10000x128xf32, #tpu.memory_space<vmem_shared>>)
      %rem3A_213 = arith.constant 124 : i32
      %rem3A_214 = arith.constant 4 : i32
      %rem3A_215 = arith.remsi %rem3A_213, %rem3A_214 : i32
      %rem3A_216 = arith.constant 124 : i32
      %rem3A_217 = arith.constant 5 : i32
      %rem3A_218 = arith.remsi %rem3A_216, %rem3A_217 : i32
      %rem3A_219 = arith.constant 124 : i32
      %rem3A_220 = arith.constant 4 : i32
      %rem3A_221 = arith.remsi %rem3A_219, %rem3A_220 : i32
      %dma_wait3A_222 = arith.constant 0 : i32
      %dma_wait3A_223 = arith.constant 0 : i32
      %dma_wait3A_224 = tpu.memref_slice %arg11[%rem3A_215, %dma_wait3A_222, %dma_wait3A_223] : memref<4x80x128xf32, #tpu.memory_space<vmem>> -> memref<1x80x128xf32, #tpu.memory_space<vmem>>
      %dma_wait3A_225 = tpu.memref_squeeze %dma_wait3A_224 : memref<1x80x128xf32, #tpu.memory_space<vmem>> -> memref<80x128xf32, #tpu.memory_space<vmem>>
      %dma_wait3A_226 = arith.constant 0 : i32
      %dma_wait3A_227 = tpu.memref_slice %arg10[%rem3A_218, %dma_wait3A_226] : memref<5x80xi32, #tpu.memory_space<vmem>> -> memref<1x80xi32, #tpu.memory_space<vmem>>
      %dma_wait3A_228 = tpu.memref_squeeze %dma_wait3A_227 : memref<1x80xi32, #tpu.memory_space<vmem>> -> memref<80xi32, #tpu.memory_space<vmem>>
      %dma_wait3A_229 = arith.constant 0 : i32
      %dma_wait3A_230 = arith.constant 0 : i32
      %dma_wait3A_231 = tpu.memref_slice %arg12[%dma_wait3A_229, %dma_wait3A_230] : memref<10000x128xf32, #tpu.memory_space<vmem_shared>> -> memref<10000x128xf32, #tpu.memory_space<vmem_shared>>
      %dma_wait3A_232 = tpu.memref_slice %arg15[%rem3A_221] : memref<4x!tpu.dma_semaphore, #tpu.memory_space<semaphore_mem>> -> memref<1x!tpu.dma_semaphore, #tpu.memory_space<semaphore_mem>>
      %dma_wait3A_233 = tpu.memref_squeeze %dma_wait3A_232 : memref<1x!tpu.dma_semaphore, #tpu.memory_space<semaphore_mem>> -> memref<!tpu.dma_semaphore, #tpu.memory_space<semaphore_mem>>
      tpu.wait_indirect_dma semaphore(%dma_wait3A_233 : memref<!tpu.dma_semaphore, #tpu.memory_space<semaphore_mem>>) src(%dma_wait3A_225 : memref<80x128xf32, #tpu.memory_space<vmem>>) dst(%dma_wait3A_231 : memref<10000x128xf32, #tpu.memory_space<vmem_shared>>)
    } else {
    }
    %barrier3A_17 = arith.constant 0 : index
    tpu.barrier barrier_id(%barrier3A_17)
    %eq3A_18 = arith.constant 0 : i32
    %eq3A_19 = arith.cmpi eq, %arg0, %eq3A_18 : i32
    %convert_element_type3A_20 = arith.extui %eq3A_19 : i1 to i32
    %cond3A_21 = arith.constant 0 : i32
    %cond3A_22 = arith.cmpi ne, %convert_element_type3A_20, %cond3A_21 : i32
    scf.if %cond3A_22 {
      %lt3A_28 = arith.constant 15 : i32
      %lt3A_29 = arith.cmpi slt, %arg1, %lt3A_28 : i32
      %convert_element_type3A_30 = arith.extui %lt3A_29 : i1 to i32
      %cond3A_31 = arith.constant 0 : i32
      %cond3A_32 = arith.cmpi ne, %convert_element_type3A_30, %cond3A_31 : i32
      scf.if %cond3A_32 {
        %mul3A_38 = arith.constant 632 : i32
        %mul3A_39 = arith.muli %arg1, %mul3A_38 : i32
        %multiple_of3A = tpu.assume_multiple %mul3A_39, 8 : i32
        %mul3A_40 = arith.constant 632 : i32
        %mul3A_41 = arith.muli %arg1, %mul3A_40 : i32
        %multiple_of3A_42 = tpu.assume_multiple %mul3A_41, 8 : i32
        "tpu.region"() ({
          %run_scoped3A = tpu.sem_alloc : memref<!tpu.dma_semaphore, #tpu.memory_space<semaphore_mem>>
          %dma_start3A = arith.constant 0 : i32
          %dma_start3A_43 = tpu.memref_slice %arg7[%multiple_of3A_42, %dma_start3A] : memref<10000x128xf32, #tpu.memory_space<hbm>> -> memref<632x128xf32, #tpu.memory_space<hbm>>
          %dma_start3A_44 = arith.constant 0 : i32
          %dma_start3A_45 = tpu.memref_slice %arg12[%multiple_of3A, %dma_start3A_44] : memref<10000x128xf32, #tpu.memory_space<vmem_shared>> -> memref<632x128xf32, #tpu.memory_space<vmem_shared>>
          tpu.enqueue_dma source(%dma_start3A_45 : memref<632x128xf32, #tpu.memory_space<vmem_shared>>) target(%dma_start3A_43 : memref<632x128xf32, #tpu.memory_space<hbm>>) target_semaphore(%run_scoped3A : memref<!tpu.dma_semaphore, #tpu.memory_space<semaphore_mem>>)
          %dma_wait3A = arith.constant 0 : i32
          %dma_wait3A_46 = tpu.memref_slice %arg7[%multiple_of3A_42, %dma_wait3A] : memref<10000x128xf32, #tpu.memory_space<hbm>> -> memref<632x128xf32, #tpu.memory_space<hbm>>
          %dma_wait3A_47 = arith.constant 0 : i32
          %dma_wait3A_48 = tpu.memref_slice %arg12[%multiple_of3A, %dma_wait3A_47] : memref<10000x128xf32, #tpu.memory_space<vmem_shared>> -> memref<632x128xf32, #tpu.memory_space<vmem_shared>>
          tpu.wait_dma2 semaphore(%run_scoped3A : memref<!tpu.dma_semaphore, #tpu.memory_space<semaphore_mem>>) src(%dma_wait3A_48 : memref<632x128xf32, #tpu.memory_space<vmem_shared>>) dst(%dma_wait3A_46 : memref<632x128xf32, #tpu.memory_space<hbm>>)
          tpu.yield
        }) : () -> ()
      } else {
      }
      %eq3A_33 = arith.constant 15 : i32
      %eq3A_34 = arith.cmpi eq, %arg1, %eq3A_33 : i32
      %convert_element_type3A_35 = arith.extui %eq3A_34 : i1 to i32
      %cond3A_36 = arith.constant 0 : i32
      %cond3A_37 = arith.cmpi ne, %convert_element_type3A_35, %cond3A_36 : i32
      scf.if %cond3A_37 {
        "tpu.region"() ({
          %run_scoped3A = tpu.sem_alloc : memref<!tpu.dma_semaphore, #tpu.memory_space<semaphore_mem>>
          %dma_start3A = arith.constant 9480 : i32
          %dma_start3A_38 = arith.constant 0 : i32
          %dma_start3A_39 = tpu.memref_slice %arg7[%dma_start3A, %dma_start3A_38] : memref<10000x128xf32, #tpu.memory_space<hbm>> -> memref<520x128xf32, #tpu.memory_space<hbm>>
          %dma_start3A_40 = arith.constant 9480 : i32
          %dma_start3A_41 = arith.constant 0 : i32
          %dma_start3A_42 = tpu.memref_slice %arg12[%dma_start3A_40, %dma_start3A_41] : memref<10000x128xf32, #tpu.memory_space<vmem_shared>> -> memref<520x128xf32, #tpu.memory_space<vmem_shared>>
          tpu.enqueue_dma source(%dma_start3A_42 : memref<520x128xf32, #tpu.memory_space<vmem_shared>>) target(%dma_start3A_39 : memref<520x128xf32, #tpu.memory_space<hbm>>) target_semaphore(%run_scoped3A : memref<!tpu.dma_semaphore, #tpu.memory_space<semaphore_mem>>)
          %dma_wait3A = arith.constant 9480 : i32
          %dma_wait3A_43 = arith.constant 0 : i32
          %dma_wait3A_44 = tpu.memref_slice %arg7[%dma_wait3A, %dma_wait3A_43] : memref<10000x128xf32, #tpu.memory_space<hbm>> -> memref<520x128xf32, #tpu.memory_space<hbm>>
          %dma_wait3A_45 = arith.constant 9480 : i32
          %dma_wait3A_46 = arith.constant 0 : i32
          %dma_wait3A_47 = tpu.memref_slice %arg12[%dma_wait3A_45, %dma_wait3A_46] : memref<10000x128xf32, #tpu.memory_space<vmem_shared>> -> memref<520x128xf32, #tpu.memory_space<vmem_shared>>
          tpu.wait_dma2 semaphore(%run_scoped3A : memref<!tpu.dma_semaphore, #tpu.memory_space<semaphore_mem>>) src(%dma_wait3A_47 : memref<520x128xf32, #tpu.memory_space<vmem_shared>>) dst(%dma_wait3A_44 : memref<520x128xf32, #tpu.memory_space<hbm>>)
          tpu.yield
        }) : () -> ()
      } else {
      }
    } else {
    }
    %eq3A_23 = arith.constant 1 : i32
    %eq3A_24 = arith.cmpi eq, %arg0, %eq3A_23 : i32
    %convert_element_type3A_25 = arith.extui %eq3A_24 : i1 to i32
    %cond3A_26 = arith.constant 0 : i32
    %cond3A_27 = arith.cmpi ne, %convert_element_type3A_25, %cond3A_26 : i32
    scf.if %cond3A_27 {
      %lt3A_28 = arith.constant 15 : i32
      %lt3A_29 = arith.cmpi slt, %arg1, %lt3A_28 : i32
      %convert_element_type3A_30 = arith.extui %lt3A_29 : i1 to i32
      %cond3A_31 = arith.constant 0 : i32
      %cond3A_32 = arith.cmpi ne, %convert_element_type3A_30, %cond3A_31 : i32
      scf.if %cond3A_32 {
        %mul3A_38 = arith.constant 632 : i32
        %mul3A_39 = arith.muli %arg1, %mul3A_38 : i32
        %multiple_of3A = tpu.assume_multiple %mul3A_39, 8 : i32
        %mul3A_40 = arith.constant 632 : i32
        %mul3A_41 = arith.muli %arg1, %mul3A_40 : i32
        %multiple_of3A_42 = tpu.assume_multiple %mul3A_41, 8 : i32
        "tpu.region"() ({
          %run_scoped3A = tpu.sem_alloc : memref<!tpu.dma_semaphore, #tpu.memory_space<semaphore_mem>>
          %dma_start3A = arith.constant 0 : i32
          %dma_start3A_43 = tpu.memref_slice %arg8[%multiple_of3A_42, %dma_start3A] : memref<10000x128xf32, #tpu.memory_space<hbm>> -> memref<632x128xf32, #tpu.memory_space<hbm>>
          %dma_start3A_44 = arith.constant 0 : i32
          %dma_start3A_45 = tpu.memref_slice %arg12[%multiple_of3A, %dma_start3A_44] : memref<10000x128xf32, #tpu.memory_space<vmem_shared>> -> memref<632x128xf32, #tpu.memory_space<vmem_shared>>
          tpu.enqueue_dma source(%dma_start3A_45 : memref<632x128xf32, #tpu.memory_space<vmem_shared>>) target(%dma_start3A_43 : memref<632x128xf32, #tpu.memory_space<hbm>>) target_semaphore(%run_scoped3A : memref<!tpu.dma_semaphore, #tpu.memory_space<semaphore_mem>>)
          %dma_wait3A = arith.constant 0 : i32
          %dma_wait3A_46 = tpu.memref_slice %arg8[%multiple_of3A_42, %dma_wait3A] : memref<10000x128xf32, #tpu.memory_space<hbm>> -> memref<632x128xf32, #tpu.memory_space<hbm>>
          %dma_wait3A_47 = arith.constant 0 : i32
          %dma_wait3A_48 = tpu.memref_slice %arg12[%multiple_of3A, %dma_wait3A_47] : memref<10000x128xf32, #tpu.memory_space<vmem_shared>> -> memref<632x128xf32, #tpu.memory_space<vmem_shared>>
          tpu.wait_dma2 semaphore(%run_scoped3A : memref<!tpu.dma_semaphore, #tpu.memory_space<semaphore_mem>>) src(%dma_wait3A_48 : memref<632x128xf32, #tpu.memory_space<vmem_shared>>) dst(%dma_wait3A_46 : memref<632x128xf32, #tpu.memory_space<hbm>>)
          tpu.yield
        }) : () -> ()
      } else {
      }
      %eq3A_33 = arith.constant 15 : i32
      %eq3A_34 = arith.cmpi eq, %arg1, %eq3A_33 : i32
      %convert_element_type3A_35 = arith.extui %eq3A_34 : i1 to i32
      %cond3A_36 = arith.constant 0 : i32
      %cond3A_37 = arith.cmpi ne, %convert_element_type3A_35, %cond3A_36 : i32
      scf.if %cond3A_37 {
        "tpu.region"() ({
          %run_scoped3A = tpu.sem_alloc : memref<!tpu.dma_semaphore, #tpu.memory_space<semaphore_mem>>
          %dma_start3A = arith.constant 9480 : i32
          %dma_start3A_38 = arith.constant 0 : i32
          %dma_start3A_39 = tpu.memref_slice %arg8[%dma_start3A, %dma_start3A_38] : memref<10000x128xf32, #tpu.memory_space<hbm>> -> memref<520x128xf32, #tpu.memory_space<hbm>>
          %dma_start3A_40 = arith.constant 9480 : i32
          %dma_start3A_41 = arith.constant 0 : i32
          %dma_start3A_42 = tpu.memref_slice %arg12[%dma_start3A_40, %dma_start3A_41] : memref<10000x128xf32, #tpu.memory_space<vmem_shared>> -> memref<520x128xf32, #tpu.memory_space<vmem_shared>>
          tpu.enqueue_dma source(%dma_start3A_42 : memref<520x128xf32, #tpu.memory_space<vmem_shared>>) target(%dma_start3A_39 : memref<520x128xf32, #tpu.memory_space<hbm>>) target_semaphore(%run_scoped3A : memref<!tpu.dma_semaphore, #tpu.memory_space<semaphore_mem>>)
          %dma_wait3A = arith.constant 9480 : i32
          %dma_wait3A_43 = arith.constant 0 : i32
          %dma_wait3A_44 = tpu.memref_slice %arg8[%dma_wait3A, %dma_wait3A_43] : memref<10000x128xf32, #tpu.memory_space<hbm>> -> memref<520x128xf32, #tpu.memory_space<hbm>>
          %dma_wait3A_45 = arith.constant 9480 : i32
          %dma_wait3A_46 = arith.constant 0 : i32
          %dma_wait3A_47 = tpu.memref_slice %arg12[%dma_wait3A_45, %dma_wait3A_46] : memref<10000x128xf32, #tpu.memory_space<vmem_shared>> -> memref<520x128xf32, #tpu.memory_space<vmem_shared>>
          tpu.wait_dma2 semaphore(%run_scoped3A : memref<!tpu.dma_semaphore, #tpu.memory_space<semaphore_mem>>) src(%dma_wait3A_47 : memref<520x128xf32, #tpu.memory_space<vmem_shared>>) dst(%dma_wait3A_44 : memref<520x128xf32, #tpu.memory_space<hbm>>)
          tpu.yield
        }) : () -> ()
      } else {
      }
    } else {
    }
    return
  }
}

#map = affine_map<(d0, d1) -> (0)>
#map1 = affine_map<(d0, d1) -> (0, 0)>
module attributes {stable_mosaic.version = 14 : i64} {
  func.func @_degree_kernel(%arg0: i32, %arg1: i32, %arg2: memref<160000xi32, #tpu.memory_space<hbm>>, %arg3: memref<160000xi32, #tpu.memory_space<hbm>>, %arg4: memref<10000xf32, #tpu.memory_space<hbm>>, %arg5: memref<2x10000xf32, #tpu.memory_space<hbm>>, %arg6: memref<2x5x80xi32, #tpu.memory_space<vmem>>, %arg7: memref<80xf32, #tpu.memory_space<vmem>>, %arg8: memref<10000xf32, #tpu.memory_space<vmem_shared>>, %arg9: memref<2x!tpu.dma_semaphore, #tpu.memory_space<semaphore_mem>>, %arg10: memref<2x!tpu.dma_semaphore, #tpu.memory_space<semaphore_mem>>) attributes {dimension_semantics = [#tpu.dimension_semantics<core_parallel>, #tpu.dimension_semantics<subcore_parallel>], iteration_bounds = array<i64: 2, 16>, scalar_prefetch = 0 : i64, scratch_operands = 5 : i64, tpu.core_type = #tpu.core_type<sc_vector_subcore>, window_params = [{transform_indices = #map}, {transform_indices = #map}, {transform_indices = #map}, {transform_indices = #map1}]} {
    %eq3A = arith.constant 0 : i32
    %eq3A_0 = arith.cmpi eq, %arg1, %eq3A : i32
    %convert_element_type3A = arith.extui %eq3A_0 : i1 to i32
    %cond3A = arith.constant 0 : i32
    %cond3A_1 = arith.cmpi ne, %convert_element_type3A, %cond3A : i32
    scf.if %cond3A_1 {
      "tpu.region"() ({
        %run_scoped3A = tpu.sem_alloc : memref<!tpu.dma_semaphore, #tpu.memory_space<semaphore_mem>>
        tpu.enqueue_dma source(%arg4 : memref<10000xf32, #tpu.memory_space<hbm>>) target(%arg8 : memref<10000xf32, #tpu.memory_space<vmem_shared>>) target_semaphore(%run_scoped3A : memref<!tpu.dma_semaphore, #tpu.memory_space<semaphore_mem>>)
        tpu.wait_dma2 semaphore(%run_scoped3A : memref<!tpu.dma_semaphore, #tpu.memory_space<semaphore_mem>>) src(%arg4 : memref<10000xf32, #tpu.memory_space<hbm>>) dst(%arg8 : memref<10000xf32, #tpu.memory_space<vmem_shared>>)
        tpu.yield
      }) : () -> ()
    } else {
    }
    %broadcast_in_dim3A = arith.constant 1.000000e+00 : f32
    %broadcast_in_dim3A_2 = vector.broadcast %broadcast_in_dim3A : f32 to vector<16xf32>
    %swap3A = arith.constant 0 : index
    %swap3A_3 = tpu.vector_load %arg7[%swap3A] {strides = array<i32>} : memref<80xf32, #tpu.memory_space<vmem>>, vector<16xf32>,
    %swap3A_4 = vector.shape_cast %swap3A_3 : vector<16xf32> to vector<16xf32>
    %swap3A_5 = vector.shape_cast %broadcast_in_dim3A_2 : vector<16xf32> to vector<16xf32>
    tpu.vector_store %arg7[%swap3A], %swap3A_5 {strides = array<i32>} : memref<80xf32, #tpu.memory_space<vmem>>, vector<16xf32>,
    %swap3A_6 = arith.constant 16 : index
    %swap3A_7 = tpu.vector_load %arg7[%swap3A_6] {strides = array<i32>} : memref<80xf32, #tpu.memory_space<vmem>>, vector<16xf32>,
    %swap3A_8 = vector.shape_cast %swap3A_7 : vector<16xf32> to vector<16xf32>
    %swap3A_9 = vector.shape_cast %broadcast_in_dim3A_2 : vector<16xf32> to vector<16xf32>
    tpu.vector_store %arg7[%swap3A_6], %swap3A_9 {strides = array<i32>} : memref<80xf32, #tpu.memory_space<vmem>>, vector<16xf32>,
    %swap3A_10 = arith.constant 32 : index
    %swap3A_11 = tpu.vector_load %arg7[%swap3A_10] {strides = array<i32>} : memref<80xf32, #tpu.memory_space<vmem>>, vector<16xf32>,
    %swap3A_12 = vector.shape_cast %swap3A_11 : vector<16xf32> to vector<16xf32>
    %swap3A_13 = vector.shape_cast %broadcast_in_dim3A_2 : vector<16xf32> to vector<16xf32>
    tpu.vector_store %arg7[%swap3A_10], %swap3A_13 {strides = array<i32>} : memref<80xf32, #tpu.memory_space<vmem>>, vector<16xf32>,
    %swap3A_14 = arith.constant 48 : index
    %swap3A_15 = tpu.vector_load %arg7[%swap3A_14] {strides = array<i32>} : memref<80xf32, #tpu.memory_space<vmem>>, vector<16xf32>,
    %swap3A_16 = vector.shape_cast %swap3A_15 : vector<16xf32> to vector<16xf32>
    %swap3A_17 = vector.shape_cast %broadcast_in_dim3A_2 : vector<16xf32> to vector<16xf32>
    tpu.vector_store %arg7[%swap3A_14], %swap3A_17 {strides = array<i32>} : memref<80xf32, #tpu.memory_space<vmem>>, vector<16xf32>,
    %swap3A_18 = arith.constant 64 : index
    %swap3A_19 = tpu.vector_load %arg7[%swap3A_18] {strides = array<i32>} : memref<80xf32, #tpu.memory_space<vmem>>, vector<16xf32>,
    %swap3A_20 = vector.shape_cast %swap3A_19 : vector<16xf32> to vector<16xf32>
    %swap3A_21 = vector.shape_cast %broadcast_in_dim3A_2 : vector<16xf32> to vector<16xf32>
    tpu.vector_store %arg7[%swap3A_18], %swap3A_21 {strides = array<i32>} : memref<80xf32, #tpu.memory_space<vmem>>, vector<16xf32>,
    %barrier3A = arith.constant 0 : index
    tpu.barrier barrier_id(%barrier3A)
    %mul3A = arith.constant 10000 : i32
    %mul3A_22 = arith.muli %arg1, %mul3A : i32
    %eq3A_23 = arith.constant 0 : i32
    %eq3A_24 = arith.cmpi eq, %arg0, %eq3A_23 : i32
    %convert_element_type3A_25 = arith.extui %eq3A_24 : i1 to i32
    %cond3A_26 = arith.constant 0 : i32
    %cond3A_27 = arith.cmpi ne, %convert_element_type3A_25, %cond3A_26 : i32
    scf.if %cond3A_27 {
      %add3A = arith.constant 0 : i32
      %add3A_39 = arith.addi %mul3A_22, %add3A : i32
      %add3A_40 = arith.constant 0 : i32
      %add3A_41 = arith.addi %add3A_39, %add3A_40 : i32
      %dma_start3A = arith.constant 0 : i32
      %dma_start3A_42 = arith.constant 0 : i32
      %dma_start3A_43 = arith.constant 0 : i32
      %dma_start3A_44 = arith.constant 0 : i32
      %dma_start3A_45 = tpu.memref_slice %arg6[%dma_start3A, %dma_start3A_42, %dma_start3A_44] : memref<2x5x80xi32, #tpu.memory_space<vmem>> -> memref<1x1x80xi32, #tpu.memory_space<vmem>>
      %dma_start3A_46 = tpu.memref_squeeze %dma_start3A_45 : memref<1x1x80xi32, #tpu.memory_space<vmem>> -> memref<80xi32, #tpu.memory_space<vmem>>
      %dma_start3A_47 = tpu.memref_slice %arg2[%add3A_41] : memref<160000xi32, #tpu.memory_space<hbm>> -> memref<80xi32, #tpu.memory_space<hbm>>
      %dma_start3A_48 = tpu.memref_slice %arg9[%dma_start3A_43] : memref<2x!tpu.dma_semaphore, #tpu.memory_space<semaphore_mem>> -> memref<1x!tpu.dma_semaphore, #tpu.memory_space<semaphore_mem>>
      %dma_start3A_49 = tpu.memref_squeeze %dma_start3A_48 : memref<1x!tpu.dma_semaphore, #tpu.memory_space<semaphore_mem>> -> memref<!tpu.dma_semaphore, #tpu.memory_space<semaphore_mem>>
      %dma_start3A_50 = arith.constant 0 : i32
      %dma_start3A_51 = tpu.memref_slice %arg6[%dma_start3A, %dma_start3A_42, %dma_start3A_50] : memref<2x5x80xi32, #tpu.memory_space<vmem>> -> memref<1x1x80xi32, #tpu.memory_space<vmem>>
      %dma_start3A_52 = tpu.memref_squeeze %dma_start3A_51 : memref<1x1x80xi32, #tpu.memory_space<vmem>> -> memref<80xi32, #tpu.memory_space<vmem>>
      %dma_start3A_53 = tpu.memref_slice %arg2[%add3A_41] : memref<160000xi32, #tpu.memory_space<hbm>> -> memref<80xi32, #tpu.memory_space<hbm>>
      tpu.enqueue_dma source(%dma_start3A_53 : memref<80xi32, #tpu.memory_space<hbm>>) target(%dma_start3A_52 : memref<80xi32, #tpu.memory_space<vmem>>) target_semaphore(%dma_start3A_49 : memref<!tpu.dma_semaphore, #tpu.memory_space<semaphore_mem>>)
      %add3A_54 = arith.constant 0 : i32
      %add3A_55 = arith.addi %mul3A_22, %add3A_54 : i32
      %add3A_56 = arith.constant 80 : i32
      %add3A_57 = arith.addi %add3A_55, %add3A_56 : i32
      %dma_start3A_58 = arith.constant 0 : i32
      %dma_start3A_59 = arith.constant 1 : i32
      %dma_start3A_60 = arith.constant 0 : i32
      %dma_start3A_61 = arith.constant 0 : i32
      %dma_start3A_62 = tpu.memref_slice %arg6[%dma_start3A_58, %dma_start3A_59, %dma_start3A_61] : memref<2x5x80xi32, #tpu.memory_space<vmem>> -> memref<1x1x80xi32, #tpu.memory_space<vmem>>
      %dma_start3A_63 = tpu.memref_squeeze %dma_start3A_62 : memref<1x1x80xi32, #tpu.memory_space<vmem>> -> memref<80xi32, #tpu.memory_space<vmem>>
      %dma_start3A_64 = tpu.memref_slice %arg2[%add3A_57] : memref<160000xi32, #tpu.memory_space<hbm>> -> memref<80xi32, #tpu.memory_space<hbm>>
      %dma_start3A_65 = tpu.memref_slice %arg9[%dma_start3A_60] : memref<2x!tpu.dma_semaphore, #tpu.memory_space<semaphore_mem>> -> memref<1x!tpu.dma_semaphore, #tpu.memory_space<semaphore_mem>>
      %dma_start3A_66 = tpu.memref_squeeze %dma_start3A_65 : memref<1x!tpu.dma_semaphore, #tpu.memory_space<semaphore_mem>> -> memref<!tpu.dma_semaphore, #tpu.memory_space<semaphore_mem>>
      %dma_start3A_67 = arith.constant 0 : i32
      %dma_start3A_68 = tpu.memref_slice %arg6[%dma_start3A_58, %dma_start3A_59, %dma_start3A_67] : memref<2x5x80xi32, #tpu.memory_space<vmem>> -> memref<1x1x80xi32, #tpu.memory_space<vmem>>
      %dma_start3A_69 = tpu.memref_squeeze %dma_start3A_68 : memref<1x1x80xi32, #tpu.memory_space<vmem>> -> memref<80xi32, #tpu.memory_space<vmem>>
      %dma_start3A_70 = tpu.memref_slice %arg2[%add3A_57] : memref<160000xi32, #tpu.memory_space<hbm>> -> memref<80xi32, #tpu.memory_space<hbm>>
      tpu.enqueue_dma source(%dma_start3A_70 : memref<80xi32, #tpu.memory_space<hbm>>) target(%dma_start3A_69 : memref<80xi32, #tpu.memory_space<vmem>>) target_semaphore(%dma_start3A_66 : memref<!tpu.dma_semaphore, #tpu.memory_space<semaphore_mem>>)
      %add3A_71 = arith.constant 0 : i32
      %add3A_72 = arith.addi %mul3A_22, %add3A_71 : i32
      %add3A_73 = arith.constant 160 : i32
      %add3A_74 = arith.addi %add3A_72, %add3A_73 : i32
      %dma_start3A_75 = arith.constant 0 : i32
      %dma_start3A_76 = arith.constant 2 : i32
      %dma_start3A_77 = arith.constant 0 : i32
      %dma_start3A_78 = arith.constant 0 : i32
      %dma_start3A_79 = tpu.memref_slice %arg6[%dma_start3A_75, %dma_start3A_76, %dma_start3A_78] : memref<2x5x80xi32, #tpu.memory_space<vmem>> -> memref<1x1x80xi32, #tpu.memory_space<vmem>>
      %dma_start3A_80 = tpu.memref_squeeze %dma_start3A_79 : memref<1x1x80xi32, #tpu.memory_space<vmem>> -> memref<80xi32, #tpu.memory_space<vmem>>
      %dma_start3A_81 = tpu.memref_slice %arg2[%add3A_74] : memref<160000xi32, #tpu.memory_space<hbm>> -> memref<80xi32, #tpu.memory_space<hbm>>
      %dma_start3A_82 = tpu.memref_slice %arg9[%dma_start3A_77] : memref<2x!tpu.dma_semaphore, #tpu.memory_space<semaphore_mem>> -> memref<1x!tpu.dma_semaphore, #tpu.memory_space<semaphore_mem>>
      %dma_start3A_83 = tpu.memref_squeeze %dma_start3A_82 : memref<1x!tpu.dma_semaphore, #tpu.memory_space<semaphore_mem>> -> memref<!tpu.dma_semaphore, #tpu.memory_space<semaphore_mem>>
      %dma_start3A_84 = arith.constant 0 : i32
      %dma_start3A_85 = tpu.memref_slice %arg6[%dma_start3A_75, %dma_start3A_76, %dma_start3A_84] : memref<2x5x80xi32, #tpu.memory_space<vmem>> -> memref<1x1x80xi32, #tpu.memory_space<vmem>>
      %dma_start3A_86 = tpu.memref_squeeze %dma_start3A_85 : memref<1x1x80xi32, #tpu.memory_space<vmem>> -> memref<80xi32, #tpu.memory_space<vmem>>
      %dma_start3A_87 = tpu.memref_slice %arg2[%add3A_74] : memref<160000xi32, #tpu.memory_space<hbm>> -> memref<80xi32, #tpu.memory_space<hbm>>
      tpu.enqueue_dma source(%dma_start3A_87 : memref<80xi32, #tpu.memory_space<hbm>>) target(%dma_start3A_86 : memref<80xi32, #tpu.memory_space<vmem>>) target_semaphore(%dma_start3A_83 : memref<!tpu.dma_semaphore, #tpu.memory_space<semaphore_mem>>)
      %add3A_88 = arith.constant 0 : i32
      %add3A_89 = arith.addi %mul3A_22, %add3A_88 : i32
      %add3A_90 = arith.constant 240 : i32
      %add3A_91 = arith.addi %add3A_89, %add3A_90 : i32
      %dma_start3A_92 = arith.constant 0 : i32
      %dma_start3A_93 = arith.constant 3 : i32
      %dma_start3A_94 = arith.constant 0 : i32
      %dma_start3A_95 = arith.constant 0 : i32
      %dma_start3A_96 = tpu.memref_slice %arg6[%dma_start3A_92, %dma_start3A_93, %dma_start3A_95] : memref<2x5x80xi32, #tpu.memory_space<vmem>> -> memref<1x1x80xi32, #tpu.memory_space<vmem>>
      %dma_start3A_97 = tpu.memref_squeeze %dma_start3A_96 : memref<1x1x80xi32, #tpu.memory_space<vmem>> -> memref<80xi32, #tpu.memory_space<vmem>>
      %dma_start3A_98 = tpu.memref_slice %arg2[%add3A_91] : memref<160000xi32, #tpu.memory_space<hbm>> -> memref<80xi32, #tpu.memory_space<hbm>>
      %dma_start3A_99 = tpu.memref_slice %arg9[%dma_start3A_94] : memref<2x!tpu.dma_semaphore, #tpu.memory_space<semaphore_mem>> -> memref<1x!tpu.dma_semaphore, #tpu.memory_space<semaphore_mem>>
      %dma_start3A_100 = tpu.memref_squeeze %dma_start3A_99 : memref<1x!tpu.dma_semaphore, #tpu.memory_space<semaphore_mem>> -> memref<!tpu.dma_semaphore, #tpu.memory_space<semaphore_mem>>
      %dma_start3A_101 = arith.constant 0 : i32
      %dma_start3A_102 = tpu.memref_slice %arg6[%dma_start3A_92, %dma_start3A_93, %dma_start3A_101] : memref<2x5x80xi32, #tpu.memory_space<vmem>> -> memref<1x1x80xi32, #tpu.memory_space<vmem>>
      %dma_start3A_103 = tpu.memref_squeeze %dma_start3A_102 : memref<1x1x80xi32, #tpu.memory_space<vmem>> -> memref<80xi32, #tpu.memory_space<vmem>>
      %dma_start3A_104 = tpu.memref_slice %arg2[%add3A_91] : memref<160000xi32, #tpu.memory_space<hbm>> -> memref<80xi32, #tpu.memory_space<hbm>>
      tpu.enqueue_dma source(%dma_start3A_104 : memref<80xi32, #tpu.memory_space<hbm>>) target(%dma_start3A_103 : memref<80xi32, #tpu.memory_space<vmem>>) target_semaphore(%dma_start3A_100 : memref<!tpu.dma_semaphore, #tpu.memory_space<semaphore_mem>>)
      %add3A_105 = arith.constant 0 : i32
      %add3A_106 = arith.addi %mul3A_22, %add3A_105 : i32
      %add3A_107 = arith.constant 320 : i32
      %add3A_108 = arith.addi %add3A_106, %add3A_107 : i32
      %dma_start3A_109 = arith.constant 0 : i32
      %dma_start3A_110 = arith.constant 4 : i32
      %dma_start3A_111 = arith.constant 0 : i32
      %dma_start3A_112 = arith.constant 0 : i32
      %dma_start3A_113 = tpu.memref_slice %arg6[%dma_start3A_109, %dma_start3A_110, %dma_start3A_112] : memref<2x5x80xi32, #tpu.memory_space<vmem>> -> memref<1x1x80xi32, #tpu.memory_space<vmem>>
      %dma_start3A_114 = tpu.memref_squeeze %dma_start3A_113 : memref<1x1x80xi32, #tpu.memory_space<vmem>> -> memref<80xi32, #tpu.memory_space<vmem>>
      %dma_start3A_115 = tpu.memref_slice %arg2[%add3A_108] : memref<160000xi32, #tpu.memory_space<hbm>> -> memref<80xi32, #tpu.memory_space<hbm>>
      %dma_start3A_116 = tpu.memref_slice %arg9[%dma_start3A_111] : memref<2x!tpu.dma_semaphore, #tpu.memory_space<semaphore_mem>> -> memref<1x!tpu.dma_semaphore, #tpu.memory_space<semaphore_mem>>
      %dma_start3A_117 = tpu.memref_squeeze %dma_start3A_116 : memref<1x!tpu.dma_semaphore, #tpu.memory_space<semaphore_mem>> -> memref<!tpu.dma_semaphore, #tpu.memory_space<semaphore_mem>>
      %dma_start3A_118 = arith.constant 0 : i32
      %dma_start3A_119 = tpu.memref_slice %arg6[%dma_start3A_109, %dma_start3A_110, %dma_start3A_118] : memref<2x5x80xi32, #tpu.memory_space<vmem>> -> memref<1x1x80xi32, #tpu.memory_space<vmem>>
      %dma_start3A_120 = tpu.memref_squeeze %dma_start3A_119 : memref<1x1x80xi32, #tpu.memory_space<vmem>> -> memref<80xi32, #tpu.memory_space<vmem>>
      %dma_start3A_121 = tpu.memref_slice %arg2[%add3A_108] : memref<160000xi32, #tpu.memory_space<hbm>> -> memref<80xi32, #tpu.memory_space<hbm>>
      tpu.enqueue_dma source(%dma_start3A_121 : memref<80xi32, #tpu.memory_space<hbm>>) target(%dma_start3A_120 : memref<80xi32, #tpu.memory_space<vmem>>) target_semaphore(%dma_start3A_117 : memref<!tpu.dma_semaphore, #tpu.memory_space<semaphore_mem>>)
      %scan3A = arith.constant 0 : i32
      %scan3A_122 = arith.constant 0 : i32
      %scan3A_123 = arith.constant 25 : i32
      %scan3A_124 = arith.addi %scan3A_122, %scan3A_123 : i32
      %scan3A_125 = arith.constant 1 : i32
      scf.for %scan3A_176 = %scan3A_122 to %scan3A_124 step %scan3A_125  : i32 {
        %rem3A = arith.constant 2 : i32
        %rem3A_177 = arith.remsi %scan3A_176, %rem3A : i32
        %sub3A = arith.constant 1 : i32
        %sub3A_178 = arith.subi %sub3A, %rem3A_177 : i32
        %ge3A = arith.constant 1 : i32
        %ge3A_179 = arith.cmpi sge, %scan3A_176, %ge3A : i32
        %convert_element_type3A_180 = arith.extui %ge3A_179 : i1 to i32
        %cond3A_181 = arith.constant 0 : i32
        %cond3A_182 = arith.cmpi ne, %convert_element_type3A_180, %cond3A_181 : i32
        scf.if %cond3A_182 {
          %dma_wait3A_284 = arith.constant 0 : i32
          %dma_wait3A_285 = arith.constant 0 : i32
          %dma_wait3A_286 = tpu.memref_slice %arg6[%sub3A_178, %dma_wait3A_284, %dma_wait3A_285] : memref<2x5x80xi32, #tpu.memory_space<vmem>> -> memref<1x1x80xi32, #tpu.memory_space<vmem>>
          %dma_wait3A_287 = tpu.memref_squeeze %dma_wait3A_286 : memref<1x1x80xi32, #tpu.memory_space<vmem>> -> memref<80xi32, #tpu.memory_space<vmem>>
          %dma_wait3A_288 = arith.constant 0 : i32
          %dma_wait3A_289 = tpu.memref_slice %arg8[%dma_wait3A_288] : memref<10000xf32, #tpu.memory_space<vmem_shared>> -> memref<10000xf32, #tpu.memory_space<vmem_shared>>
          %dma_wait3A_290 = tpu.memref_slice %arg10[%sub3A_178] : memref<2x!tpu.dma_semaphore, #tpu.memory_space<semaphore_mem>> -> memref<1x!tpu.dma_semaphore, #tpu.memory_space<semaphore_mem>>
          %dma_wait3A_291 = tpu.memref_squeeze %dma_wait3A_290 : memref<1x!tpu.dma_semaphore, #tpu.memory_space<semaphore_mem>> -> memref<!tpu.dma_semaphore, #tpu.memory_space<semaphore_mem>>
          tpu.wait_indirect_dma semaphore(%dma_wait3A_291 : memref<!tpu.dma_semaphore, #tpu.memory_space<semaphore_mem>>) src(%arg7 : memref<80xf32, #tpu.memory_space<vmem>>) dst(%dma_wait3A_289 : memref<10000xf32, #tpu.memory_space<vmem_shared>>)
          %dma_wait3A_292 = arith.constant 1 : i32
          %dma_wait3A_293 = arith.constant 0 : i32
          %dma_wait3A_294 = tpu.memref_slice %arg6[%sub3A_178, %dma_wait3A_292, %dma_wait3A_293] : memref<2x5x80xi32, #tpu.memory_space<vmem>> -> memref<1x1x80xi32, #tpu.memory_space<vmem>>
          %dma_wait3A_295 = tpu.memref_squeeze %dma_wait3A_294 : memref<1x1x80xi32, #tpu.memory_space<vmem>> -> memref<80xi32, #tpu.memory_space<vmem>>
          %dma_wait3A_296 = arith.constant 0 : i32
          %dma_wait3A_297 = tpu.memref_slice %arg8[%dma_wait3A_296] : memref<10000xf32, #tpu.memory_space<vmem_shared>> -> memref<10000xf32, #tpu.memory_space<vmem_shared>>
          %dma_wait3A_298 = tpu.memref_slice %arg10[%sub3A_178] : memref<2x!tpu.dma_semaphore, #tpu.memory_space<semaphore_mem>> -> memref<1x!tpu.dma_semaphore, #tpu.memory_space<semaphore_mem>>
          %dma_wait3A_299 = tpu.memref_squeeze %dma_wait3A_298 : memref<1x!tpu.dma_semaphore, #tpu.memory_space<semaphore_mem>> -> memref<!tpu.dma_semaphore, #tpu.memory_space<semaphore_mem>>
          tpu.wait_indirect_dma semaphore(%dma_wait3A_299 : memref<!tpu.dma_semaphore, #tpu.memory_space<semaphore_mem>>) src(%arg7 : memref<80xf32, #tpu.memory_space<vmem>>) dst(%dma_wait3A_297 : memref<10000xf32, #tpu.memory_space<vmem_shared>>)
          %dma_wait3A_300 = arith.constant 2 : i32
          %dma_wait3A_301 = arith.constant 0 : i32
          %dma_wait3A_302 = tpu.memref_slice %arg6[%sub3A_178, %dma_wait3A_300, %dma_wait3A_301] : memref<2x5x80xi32, #tpu.memory_space<vmem>> -> memref<1x1x80xi32, #tpu.memory_space<vmem>>
          %dma_wait3A_303 = tpu.memref_squeeze %dma_wait3A_302 : memref<1x1x80xi32, #tpu.memory_space<vmem>> -> memref<80xi32, #tpu.memory_space<vmem>>
          %dma_wait3A_304 = arith.constant 0 : i32
          %dma_wait3A_305 = tpu.memref_slice %arg8[%dma_wait3A_304] : memref<10000xf32, #tpu.memory_space<vmem_shared>> -> memref<10000xf32, #tpu.memory_space<vmem_shared>>
          %dma_wait3A_306 = tpu.memref_slice %arg10[%sub3A_178] : memref<2x!tpu.dma_semaphore, #tpu.memory_space<semaphore_mem>> -> memref<1x!tpu.dma_semaphore, #tpu.memory_space<semaphore_mem>>
          %dma_wait3A_307 = tpu.memref_squeeze %dma_wait3A_306 : memref<1x!tpu.dma_semaphore, #tpu.memory_space<semaphore_mem>> -> memref<!tpu.dma_semaphore, #tpu.memory_space<semaphore_mem>>
          tpu.wait_indirect_dma semaphore(%dma_wait3A_307 : memref<!tpu.dma_semaphore, #tpu.memory_space<semaphore_mem>>) src(%arg7 : memref<80xf32, #tpu.memory_space<vmem>>) dst(%dma_wait3A_305 : memref<10000xf32, #tpu.memory_space<vmem_shared>>)
          %dma_wait3A_308 = arith.constant 3 : i32
          %dma_wait3A_309 = arith.constant 0 : i32
          %dma_wait3A_310 = tpu.memref_slice %arg6[%sub3A_178, %dma_wait3A_308, %dma_wait3A_309] : memref<2x5x80xi32, #tpu.memory_space<vmem>> -> memref<1x1x80xi32, #tpu.memory_space<vmem>>
          %dma_wait3A_311 = tpu.memref_squeeze %dma_wait3A_310 : memref<1x1x80xi32, #tpu.memory_space<vmem>> -> memref<80xi32, #tpu.memory_space<vmem>>
          %dma_wait3A_312 = arith.constant 0 : i32
          %dma_wait3A_313 = tpu.memref_slice %arg8[%dma_wait3A_312] : memref<10000xf32, #tpu.memory_space<vmem_shared>> -> memref<10000xf32, #tpu.memory_space<vmem_shared>>
          %dma_wait3A_314 = tpu.memref_slice %arg10[%sub3A_178] : memref<2x!tpu.dma_semaphore, #tpu.memory_space<semaphore_mem>> -> memref<1x!tpu.dma_semaphore, #tpu.memory_space<semaphore_mem>>
          %dma_wait3A_315 = tpu.memref_squeeze %dma_wait3A_314 : memref<1x!tpu.dma_semaphore, #tpu.memory_space<semaphore_mem>> -> memref<!tpu.dma_semaphore, #tpu.memory_space<semaphore_mem>>
          tpu.wait_indirect_dma semaphore(%dma_wait3A_315 : memref<!tpu.dma_semaphore, #tpu.memory_space<semaphore_mem>>) src(%arg7 : memref<80xf32, #tpu.memory_space<vmem>>) dst(%dma_wait3A_313 : memref<10000xf32, #tpu.memory_space<vmem_shared>>)
          %dma_wait3A_316 = arith.constant 4 : i32
          %dma_wait3A_317 = arith.constant 0 : i32
          %dma_wait3A_318 = tpu.memref_slice %arg6[%sub3A_178, %dma_wait3A_316, %dma_wait3A_317] : memref<2x5x80xi32, #tpu.memory_space<vmem>> -> memref<1x1x80xi32, #tpu.memory_space<vmem>>
          %dma_wait3A_319 = tpu.memref_squeeze %dma_wait3A_318 : memref<1x1x80xi32, #tpu.memory_space<vmem>> -> memref<80xi32, #tpu.memory_space<vmem>>
          %dma_wait3A_320 = arith.constant 0 : i32
          %dma_wait3A_321 = tpu.memref_slice %arg8[%dma_wait3A_320] : memref<10000xf32, #tpu.memory_space<vmem_shared>> -> memref<10000xf32, #tpu.memory_space<vmem_shared>>
          %dma_wait3A_322 = tpu.memref_slice %arg10[%sub3A_178] : memref<2x!tpu.dma_semaphore, #tpu.memory_space<semaphore_mem>> -> memref<1x!tpu.dma_semaphore, #tpu.memory_space<semaphore_mem>>
          %dma_wait3A_323 = tpu.memref_squeeze %dma_wait3A_322 : memref<1x!tpu.dma_semaphore, #tpu.memory_space<semaphore_mem>> -> memref<!tpu.dma_semaphore, #tpu.memory_space<semaphore_mem>>
          tpu.wait_indirect_dma semaphore(%dma_wait3A_323 : memref<!tpu.dma_semaphore, #tpu.memory_space<semaphore_mem>>) src(%arg7 : memref<80xf32, #tpu.memory_space<vmem>>) dst(%dma_wait3A_321 : memref<10000xf32, #tpu.memory_space<vmem_shared>>)
        } else {
        }
        %add3A_183 = arith.constant 1 : i32
        %add3A_184 = arith.addi %scan3A_176, %add3A_183 : i32
        %lt3A = arith.constant 25 : i32
        %lt3A_185 = arith.cmpi slt, %add3A_184, %lt3A : i32
        %convert_element_type3A_186 = arith.extui %lt3A_185 : i1 to i32
        %cond3A_187 = arith.constant 0 : i32
        %cond3A_188 = arith.cmpi ne, %convert_element_type3A_186, %cond3A_187 : i32
        scf.if %cond3A_188 {
          %add3A_284 = arith.constant 1 : i32
          %add3A_285 = arith.addi %scan3A_176, %add3A_284 : i32
          %mul3A_286 = arith.constant 400 : i32
          %mul3A_287 = arith.muli %add3A_285, %mul3A_286 : i32
          %add3A_288 = arith.addi %mul3A_22, %mul3A_287 : i32
          %add3A_289 = arith.constant 0 : i32
          %add3A_290 = arith.addi %add3A_288, %add3A_289 : i32
          %dma_start3A_291 = arith.constant 0 : i32
          %dma_start3A_292 = arith.constant 0 : i32
          %dma_start3A_293 = tpu.memref_slice %arg6[%sub3A_178, %dma_start3A_291, %dma_start3A_292] : memref<2x5x80xi32, #tpu.memory_space<vmem>> -> memref<1x1x80xi32, #tpu.memory_space<vmem>>
          %dma_start3A_294 = tpu.memref_squeeze %dma_start3A_293 : memref<1x1x80xi32, #tpu.memory_space<vmem>> -> memref<80xi32, #tpu.memory_space<vmem>>
          %dma_start3A_295 = tpu.memref_slice %arg2[%add3A_290] : memref<160000xi32, #tpu.memory_space<hbm>> -> memref<80xi32, #tpu.memory_space<hbm>>
          %dma_start3A_296 = tpu.memref_slice %arg9[%sub3A_178] : memref<2x!tpu.dma_semaphore, #tpu.memory_space<semaphore_mem>> -> memref<1x!tpu.dma_semaphore, #tpu.memory_space<semaphore_mem>>
          %dma_start3A_297 = tpu.memref_squeeze %dma_start3A_296 : memref<1x!tpu.dma_semaphore, #tpu.memory_space<semaphore_mem>> -> memref<!tpu.dma_semaphore, #tpu.memory_space<semaphore_mem>>
          %dma_start3A_298 = arith.constant 0 : i32
          %dma_start3A_299 = tpu.memref_slice %arg6[%sub3A_178, %dma_start3A_291, %dma_start3A_298] : memref<2x5x80xi32, #tpu.memory_space<vmem>> -> memref<1x1x80xi32, #tpu.memory_space<vmem>>
          %dma_start3A_300 = tpu.memref_squeeze %dma_start3A_299 : memref<1x1x80xi32, #tpu.memory_space<vmem>> -> memref<80xi32, #tpu.memory_space<vmem>>
          %dma_start3A_301 = tpu.memref_slice %arg2[%add3A_290] : memref<160000xi32, #tpu.memory_space<hbm>> -> memref<80xi32, #tpu.memory_space<hbm>>
          tpu.enqueue_dma source(%dma_start3A_301 : memref<80xi32, #tpu.memory_space<hbm>>) target(%dma_start3A_300 : memref<80xi32, #tpu.memory_space<vmem>>) target_semaphore(%dma_start3A_297 : memref<!tpu.dma_semaphore, #tpu.memory_space<semaphore_mem>>)
          %mul3A_302 = arith.constant 400 : i32
          %mul3A_303 = arith.muli %add3A_285, %mul3A_302 : i32
          %add3A_304 = arith.addi %mul3A_22, %mul3A_303 : i32
          %add3A_305 = arith.constant 80 : i32
          %add3A_306 = arith.addi %add3A_304, %add3A_305 : i32
          %dma_start3A_307 = arith.constant 1 : i32
          %dma_start3A_308 = arith.constant 0 : i32
          %dma_start3A_309 = tpu.memref_slice %arg6[%sub3A_178, %dma_start3A_307, %dma_start3A_308] : memref<2x5x80xi32, #tpu.memory_space<vmem>> -> memref<1x1x80xi32, #tpu.memory_space<vmem>>
          %dma_start3A_310 = tpu.memref_squeeze %dma_start3A_309 : memref<1x1x80xi32, #tpu.memory_space<vmem>> -> memref<80xi32, #tpu.memory_space<vmem>>
          %dma_start3A_311 = tpu.memref_slice %arg2[%add3A_306] : memref<160000xi32, #tpu.memory_space<hbm>> -> memref<80xi32, #tpu.memory_space<hbm>>
          %dma_start3A_312 = tpu.memref_slice %arg9[%sub3A_178] : memref<2x!tpu.dma_semaphore, #tpu.memory_space<semaphore_mem>> -> memref<1x!tpu.dma_semaphore, #tpu.memory_space<semaphore_mem>>
          %dma_start3A_313 = tpu.memref_squeeze %dma_start3A_312 : memref<1x!tpu.dma_semaphore, #tpu.memory_space<semaphore_mem>> -> memref<!tpu.dma_semaphore, #tpu.memory_space<semaphore_mem>>
          %dma_start3A_314 = arith.constant 0 : i32
          %dma_start3A_315 = tpu.memref_slice %arg6[%sub3A_178, %dma_start3A_307, %dma_start3A_314] : memref<2x5x80xi32, #tpu.memory_space<vmem>> -> memref<1x1x80xi32, #tpu.memory_space<vmem>>
          %dma_start3A_316 = tpu.memref_squeeze %dma_start3A_315 : memref<1x1x80xi32, #tpu.memory_space<vmem>> -> memref<80xi32, #tpu.memory_space<vmem>>
          %dma_start3A_317 = tpu.memref_slice %arg2[%add3A_306] : memref<160000xi32, #tpu.memory_space<hbm>> -> memref<80xi32, #tpu.memory_space<hbm>>
          tpu.enqueue_dma source(%dma_start3A_317 : memref<80xi32, #tpu.memory_space<hbm>>) target(%dma_start3A_316 : memref<80xi32, #tpu.memory_space<vmem>>) target_semaphore(%dma_start3A_313 : memref<!tpu.dma_semaphore, #tpu.memory_space<semaphore_mem>>)
          %mul3A_318 = arith.constant 400 : i32
          %mul3A_319 = arith.muli %add3A_285, %mul3A_318 : i32
          %add3A_320 = arith.addi %mul3A_22, %mul3A_319 : i32
          %add3A_321 = arith.constant 160 : i32
          %add3A_322 = arith.addi %add3A_320, %add3A_321 : i32
          %dma_start3A_323 = arith.constant 2 : i32
          %dma_start3A_324 = arith.constant 0 : i32
          %dma_start3A_325 = tpu.memref_slice %arg6[%sub3A_178, %dma_start3A_323, %dma_start3A_324] : memref<2x5x80xi32, #tpu.memory_space<vmem>> -> memref<1x1x80xi32, #tpu.memory_space<vmem>>
          %dma_start3A_326 = tpu.memref_squeeze %dma_start3A_325 : memref<1x1x80xi32, #tpu.memory_space<vmem>> -> memref<80xi32, #tpu.memory_space<vmem>>
          %dma_start3A_327 = tpu.memref_slice %arg2[%add3A_322] : memref<160000xi32, #tpu.memory_space<hbm>> -> memref<80xi32, #tpu.memory_space<hbm>>
          %dma_start3A_328 = tpu.memref_slice %arg9[%sub3A_178] : memref<2x!tpu.dma_semaphore, #tpu.memory_space<semaphore_mem>> -> memref<1x!tpu.dma_semaphore, #tpu.memory_space<semaphore_mem>>
          %dma_start3A_329 = tpu.memref_squeeze %dma_start3A_328 : memref<1x!tpu.dma_semaphore, #tpu.memory_space<semaphore_mem>> -> memref<!tpu.dma_semaphore, #tpu.memory_space<semaphore_mem>>
          %dma_start3A_330 = arith.constant 0 : i32
          %dma_start3A_331 = tpu.memref_slice %arg6[%sub3A_178, %dma_start3A_323, %dma_start3A_330] : memref<2x5x80xi32, #tpu.memory_space<vmem>> -> memref<1x1x80xi32, #tpu.memory_space<vmem>>
          %dma_start3A_332 = tpu.memref_squeeze %dma_start3A_331 : memref<1x1x80xi32, #tpu.memory_space<vmem>> -> memref<80xi32, #tpu.memory_space<vmem>>
          %dma_start3A_333 = tpu.memref_slice %arg2[%add3A_322] : memref<160000xi32, #tpu.memory_space<hbm>> -> memref<80xi32, #tpu.memory_space<hbm>>
          tpu.enqueue_dma source(%dma_start3A_333 : memref<80xi32, #tpu.memory_space<hbm>>) target(%dma_start3A_332 : memref<80xi32, #tpu.memory_space<vmem>>) target_semaphore(%dma_start3A_329 : memref<!tpu.dma_semaphore, #tpu.memory_space<semaphore_mem>>)
          %mul3A_334 = arith.constant 400 : i32
          %mul3A_335 = arith.muli %add3A_285, %mul3A_334 : i32
          %add3A_336 = arith.addi %mul3A_22, %mul3A_335 : i32
          %add3A_337 = arith.constant 240 : i32
          %add3A_338 = arith.addi %add3A_336, %add3A_337 : i32
          %dma_start3A_339 = arith.constant 3 : i32
          %dma_start3A_340 = arith.constant 0 : i32
          %dma_start3A_341 = tpu.memref_slice %arg6[%sub3A_178, %dma_start3A_339, %dma_start3A_340] : memref<2x5x80xi32, #tpu.memory_space<vmem>> -> memref<1x1x80xi32, #tpu.memory_space<vmem>>
          %dma_start3A_342 = tpu.memref_squeeze %dma_start3A_341 : memref<1x1x80xi32, #tpu.memory_space<vmem>> -> memref<80xi32, #tpu.memory_space<vmem>>
          %dma_start3A_343 = tpu.memref_slice %arg2[%add3A_338] : memref<160000xi32, #tpu.memory_space<hbm>> -> memref<80xi32, #tpu.memory_space<hbm>>
          %dma_start3A_344 = tpu.memref_slice %arg9[%sub3A_178] : memref<2x!tpu.dma_semaphore, #tpu.memory_space<semaphore_mem>> -> memref<1x!tpu.dma_semaphore, #tpu.memory_space<semaphore_mem>>
          %dma_start3A_345 = tpu.memref_squeeze %dma_start3A_344 : memref<1x!tpu.dma_semaphore, #tpu.memory_space<semaphore_mem>> -> memref<!tpu.dma_semaphore, #tpu.memory_space<semaphore_mem>>
          %dma_start3A_346 = arith.constant 0 : i32
          %dma_start3A_347 = tpu.memref_slice %arg6[%sub3A_178, %dma_start3A_339, %dma_start3A_346] : memref<2x5x80xi32, #tpu.memory_space<vmem>> -> memref<1x1x80xi32, #tpu.memory_space<vmem>>
          %dma_start3A_348 = tpu.memref_squeeze %dma_start3A_347 : memref<1x1x80xi32, #tpu.memory_space<vmem>> -> memref<80xi32, #tpu.memory_space<vmem>>
          %dma_start3A_349 = tpu.memref_slice %arg2[%add3A_338] : memref<160000xi32, #tpu.memory_space<hbm>> -> memref<80xi32, #tpu.memory_space<hbm>>
          tpu.enqueue_dma source(%dma_start3A_349 : memref<80xi32, #tpu.memory_space<hbm>>) target(%dma_start3A_348 : memref<80xi32, #tpu.memory_space<vmem>>) target_semaphore(%dma_start3A_345 : memref<!tpu.dma_semaphore, #tpu.memory_space<semaphore_mem>>)
          %mul3A_350 = arith.constant 400 : i32
          %mul3A_351 = arith.muli %add3A_285, %mul3A_350 : i32
          %add3A_352 = arith.addi %mul3A_22, %mul3A_351 : i32
          %add3A_353 = arith.constant 320 : i32
          %add3A_354 = arith.addi %add3A_352, %add3A_353 : i32
          %dma_start3A_355 = arith.constant 4 : i32
          %dma_start3A_356 = arith.constant 0 : i32
          %dma_start3A_357 = tpu.memref_slice %arg6[%sub3A_178, %dma_start3A_355, %dma_start3A_356] : memref<2x5x80xi32, #tpu.memory_space<vmem>> -> memref<1x1x80xi32, #tpu.memory_space<vmem>>
          %dma_start3A_358 = tpu.memref_squeeze %dma_start3A_357 : memref<1x1x80xi32, #tpu.memory_space<vmem>> -> memref<80xi32, #tpu.memory_space<vmem>>
          %dma_start3A_359 = tpu.memref_slice %arg2[%add3A_354] : memref<160000xi32, #tpu.memory_space<hbm>> -> memref<80xi32, #tpu.memory_space<hbm>>
          %dma_start3A_360 = tpu.memref_slice %arg9[%sub3A_178] : memref<2x!tpu.dma_semaphore, #tpu.memory_space<semaphore_mem>> -> memref<1x!tpu.dma_semaphore, #tpu.memory_space<semaphore_mem>>
          %dma_start3A_361 = tpu.memref_squeeze %dma_start3A_360 : memref<1x!tpu.dma_semaphore, #tpu.memory_space<semaphore_mem>> -> memref<!tpu.dma_semaphore, #tpu.memory_space<semaphore_mem>>
          %dma_start3A_362 = arith.constant 0 : i32
          %dma_start3A_363 = tpu.memref_slice %arg6[%sub3A_178, %dma_start3A_355, %dma_start3A_362] : memref<2x5x80xi32, #tpu.memory_space<vmem>> -> memref<1x1x80xi32, #tpu.memory_space<vmem>>
          %dma_start3A_364 = tpu.memref_squeeze %dma_start3A_363 : memref<1x1x80xi32, #tpu.memory_space<vmem>> -> memref<80xi32, #tpu.memory_space<vmem>>
          %dma_start3A_365 = tpu.memref_slice %arg2[%add3A_354] : memref<160000xi32, #tpu.memory_space<hbm>> -> memref<80xi32, #tpu.memory_space<hbm>>
          tpu.enqueue_dma source(%dma_start3A_365 : memref<80xi32, #tpu.memory_space<hbm>>) target(%dma_start3A_364 : memref<80xi32, #tpu.memory_space<vmem>>) target_semaphore(%dma_start3A_361 : memref<!tpu.dma_semaphore, #tpu.memory_space<semaphore_mem>>)
        } else {
        }
        %dma_wait3A_189 = arith.constant 0 : i32
        %dma_wait3A_190 = arith.constant 0 : i32
        %dma_wait3A_191 = tpu.memref_slice %arg6[%rem3A_177, %dma_wait3A_189, %dma_wait3A_190] : memref<2x5x80xi32, #tpu.memory_space<vmem>> -> memref<1x1x80xi32, #tpu.memory_space<vmem>>
        %dma_wait3A_192 = tpu.memref_squeeze %dma_wait3A_191 : memref<1x1x80xi32, #tpu.memory_space<vmem>> -> memref<80xi32, #tpu.memory_space<vmem>>
        %dma_wait3A_193 = tpu.memref_slice %arg2[%mul3A_22] : memref<160000xi32, #tpu.memory_space<hbm>> -> memref<80xi32, #tpu.memory_space<hbm>>
        %dma_wait3A_194 = tpu.memref_slice %arg9[%rem3A_177] : memref<2x!tpu.dma_semaphore, #tpu.memory_space<semaphore_mem>> -> memref<1x!tpu.dma_semaphore, #tpu.memory_space<semaphore_mem>>
        %dma_wait3A_195 = tpu.memref_squeeze %dma_wait3A_194 : memref<1x!tpu.dma_semaphore, #tpu.memory_space<semaphore_mem>> -> memref<!tpu.dma_semaphore, #tpu.memory_space<semaphore_mem>>
        %dma_wait3A_196 = arith.constant 0 : i32
        %dma_wait3A_197 = tpu.memref_slice %arg6[%rem3A_177, %dma_wait3A_189, %dma_wait3A_196] : memref<2x5x80xi32, #tpu.memory_space<vmem>> -> memref<1x1x80xi32, #tpu.memory_space<vmem>>
        %dma_wait3A_198 = tpu.memref_squeeze %dma_wait3A_197 : memref<1x1x80xi32, #tpu.memory_space<vmem>> -> memref<80xi32, #tpu.memory_space<vmem>>
        %dma_wait3A_199 = tpu.memref_slice %arg2[%mul3A_22] : memref<160000xi32, #tpu.memory_space<hbm>> -> memref<80xi32, #tpu.memory_space<hbm>>
        tpu.wait_dma2 semaphore(%dma_wait3A_195 : memref<!tpu.dma_semaphore, #tpu.memory_space<semaphore_mem>>) src(%dma_wait3A_199 : memref<80xi32, #tpu.memory_space<hbm>>) dst(%dma_wait3A_198 : memref<80xi32, #tpu.memory_space<vmem>>)
        %dma_wait3A_200 = arith.constant 1 : i32
        %dma_wait3A_201 = arith.constant 0 : i32
        %dma_wait3A_202 = tpu.memref_slice %arg6[%rem3A_177, %dma_wait3A_200, %dma_wait3A_201] : memref<2x5x80xi32, #tpu.memory_space<vmem>> -> memref<1x1x80xi32, #tpu.memory_space<vmem>>
        %dma_wait3A_203 = tpu.memref_squeeze %dma_wait3A_202 : memref<1x1x80xi32, #tpu.memory_space<vmem>> -> memref<80xi32, #tpu.memory_space<vmem>>
        %dma_wait3A_204 = tpu.memref_slice %arg2[%mul3A_22] : memref<160000xi32, #tpu.memory_space<hbm>> -> memref<80xi32, #tpu.memory_space<hbm>>
        %dma_wait3A_205 = tpu.memref_slice %arg9[%rem3A_177] : memref<2x!tpu.dma_semaphore, #tpu.memory_space<semaphore_mem>> -> memref<1x!tpu.dma_semaphore, #tpu.memory_space<semaphore_mem>>
        %dma_wait3A_206 = tpu.memref_squeeze %dma_wait3A_205 : memref<1x!tpu.dma_semaphore, #tpu.memory_space<semaphore_mem>> -> memref<!tpu.dma_semaphore, #tpu.memory_space<semaphore_mem>>
        %dma_wait3A_207 = arith.constant 0 : i32
        %dma_wait3A_208 = tpu.memref_slice %arg6[%rem3A_177, %dma_wait3A_200, %dma_wait3A_207] : memref<2x5x80xi32, #tpu.memory_space<vmem>> -> memref<1x1x80xi32, #tpu.memory_space<vmem>>
        %dma_wait3A_209 = tpu.memref_squeeze %dma_wait3A_208 : memref<1x1x80xi32, #tpu.memory_space<vmem>> -> memref<80xi32, #tpu.memory_space<vmem>>
        %dma_wait3A_210 = tpu.memref_slice %arg2[%mul3A_22] : memref<160000xi32, #tpu.memory_space<hbm>> -> memref<80xi32, #tpu.memory_space<hbm>>
        tpu.wait_dma2 semaphore(%dma_wait3A_206 : memref<!tpu.dma_semaphore, #tpu.memory_space<semaphore_mem>>) src(%dma_wait3A_210 : memref<80xi32, #tpu.memory_space<hbm>>) dst(%dma_wait3A_209 : memref<80xi32, #tpu.memory_space<vmem>>)
        %dma_wait3A_211 = arith.constant 2 : i32
        %dma_wait3A_212 = arith.constant 0 : i32
        %dma_wait3A_213 = tpu.memref_slice %arg6[%rem3A_177, %dma_wait3A_211, %dma_wait3A_212] : memref<2x5x80xi32, #tpu.memory_space<vmem>> -> memref<1x1x80xi32, #tpu.memory_space<vmem>>
        %dma_wait3A_214 = tpu.memref_squeeze %dma_wait3A_213 : memref<1x1x80xi32, #tpu.memory_space<vmem>> -> memref<80xi32, #tpu.memory_space<vmem>>
        %dma_wait3A_215 = tpu.memref_slice %arg2[%mul3A_22] : memref<160000xi32, #tpu.memory_space<hbm>> -> memref<80xi32, #tpu.memory_space<hbm>>
        %dma_wait3A_216 = tpu.memref_slice %arg9[%rem3A_177] : memref<2x!tpu.dma_semaphore, #tpu.memory_space<semaphore_mem>> -> memref<1x!tpu.dma_semaphore, #tpu.memory_space<semaphore_mem>>
        %dma_wait3A_217 = tpu.memref_squeeze %dma_wait3A_216 : memref<1x!tpu.dma_semaphore, #tpu.memory_space<semaphore_mem>> -> memref<!tpu.dma_semaphore, #tpu.memory_space<semaphore_mem>>
        %dma_wait3A_218 = arith.constant 0 : i32
        %dma_wait3A_219 = tpu.memref_slice %arg6[%rem3A_177, %dma_wait3A_211, %dma_wait3A_218] : memref<2x5x80xi32, #tpu.memory_space<vmem>> -> memref<1x1x80xi32, #tpu.memory_space<vmem>>
        %dma_wait3A_220 = tpu.memref_squeeze %dma_wait3A_219 : memref<1x1x80xi32, #tpu.memory_space<vmem>> -> memref<80xi32, #tpu.memory_space<vmem>>
        %dma_wait3A_221 = tpu.memref_slice %arg2[%mul3A_22] : memref<160000xi32, #tpu.memory_space<hbm>> -> memref<80xi32, #tpu.memory_space<hbm>>
        tpu.wait_dma2 semaphore(%dma_wait3A_217 : memref<!tpu.dma_semaphore, #tpu.memory_space<semaphore_mem>>) src(%dma_wait3A_221 : memref<80xi32, #tpu.memory_space<hbm>>) dst(%dma_wait3A_220 : memref<80xi32, #tpu.memory_space<vmem>>)
        %dma_wait3A_222 = arith.constant 3 : i32
        %dma_wait3A_223 = arith.constant 0 : i32
        %dma_wait3A_224 = tpu.memref_slice %arg6[%rem3A_177, %dma_wait3A_222, %dma_wait3A_223] : memref<2x5x80xi32, #tpu.memory_space<vmem>> -> memref<1x1x80xi32, #tpu.memory_space<vmem>>
        %dma_wait3A_225 = tpu.memref_squeeze %dma_wait3A_224 : memref<1x1x80xi32, #tpu.memory_space<vmem>> -> memref<80xi32, #tpu.memory_space<vmem>>
        %dma_wait3A_226 = tpu.memref_slice %arg2[%mul3A_22] : memref<160000xi32, #tpu.memory_space<hbm>> -> memref<80xi32, #tpu.memory_space<hbm>>
        %dma_wait3A_227 = tpu.memref_slice %arg9[%rem3A_177] : memref<2x!tpu.dma_semaphore, #tpu.memory_space<semaphore_mem>> -> memref<1x!tpu.dma_semaphore, #tpu.memory_space<semaphore_mem>>
        %dma_wait3A_228 = tpu.memref_squeeze %dma_wait3A_227 : memref<1x!tpu.dma_semaphore, #tpu.memory_space<semaphore_mem>> -> memref<!tpu.dma_semaphore, #tpu.memory_space<semaphore_mem>>
        %dma_wait3A_229 = arith.constant 0 : i32
        %dma_wait3A_230 = tpu.memref_slice %arg6[%rem3A_177, %dma_wait3A_222, %dma_wait3A_229] : memref<2x5x80xi32, #tpu.memory_space<vmem>> -> memref<1x1x80xi32, #tpu.memory_space<vmem>>
        %dma_wait3A_231 = tpu.memref_squeeze %dma_wait3A_230 : memref<1x1x80xi32, #tpu.memory_space<vmem>> -> memref<80xi32, #tpu.memory_space<vmem>>
        %dma_wait3A_232 = tpu.memref_slice %arg2[%mul3A_22] : memref<160000xi32, #tpu.memory_space<hbm>> -> memref<80xi32, #tpu.memory_space<hbm>>
        tpu.wait_dma2 semaphore(%dma_wait3A_228 : memref<!tpu.dma_semaphore, #tpu.memory_space<semaphore_mem>>) src(%dma_wait3A_232 : memref<80xi32, #tpu.memory_space<hbm>>) dst(%dma_wait3A_231 : memref<80xi32, #tpu.memory_space<vmem>>)
        %dma_wait3A_233 = arith.constant 4 : i32
        %dma_wait3A_234 = arith.constant 0 : i32
        %dma_wait3A_235 = tpu.memref_slice %arg6[%rem3A_177, %dma_wait3A_233, %dma_wait3A_234] : memref<2x5x80xi32, #tpu.memory_space<vmem>> -> memref<1x1x80xi32, #tpu.memory_space<vmem>>
        %dma_wait3A_236 = tpu.memref_squeeze %dma_wait3A_235 : memref<1x1x80xi32, #tpu.memory_space<vmem>> -> memref<80xi32, #tpu.memory_space<vmem>>
        %dma_wait3A_237 = tpu.memref_slice %arg2[%mul3A_22] : memref<160000xi32, #tpu.memory_space<hbm>> -> memref<80xi32, #tpu.memory_space<hbm>>
        %dma_wait3A_238 = tpu.memref_slice %arg9[%rem3A_177] : memref<2x!tpu.dma_semaphore, #tpu.memory_space<semaphore_mem>> -> memref<1x!tpu.dma_semaphore, #tpu.memory_space<semaphore_mem>>
        %dma_wait3A_239 = tpu.memref_squeeze %dma_wait3A_238 : memref<1x!tpu.dma_semaphore, #tpu.memory_space<semaphore_mem>> -> memref<!tpu.dma_semaphore, #tpu.memory_space<semaphore_mem>>
        %dma_wait3A_240 = arith.constant 0 : i32
        %dma_wait3A_241 = tpu.memref_slice %arg6[%rem3A_177, %dma_wait3A_233, %dma_wait3A_240] : memref<2x5x80xi32, #tpu.memory_space<vmem>> -> memref<1x1x80xi32, #tpu.memory_space<vmem>>
        %dma_wait3A_242 = tpu.memref_squeeze %dma_wait3A_241 : memref<1x1x80xi32, #tpu.memory_space<vmem>> -> memref<80xi32, #tpu.memory_space<vmem>>
        %dma_wait3A_243 = tpu.memref_slice %arg2[%mul3A_22] : memref<160000xi32, #tpu.memory_space<hbm>> -> memref<80xi32, #tpu.memory_space<hbm>>
        tpu.wait_dma2 semaphore(%dma_wait3A_239 : memref<!tpu.dma_semaphore, #tpu.memory_space<semaphore_mem>>) src(%dma_wait3A_243 : memref<80xi32, #tpu.memory_space<hbm>>) dst(%dma_wait3A_242 : memref<80xi32, #tpu.memory_space<vmem>>)
        %dma_start3A_244 = arith.constant 0 : i32
        %dma_start3A_245 = arith.constant 0 : i32
        %dma_start3A_246 = tpu.memref_slice %arg6[%rem3A_177, %dma_start3A_244, %dma_start3A_245] : memref<2x5x80xi32, #tpu.memory_space<vmem>> -> memref<1x1x80xi32, #tpu.memory_space<vmem>>
        %dma_start3A_247 = tpu.memref_squeeze %dma_start3A_246 : memref<1x1x80xi32, #tpu.memory_space<vmem>> -> memref<80xi32, #tpu.memory_space<vmem>>
        %dma_start3A_248 = arith.constant 0 : i32
        %dma_start3A_249 = tpu.memref_slice %arg8[%dma_start3A_248] : memref<10000xf32, #tpu.memory_space<vmem_shared>> -> memref<10000xf32, #tpu.memory_space<vmem_shared>>
        %dma_start3A_250 = tpu.memref_slice %arg10[%rem3A_177] : memref<2x!tpu.dma_semaphore, #tpu.memory_space<semaphore_mem>> -> memref<1x!tpu.dma_semaphore, #tpu.memory_space<semaphore_mem>>
        %dma_start3A_251 = tpu.memref_squeeze %dma_start3A_250 : memref<1x!tpu.dma_semaphore, #tpu.memory_space<semaphore_mem>> -> memref<!tpu.dma_semaphore, #tpu.memory_space<semaphore_mem>>
        tpu.enqueue_indirect_dma source(%arg7 : memref<80xf32, #tpu.memory_space<vmem>>) target(%dma_start3A_249 : memref<10000xf32, #tpu.memory_space<vmem_shared>>) offsets(%dma_start3A_247 : memref<80xi32, #tpu.memory_space<vmem>>) semaphore(%dma_start3A_251 : memref<!tpu.dma_semaphore, #tpu.memory_space<semaphore_mem>>) {add = true}
        %dma_start3A_252 = arith.constant 1 : i32
        %dma_start3A_253 = arith.constant 0 : i32
        %dma_start3A_254 = tpu.memref_slice %arg6[%rem3A_177, %dma_start3A_252, %dma_start3A_253] : memref<2x5x80xi32, #tpu.memory_space<vmem>> -> memref<1x1x80xi32, #tpu.memory_space<vmem>>
        %dma_start3A_255 = tpu.memref_squeeze %dma_start3A_254 : memref<1x1x80xi32, #tpu.memory_space<vmem>> -> memref<80xi32, #tpu.memory_space<vmem>>
        %dma_start3A_256 = arith.constant 0 : i32
        %dma_start3A_257 = tpu.memref_slice %arg8[%dma_start3A_256] : memref<10000xf32, #tpu.memory_space<vmem_shared>> -> memref<10000xf32, #tpu.memory_space<vmem_shared>>
        %dma_start3A_258 = tpu.memref_slice %arg10[%rem3A_177] : memref<2x!tpu.dma_semaphore, #tpu.memory_space<semaphore_mem>> -> memref<1x!tpu.dma_semaphore, #tpu.memory_space<semaphore_mem>>
        %dma_start3A_259 = tpu.memref_squeeze %dma_start3A_258 : memref<1x!tpu.dma_semaphore, #tpu.memory_space<semaphore_mem>> -> memref<!tpu.dma_semaphore, #tpu.memory_space<semaphore_mem>>
        tpu.enqueue_indirect_dma source(%arg7 : memref<80xf32, #tpu.memory_space<vmem>>) target(%dma_start3A_257 : memref<10000xf32, #tpu.memory_space<vmem_shared>>) offsets(%dma_start3A_255 : memref<80xi32, #tpu.memory_space<vmem>>) semaphore(%dma_start3A_259 : memref<!tpu.dma_semaphore, #tpu.memory_space<semaphore_mem>>) {add = true}
        %dma_start3A_260 = arith.constant 2 : i32
        %dma_start3A_261 = arith.constant 0 : i32
        %dma_start3A_262 = tpu.memref_slice %arg6[%rem3A_177, %dma_start3A_260, %dma_start3A_261] : memref<2x5x80xi32, #tpu.memory_space<vmem>> -> memref<1x1x80xi32, #tpu.memory_space<vmem>>
        %dma_start3A_263 = tpu.memref_squeeze %dma_start3A_262 : memref<1x1x80xi32, #tpu.memory_space<vmem>> -> memref<80xi32, #tpu.memory_space<vmem>>
        %dma_start3A_264 = arith.constant 0 : i32
        %dma_start3A_265 = tpu.memref_slice %arg8[%dma_start3A_264] : memref<10000xf32, #tpu.memory_space<vmem_shared>> -> memref<10000xf32, #tpu.memory_space<vmem_shared>>
        %dma_start3A_266 = tpu.memref_slice %arg10[%rem3A_177] : memref<2x!tpu.dma_semaphore, #tpu.memory_space<semaphore_mem>> -> memref<1x!tpu.dma_semaphore, #tpu.memory_space<semaphore_mem>>
        %dma_start3A_267 = tpu.memref_squeeze %dma_start3A_266 : memref<1x!tpu.dma_semaphore, #tpu.memory_space<semaphore_mem>> -> memref<!tpu.dma_semaphore, #tpu.memory_space<semaphore_mem>>
        tpu.enqueue_indirect_dma source(%arg7 : memref<80xf32, #tpu.memory_space<vmem>>) target(%dma_start3A_265 : memref<10000xf32, #tpu.memory_space<vmem_shared>>) offsets(%dma_start3A_263 : memref<80xi32, #tpu.memory_space<vmem>>) semaphore(%dma_start3A_267 : memref<!tpu.dma_semaphore, #tpu.memory_space<semaphore_mem>>) {add = true}
        %dma_start3A_268 = arith.constant 3 : i32
        %dma_start3A_269 = arith.constant 0 : i32
        %dma_start3A_270 = tpu.memref_slice %arg6[%rem3A_177, %dma_start3A_268, %dma_start3A_269] : memref<2x5x80xi32, #tpu.memory_space<vmem>> -> memref<1x1x80xi32, #tpu.memory_space<vmem>>
        %dma_start3A_271 = tpu.memref_squeeze %dma_start3A_270 : memref<1x1x80xi32, #tpu.memory_space<vmem>> -> memref<80xi32, #tpu.memory_space<vmem>>
        %dma_start3A_272 = arith.constant 0 : i32
        %dma_start3A_273 = tpu.memref_slice %arg8[%dma_start3A_272] : memref<10000xf32, #tpu.memory_space<vmem_shared>> -> memref<10000xf32, #tpu.memory_space<vmem_shared>>
        %dma_start3A_274 = tpu.memref_slice %arg10[%rem3A_177] : memref<2x!tpu.dma_semaphore, #tpu.memory_space<semaphore_mem>> -> memref<1x!tpu.dma_semaphore, #tpu.memory_space<semaphore_mem>>
        %dma_start3A_275 = tpu.memref_squeeze %dma_start3A_274 : memref<1x!tpu.dma_semaphore, #tpu.memory_space<semaphore_mem>> -> memref<!tpu.dma_semaphore, #tpu.memory_space<semaphore_mem>>
        tpu.enqueue_indirect_dma source(%arg7 : memref<80xf32, #tpu.memory_space<vmem>>) target(%dma_start3A_273 : memref<10000xf32, #tpu.memory_space<vmem_shared>>) offsets(%dma_start3A_271 : memref<80xi32, #tpu.memory_space<vmem>>) semaphore(%dma_start3A_275 : memref<!tpu.dma_semaphore, #tpu.memory_space<semaphore_mem>>) {add = true}
        %dma_start3A_276 = arith.constant 4 : i32
        %dma_start3A_277 = arith.constant 0 : i32
        %dma_start3A_278 = tpu.memref_slice %arg6[%rem3A_177, %dma_start3A_276, %dma_start3A_277] : memref<2x5x80xi32, #tpu.memory_space<vmem>> -> memref<1x1x80xi32, #tpu.memory_space<vmem>>
        %dma_start3A_279 = tpu.memref_squeeze %dma_start3A_278 : memref<1x1x80xi32, #tpu.memory_space<vmem>> -> memref<80xi32, #tpu.memory_space<vmem>>
        %dma_start3A_280 = arith.constant 0 : i32
        %dma_start3A_281 = tpu.memref_slice %arg8[%dma_start3A_280] : memref<10000xf32, #tpu.memory_space<vmem_shared>> -> memref<10000xf32, #tpu.memory_space<vmem_shared>>
        %dma_start3A_282 = tpu.memref_slice %arg10[%rem3A_177] : memref<2x!tpu.dma_semaphore, #tpu.memory_space<semaphore_mem>> -> memref<1x!tpu.dma_semaphore, #tpu.memory_space<semaphore_mem>>
        %dma_start3A_283 = tpu.memref_squeeze %dma_start3A_282 : memref<1x!tpu.dma_semaphore, #tpu.memory_space<semaphore_mem>> -> memref<!tpu.dma_semaphore, #tpu.memory_space<semaphore_mem>>
        tpu.enqueue_indirect_dma source(%arg7 : memref<80xf32, #tpu.memory_space<vmem>>) target(%dma_start3A_281 : memref<10000xf32, #tpu.memory_space<vmem_shared>>) offsets(%dma_start3A_279 : memref<80xi32, #tpu.memory_space<vmem>>) semaphore(%dma_start3A_283 : memref<!tpu.dma_semaphore, #tpu.memory_space<semaphore_mem>>) {add = true}
      }
      %scan3A_126 = arith.constant 25 : i32
      %dma_wait3A = arith.constant 0 : i32
      %dma_wait3A_127 = arith.constant 0 : i32
      %dma_wait3A_128 = arith.constant 0 : i32
      %dma_wait3A_129 = arith.constant 0 : i32
      %dma_wait3A_130 = tpu.memref_slice %arg6[%dma_wait3A, %dma_wait3A_127, %dma_wait3A_129] : memref<2x5x80xi32, #tpu.memory_space<vmem>> -> memref<1x1x80xi32, #tpu.memory_space<vmem>>
      %dma_wait3A_131 = tpu.memref_squeeze %dma_wait3A_130 : memref<1x1x80xi32, #tpu.memory_space<vmem>> -> memref<80xi32, #tpu.memory_space<vmem>>
      %dma_wait3A_132 = arith.constant 0 : i32
      %dma_wait3A_133 = tpu.memref_slice %arg8[%dma_wait3A_132] : memref<10000xf32, #tpu.memory_space<vmem_shared>> -> memref<10000xf32, #tpu.memory_space<vmem_shared>>
      %dma_wait3A_134 = tpu.memref_slice %arg10[%dma_wait3A_128] : memref<2x!tpu.dma_semaphore, #tpu.memory_space<semaphore_mem>> -> memref<1x!tpu.dma_semaphore, #tpu.memory_space<semaphore_mem>>
      %dma_wait3A_135 = tpu.memref_squeeze %dma_wait3A_134 : memref<1x!tpu.dma_semaphore, #tpu.memory_space<semaphore_mem>> -> memref<!tpu.dma_semaphore, #tpu.memory_space<semaphore_mem>>
      tpu.wait_indirect_dma semaphore(%dma_wait3A_135 : memref<!tpu.dma_semaphore, #tpu.memory_space<semaphore_mem>>) src(%arg7 : memref<80xf32, #tpu.memory_space<vmem>>) dst(%dma_wait3A_133 : memref<10000xf32, #tpu.memory_space<vmem_shared>>)
      %dma_wait3A_136 = arith.constant 0 : i32
      %dma_wait3A_137 = arith.constant 1 : i32
      %dma_wait3A_138 = arith.constant 0 : i32
      %dma_wait3A_139 = arith.constant 0 : i32
      %dma_wait3A_140 = tpu.memref_slice %arg6[%dma_wait3A_136, %dma_wait3A_137, %dma_wait3A_139] : memref<2x5x80xi32, #tpu.memory_space<vmem>> -> memref<1x1x80xi32, #tpu.memory_space<vmem>>
      %dma_wait3A_141 = tpu.memref_squeeze %dma_wait3A_140 : memref<1x1x80xi32, #tpu.memory_space<vmem>> -> memref<80xi32, #tpu.memory_space<vmem>>
      %dma_wait3A_142 = arith.constant 0 : i32
      %dma_wait3A_143 = tpu.memref_slice %arg8[%dma_wait3A_142] : memref<10000xf32, #tpu.memory_space<vmem_shared>> -> memref<10000xf32, #tpu.memory_space<vmem_shared>>
      %dma_wait3A_144 = tpu.memref_slice %arg10[%dma_wait3A_138] : memref<2x!tpu.dma_semaphore, #tpu.memory_space<semaphore_mem>> -> memref<1x!tpu.dma_semaphore, #tpu.memory_space<semaphore_mem>>
      %dma_wait3A_145 = tpu.memref_squeeze %dma_wait3A_144 : memref<1x!tpu.dma_semaphore, #tpu.memory_space<semaphore_mem>> -> memref<!tpu.dma_semaphore, #tpu.memory_space<semaphore_mem>>
      tpu.wait_indirect_dma semaphore(%dma_wait3A_145 : memref<!tpu.dma_semaphore, #tpu.memory_space<semaphore_mem>>) src(%arg7 : memref<80xf32, #tpu.memory_space<vmem>>) dst(%dma_wait3A_143 : memref<10000xf32, #tpu.memory_space<vmem_shared>>)
      %dma_wait3A_146 = arith.constant 0 : i32
      %dma_wait3A_147 = arith.constant 2 : i32
      %dma_wait3A_148 = arith.constant 0 : i32
      %dma_wait3A_149 = arith.constant 0 : i32
      %dma_wait3A_150 = tpu.memref_slice %arg6[%dma_wait3A_146, %dma_wait3A_147, %dma_wait3A_149] : memref<2x5x80xi32, #tpu.memory_space<vmem>> -> memref<1x1x80xi32, #tpu.memory_space<vmem>>
      %dma_wait3A_151 = tpu.memref_squeeze %dma_wait3A_150 : memref<1x1x80xi32, #tpu.memory_space<vmem>> -> memref<80xi32, #tpu.memory_space<vmem>>
      %dma_wait3A_152 = arith.constant 0 : i32
      %dma_wait3A_153 = tpu.memref_slice %arg8[%dma_wait3A_152] : memref<10000xf32, #tpu.memory_space<vmem_shared>> -> memref<10000xf32, #tpu.memory_space<vmem_shared>>
      %dma_wait3A_154 = tpu.memref_slice %arg10[%dma_wait3A_148] : memref<2x!tpu.dma_semaphore, #tpu.memory_space<semaphore_mem>> -> memref<1x!tpu.dma_semaphore, #tpu.memory_space<semaphore_mem>>
      %dma_wait3A_155 = tpu.memref_squeeze %dma_wait3A_154 : memref<1x!tpu.dma_semaphore, #tpu.memory_space<semaphore_mem>> -> memref<!tpu.dma_semaphore, #tpu.memory_space<semaphore_mem>>
      tpu.wait_indirect_dma semaphore(%dma_wait3A_155 : memref<!tpu.dma_semaphore, #tpu.memory_space<semaphore_mem>>) src(%arg7 : memref<80xf32, #tpu.memory_space<vmem>>) dst(%dma_wait3A_153 : memref<10000xf32, #tpu.memory_space<vmem_shared>>)
      %dma_wait3A_156 = arith.constant 0 : i32
      %dma_wait3A_157 = arith.constant 3 : i32
      %dma_wait3A_158 = arith.constant 0 : i32
      %dma_wait3A_159 = arith.constant 0 : i32
      %dma_wait3A_160 = tpu.memref_slice %arg6[%dma_wait3A_156, %dma_wait3A_157, %dma_wait3A_159] : memref<2x5x80xi32, #tpu.memory_space<vmem>> -> memref<1x1x80xi32, #tpu.memory_space<vmem>>
      %dma_wait3A_161 = tpu.memref_squeeze %dma_wait3A_160 : memref<1x1x80xi32, #tpu.memory_space<vmem>> -> memref<80xi32, #tpu.memory_space<vmem>>
      %dma_wait3A_162 = arith.constant 0 : i32
      %dma_wait3A_163 = tpu.memref_slice %arg8[%dma_wait3A_162] : memref<10000xf32, #tpu.memory_space<vmem_shared>> -> memref<10000xf32, #tpu.memory_space<vmem_shared>>
      %dma_wait3A_164 = tpu.memref_slice %arg10[%dma_wait3A_158] : memref<2x!tpu.dma_semaphore, #tpu.memory_space<semaphore_mem>> -> memref<1x!tpu.dma_semaphore, #tpu.memory_space<semaphore_mem>>
      %dma_wait3A_165 = tpu.memref_squeeze %dma_wait3A_164 : memref<1x!tpu.dma_semaphore, #tpu.memory_space<semaphore_mem>> -> memref<!tpu.dma_semaphore, #tpu.memory_space<semaphore_mem>>
      tpu.wait_indirect_dma semaphore(%dma_wait3A_165 : memref<!tpu.dma_semaphore, #tpu.memory_space<semaphore_mem>>) src(%arg7 : memref<80xf32, #tpu.memory_space<vmem>>) dst(%dma_wait3A_163 : memref<10000xf32, #tpu.memory_space<vmem_shared>>)
      %dma_wait3A_166 = arith.constant 0 : i32
      %dma_wait3A_167 = arith.constant 4 : i32
      %dma_wait3A_168 = arith.constant 0 : i32
      %dma_wait3A_169 = arith.constant 0 : i32
      %dma_wait3A_170 = tpu.memref_slice %arg6[%dma_wait3A_166, %dma_wait3A_167, %dma_wait3A_169] : memref<2x5x80xi32, #tpu.memory_space<vmem>> -> memref<1x1x80xi32, #tpu.memory_space<vmem>>
      %dma_wait3A_171 = tpu.memref_squeeze %dma_wait3A_170 : memref<1x1x80xi32, #tpu.memory_space<vmem>> -> memref<80xi32, #tpu.memory_space<vmem>>
      %dma_wait3A_172 = arith.constant 0 : i32
      %dma_wait3A_173 = tpu.memref_slice %arg8[%dma_wait3A_172] : memref<10000xf32, #tpu.memory_space<vmem_shared>> -> memref<10000xf32, #tpu.memory_space<vmem_shared>>
      %dma_wait3A_174 = tpu.memref_slice %arg10[%dma_wait3A_168] : memref<2x!tpu.dma_semaphore, #tpu.memory_space<semaphore_mem>> -> memref<1x!tpu.dma_semaphore, #tpu.memory_space<semaphore_mem>>
      %dma_wait3A_175 = tpu.memref_squeeze %dma_wait3A_174 : memref<1x!tpu.dma_semaphore, #tpu.memory_space<semaphore_mem>> -> memref<!tpu.dma_semaphore, #tpu.memory_space<semaphore_mem>>
      tpu.wait_indirect_dma semaphore(%dma_wait3A_175 : memref<!tpu.dma_semaphore, #tpu.memory_space<semaphore_mem>>) src(%arg7 : memref<80xf32, #tpu.memory_space<vmem>>) dst(%dma_wait3A_173 : memref<10000xf32, #tpu.memory_space<vmem_shared>>)
    } else {
    }
    %eq3A_28 = arith.constant 1 : i32
    %eq3A_29 = arith.cmpi eq, %arg0, %eq3A_28 : i32
    %convert_element_type3A_30 = arith.extui %eq3A_29 : i1 to i32
    %cond3A_31 = arith.constant 0 : i32
    %cond3A_32 = arith.cmpi ne, %convert_element_type3A_30, %cond3A_31 : i32
    scf.if %cond3A_32 {
      %add3A = arith.constant 0 : i32
      %add3A_39 = arith.addi %mul3A_22, %add3A : i32
      %add3A_40 = arith.constant 0 : i32
      %add3A_41 = arith.addi %add3A_39, %add3A_40 : i32
      %dma_start3A = arith.constant 0 : i32
      %dma_start3A_42 = arith.constant 0 : i32
      %dma_start3A_43 = arith.constant 0 : i32
      %dma_start3A_44 = arith.constant 0 : i32
      %dma_start3A_45 = tpu.memref_slice %arg6[%dma_start3A, %dma_start3A_42, %dma_start3A_44] : memref<2x5x80xi32, #tpu.memory_space<vmem>> -> memref<1x1x80xi32, #tpu.memory_space<vmem>>
      %dma_start3A_46 = tpu.memref_squeeze %dma_start3A_45 : memref<1x1x80xi32, #tpu.memory_space<vmem>> -> memref<80xi32, #tpu.memory_space<vmem>>
      %dma_start3A_47 = tpu.memref_slice %arg3[%add3A_41] : memref<160000xi32, #tpu.memory_space<hbm>> -> memref<80xi32, #tpu.memory_space<hbm>>
      %dma_start3A_48 = tpu.memref_slice %arg9[%dma_start3A_43] : memref<2x!tpu.dma_semaphore, #tpu.memory_space<semaphore_mem>> -> memref<1x!tpu.dma_semaphore, #tpu.memory_space<semaphore_mem>>
      %dma_start3A_49 = tpu.memref_squeeze %dma_start3A_48 : memref<1x!tpu.dma_semaphore, #tpu.memory_space<semaphore_mem>> -> memref<!tpu.dma_semaphore, #tpu.memory_space<semaphore_mem>>
      %dma_start3A_50 = arith.constant 0 : i32
      %dma_start3A_51 = tpu.memref_slice %arg6[%dma_start3A, %dma_start3A_42, %dma_start3A_50] : memref<2x5x80xi32, #tpu.memory_space<vmem>> -> memref<1x1x80xi32, #tpu.memory_space<vmem>>
      %dma_start3A_52 = tpu.memref_squeeze %dma_start3A_51 : memref<1x1x80xi32, #tpu.memory_space<vmem>> -> memref<80xi32, #tpu.memory_space<vmem>>
      %dma_start3A_53 = tpu.memref_slice %arg3[%add3A_41] : memref<160000xi32, #tpu.memory_space<hbm>> -> memref<80xi32, #tpu.memory_space<hbm>>
      tpu.enqueue_dma source(%dma_start3A_53 : memref<80xi32, #tpu.memory_space<hbm>>) target(%dma_start3A_52 : memref<80xi32, #tpu.memory_space<vmem>>) target_semaphore(%dma_start3A_49 : memref<!tpu.dma_semaphore, #tpu.memory_space<semaphore_mem>>)
      %add3A_54 = arith.constant 0 : i32
      %add3A_55 = arith.addi %mul3A_22, %add3A_54 : i32
      %add3A_56 = arith.constant 80 : i32
      %add3A_57 = arith.addi %add3A_55, %add3A_56 : i32
      %dma_start3A_58 = arith.constant 0 : i32
      %dma_start3A_59 = arith.constant 1 : i32
      %dma_start3A_60 = arith.constant 0 : i32
      %dma_start3A_61 = arith.constant 0 : i32
      %dma_start3A_62 = tpu.memref_slice %arg6[%dma_start3A_58, %dma_start3A_59, %dma_start3A_61] : memref<2x5x80xi32, #tpu.memory_space<vmem>> -> memref<1x1x80xi32, #tpu.memory_space<vmem>>
      %dma_start3A_63 = tpu.memref_squeeze %dma_start3A_62 : memref<1x1x80xi32, #tpu.memory_space<vmem>> -> memref<80xi32, #tpu.memory_space<vmem>>
      %dma_start3A_64 = tpu.memref_slice %arg3[%add3A_57] : memref<160000xi32, #tpu.memory_space<hbm>> -> memref<80xi32, #tpu.memory_space<hbm>>
      %dma_start3A_65 = tpu.memref_slice %arg9[%dma_start3A_60] : memref<2x!tpu.dma_semaphore, #tpu.memory_space<semaphore_mem>> -> memref<1x!tpu.dma_semaphore, #tpu.memory_space<semaphore_mem>>
      %dma_start3A_66 = tpu.memref_squeeze %dma_start3A_65 : memref<1x!tpu.dma_semaphore, #tpu.memory_space<semaphore_mem>> -> memref<!tpu.dma_semaphore, #tpu.memory_space<semaphore_mem>>
      %dma_start3A_67 = arith.constant 0 : i32
      %dma_start3A_68 = tpu.memref_slice %arg6[%dma_start3A_58, %dma_start3A_59, %dma_start3A_67] : memref<2x5x80xi32, #tpu.memory_space<vmem>> -> memref<1x1x80xi32, #tpu.memory_space<vmem>>
      %dma_start3A_69 = tpu.memref_squeeze %dma_start3A_68 : memref<1x1x80xi32, #tpu.memory_space<vmem>> -> memref<80xi32, #tpu.memory_space<vmem>>
      %dma_start3A_70 = tpu.memref_slice %arg3[%add3A_57] : memref<160000xi32, #tpu.memory_space<hbm>> -> memref<80xi32, #tpu.memory_space<hbm>>
      tpu.enqueue_dma source(%dma_start3A_70 : memref<80xi32, #tpu.memory_space<hbm>>) target(%dma_start3A_69 : memref<80xi32, #tpu.memory_space<vmem>>) target_semaphore(%dma_start3A_66 : memref<!tpu.dma_semaphore, #tpu.memory_space<semaphore_mem>>)
      %add3A_71 = arith.constant 0 : i32
      %add3A_72 = arith.addi %mul3A_22, %add3A_71 : i32
      %add3A_73 = arith.constant 160 : i32
      %add3A_74 = arith.addi %add3A_72, %add3A_73 : i32
      %dma_start3A_75 = arith.constant 0 : i32
      %dma_start3A_76 = arith.constant 2 : i32
      %dma_start3A_77 = arith.constant 0 : i32
      %dma_start3A_78 = arith.constant 0 : i32
      %dma_start3A_79 = tpu.memref_slice %arg6[%dma_start3A_75, %dma_start3A_76, %dma_start3A_78] : memref<2x5x80xi32, #tpu.memory_space<vmem>> -> memref<1x1x80xi32, #tpu.memory_space<vmem>>
      %dma_start3A_80 = tpu.memref_squeeze %dma_start3A_79 : memref<1x1x80xi32, #tpu.memory_space<vmem>> -> memref<80xi32, #tpu.memory_space<vmem>>
      %dma_start3A_81 = tpu.memref_slice %arg3[%add3A_74] : memref<160000xi32, #tpu.memory_space<hbm>> -> memref<80xi32, #tpu.memory_space<hbm>>
      %dma_start3A_82 = tpu.memref_slice %arg9[%dma_start3A_77] : memref<2x!tpu.dma_semaphore, #tpu.memory_space<semaphore_mem>> -> memref<1x!tpu.dma_semaphore, #tpu.memory_space<semaphore_mem>>
      %dma_start3A_83 = tpu.memref_squeeze %dma_start3A_82 : memref<1x!tpu.dma_semaphore, #tpu.memory_space<semaphore_mem>> -> memref<!tpu.dma_semaphore, #tpu.memory_space<semaphore_mem>>
      %dma_start3A_84 = arith.constant 0 : i32
      %dma_start3A_85 = tpu.memref_slice %arg6[%dma_start3A_75, %dma_start3A_76, %dma_start3A_84] : memref<2x5x80xi32, #tpu.memory_space<vmem>> -> memref<1x1x80xi32, #tpu.memory_space<vmem>>
      %dma_start3A_86 = tpu.memref_squeeze %dma_start3A_85 : memref<1x1x80xi32, #tpu.memory_space<vmem>> -> memref<80xi32, #tpu.memory_space<vmem>>
      %dma_start3A_87 = tpu.memref_slice %arg3[%add3A_74] : memref<160000xi32, #tpu.memory_space<hbm>> -> memref<80xi32, #tpu.memory_space<hbm>>
      tpu.enqueue_dma source(%dma_start3A_87 : memref<80xi32, #tpu.memory_space<hbm>>) target(%dma_start3A_86 : memref<80xi32, #tpu.memory_space<vmem>>) target_semaphore(%dma_start3A_83 : memref<!tpu.dma_semaphore, #tpu.memory_space<semaphore_mem>>)
      %add3A_88 = arith.constant 0 : i32
      %add3A_89 = arith.addi %mul3A_22, %add3A_88 : i32
      %add3A_90 = arith.constant 240 : i32
      %add3A_91 = arith.addi %add3A_89, %add3A_90 : i32
      %dma_start3A_92 = arith.constant 0 : i32
      %dma_start3A_93 = arith.constant 3 : i32
      %dma_start3A_94 = arith.constant 0 : i32
      %dma_start3A_95 = arith.constant 0 : i32
      %dma_start3A_96 = tpu.memref_slice %arg6[%dma_start3A_92, %dma_start3A_93, %dma_start3A_95] : memref<2x5x80xi32, #tpu.memory_space<vmem>> -> memref<1x1x80xi32, #tpu.memory_space<vmem>>
      %dma_start3A_97 = tpu.memref_squeeze %dma_start3A_96 : memref<1x1x80xi32, #tpu.memory_space<vmem>> -> memref<80xi32, #tpu.memory_space<vmem>>
      %dma_start3A_98 = tpu.memref_slice %arg3[%add3A_91] : memref<160000xi32, #tpu.memory_space<hbm>> -> memref<80xi32, #tpu.memory_space<hbm>>
      %dma_start3A_99 = tpu.memref_slice %arg9[%dma_start3A_94] : memref<2x!tpu.dma_semaphore, #tpu.memory_space<semaphore_mem>> -> memref<1x!tpu.dma_semaphore, #tpu.memory_space<semaphore_mem>>
      %dma_start3A_100 = tpu.memref_squeeze %dma_start3A_99 : memref<1x!tpu.dma_semaphore, #tpu.memory_space<semaphore_mem>> -> memref<!tpu.dma_semaphore, #tpu.memory_space<semaphore_mem>>
      %dma_start3A_101 = arith.constant 0 : i32
      %dma_start3A_102 = tpu.memref_slice %arg6[%dma_start3A_92, %dma_start3A_93, %dma_start3A_101] : memref<2x5x80xi32, #tpu.memory_space<vmem>> -> memref<1x1x80xi32, #tpu.memory_space<vmem>>
      %dma_start3A_103 = tpu.memref_squeeze %dma_start3A_102 : memref<1x1x80xi32, #tpu.memory_space<vmem>> -> memref<80xi32, #tpu.memory_space<vmem>>
      %dma_start3A_104 = tpu.memref_slice %arg3[%add3A_91] : memref<160000xi32, #tpu.memory_space<hbm>> -> memref<80xi32, #tpu.memory_space<hbm>>
      tpu.enqueue_dma source(%dma_start3A_104 : memref<80xi32, #tpu.memory_space<hbm>>) target(%dma_start3A_103 : memref<80xi32, #tpu.memory_space<vmem>>) target_semaphore(%dma_start3A_100 : memref<!tpu.dma_semaphore, #tpu.memory_space<semaphore_mem>>)
      %add3A_105 = arith.constant 0 : i32
      %add3A_106 = arith.addi %mul3A_22, %add3A_105 : i32
      %add3A_107 = arith.constant 320 : i32
      %add3A_108 = arith.addi %add3A_106, %add3A_107 : i32
      %dma_start3A_109 = arith.constant 0 : i32
      %dma_start3A_110 = arith.constant 4 : i32
      %dma_start3A_111 = arith.constant 0 : i32
      %dma_start3A_112 = arith.constant 0 : i32
      %dma_start3A_113 = tpu.memref_slice %arg6[%dma_start3A_109, %dma_start3A_110, %dma_start3A_112] : memref<2x5x80xi32, #tpu.memory_space<vmem>> -> memref<1x1x80xi32, #tpu.memory_space<vmem>>
      %dma_start3A_114 = tpu.memref_squeeze %dma_start3A_113 : memref<1x1x80xi32, #tpu.memory_space<vmem>> -> memref<80xi32, #tpu.memory_space<vmem>>
      %dma_start3A_115 = tpu.memref_slice %arg3[%add3A_108] : memref<160000xi32, #tpu.memory_space<hbm>> -> memref<80xi32, #tpu.memory_space<hbm>>
      %dma_start3A_116 = tpu.memref_slice %arg9[%dma_start3A_111] : memref<2x!tpu.dma_semaphore, #tpu.memory_space<semaphore_mem>> -> memref<1x!tpu.dma_semaphore, #tpu.memory_space<semaphore_mem>>
      %dma_start3A_117 = tpu.memref_squeeze %dma_start3A_116 : memref<1x!tpu.dma_semaphore, #tpu.memory_space<semaphore_mem>> -> memref<!tpu.dma_semaphore, #tpu.memory_space<semaphore_mem>>
      %dma_start3A_118 = arith.constant 0 : i32
      %dma_start3A_119 = tpu.memref_slice %arg6[%dma_start3A_109, %dma_start3A_110, %dma_start3A_118] : memref<2x5x80xi32, #tpu.memory_space<vmem>> -> memref<1x1x80xi32, #tpu.memory_space<vmem>>
      %dma_start3A_120 = tpu.memref_squeeze %dma_start3A_119 : memref<1x1x80xi32, #tpu.memory_space<vmem>> -> memref<80xi32, #tpu.memory_space<vmem>>
      %dma_start3A_121 = tpu.memref_slice %arg3[%add3A_108] : memref<160000xi32, #tpu.memory_space<hbm>> -> memref<80xi32, #tpu.memory_space<hbm>>
      tpu.enqueue_dma source(%dma_start3A_121 : memref<80xi32, #tpu.memory_space<hbm>>) target(%dma_start3A_120 : memref<80xi32, #tpu.memory_space<vmem>>) target_semaphore(%dma_start3A_117 : memref<!tpu.dma_semaphore, #tpu.memory_space<semaphore_mem>>)
      %scan3A = arith.constant 0 : i32
      %scan3A_122 = arith.constant 0 : i32
      %scan3A_123 = arith.constant 25 : i32
      %scan3A_124 = arith.addi %scan3A_122, %scan3A_123 : i32
      %scan3A_125 = arith.constant 1 : i32
      scf.for %scan3A_176 = %scan3A_122 to %scan3A_124 step %scan3A_125  : i32 {
        %rem3A = arith.constant 2 : i32
        %rem3A_177 = arith.remsi %scan3A_176, %rem3A : i32
        %sub3A = arith.constant 1 : i32
        %sub3A_178 = arith.subi %sub3A, %rem3A_177 : i32
        %ge3A = arith.constant 1 : i32
        %ge3A_179 = arith.cmpi sge, %scan3A_176, %ge3A : i32
        %convert_element_type3A_180 = arith.extui %ge3A_179 : i1 to i32
        %cond3A_181 = arith.constant 0 : i32
        %cond3A_182 = arith.cmpi ne, %convert_element_type3A_180, %cond3A_181 : i32
        scf.if %cond3A_182 {
          %dma_wait3A_284 = arith.constant 0 : i32
          %dma_wait3A_285 = arith.constant 0 : i32
          %dma_wait3A_286 = tpu.memref_slice %arg6[%sub3A_178, %dma_wait3A_284, %dma_wait3A_285] : memref<2x5x80xi32, #tpu.memory_space<vmem>> -> memref<1x1x80xi32, #tpu.memory_space<vmem>>
          %dma_wait3A_287 = tpu.memref_squeeze %dma_wait3A_286 : memref<1x1x80xi32, #tpu.memory_space<vmem>> -> memref<80xi32, #tpu.memory_space<vmem>>
          %dma_wait3A_288 = arith.constant 0 : i32
          %dma_wait3A_289 = tpu.memref_slice %arg8[%dma_wait3A_288] : memref<10000xf32, #tpu.memory_space<vmem_shared>> -> memref<10000xf32, #tpu.memory_space<vmem_shared>>
          %dma_wait3A_290 = tpu.memref_slice %arg10[%sub3A_178] : memref<2x!tpu.dma_semaphore, #tpu.memory_space<semaphore_mem>> -> memref<1x!tpu.dma_semaphore, #tpu.memory_space<semaphore_mem>>
          %dma_wait3A_291 = tpu.memref_squeeze %dma_wait3A_290 : memref<1x!tpu.dma_semaphore, #tpu.memory_space<semaphore_mem>> -> memref<!tpu.dma_semaphore, #tpu.memory_space<semaphore_mem>>
          tpu.wait_indirect_dma semaphore(%dma_wait3A_291 : memref<!tpu.dma_semaphore, #tpu.memory_space<semaphore_mem>>) src(%arg7 : memref<80xf32, #tpu.memory_space<vmem>>) dst(%dma_wait3A_289 : memref<10000xf32, #tpu.memory_space<vmem_shared>>)
          %dma_wait3A_292 = arith.constant 1 : i32
          %dma_wait3A_293 = arith.constant 0 : i32
          %dma_wait3A_294 = tpu.memref_slice %arg6[%sub3A_178, %dma_wait3A_292, %dma_wait3A_293] : memref<2x5x80xi32, #tpu.memory_space<vmem>> -> memref<1x1x80xi32, #tpu.memory_space<vmem>>
          %dma_wait3A_295 = tpu.memref_squeeze %dma_wait3A_294 : memref<1x1x80xi32, #tpu.memory_space<vmem>> -> memref<80xi32, #tpu.memory_space<vmem>>
          %dma_wait3A_296 = arith.constant 0 : i32
          %dma_wait3A_297 = tpu.memref_slice %arg8[%dma_wait3A_296] : memref<10000xf32, #tpu.memory_space<vmem_shared>> -> memref<10000xf32, #tpu.memory_space<vmem_shared>>
          %dma_wait3A_298 = tpu.memref_slice %arg10[%sub3A_178] : memref<2x!tpu.dma_semaphore, #tpu.memory_space<semaphore_mem>> -> memref<1x!tpu.dma_semaphore, #tpu.memory_space<semaphore_mem>>
          %dma_wait3A_299 = tpu.memref_squeeze %dma_wait3A_298 : memref<1x!tpu.dma_semaphore, #tpu.memory_space<semaphore_mem>> -> memref<!tpu.dma_semaphore, #tpu.memory_space<semaphore_mem>>
          tpu.wait_indirect_dma semaphore(%dma_wait3A_299 : memref<!tpu.dma_semaphore, #tpu.memory_space<semaphore_mem>>) src(%arg7 : memref<80xf32, #tpu.memory_space<vmem>>) dst(%dma_wait3A_297 : memref<10000xf32, #tpu.memory_space<vmem_shared>>)
          %dma_wait3A_300 = arith.constant 2 : i32
          %dma_wait3A_301 = arith.constant 0 : i32
          %dma_wait3A_302 = tpu.memref_slice %arg6[%sub3A_178, %dma_wait3A_300, %dma_wait3A_301] : memref<2x5x80xi32, #tpu.memory_space<vmem>> -> memref<1x1x80xi32, #tpu.memory_space<vmem>>
          %dma_wait3A_303 = tpu.memref_squeeze %dma_wait3A_302 : memref<1x1x80xi32, #tpu.memory_space<vmem>> -> memref<80xi32, #tpu.memory_space<vmem>>
          %dma_wait3A_304 = arith.constant 0 : i32
          %dma_wait3A_305 = tpu.memref_slice %arg8[%dma_wait3A_304] : memref<10000xf32, #tpu.memory_space<vmem_shared>> -> memref<10000xf32, #tpu.memory_space<vmem_shared>>
          %dma_wait3A_306 = tpu.memref_slice %arg10[%sub3A_178] : memref<2x!tpu.dma_semaphore, #tpu.memory_space<semaphore_mem>> -> memref<1x!tpu.dma_semaphore, #tpu.memory_space<semaphore_mem>>
          %dma_wait3A_307 = tpu.memref_squeeze %dma_wait3A_306 : memref<1x!tpu.dma_semaphore, #tpu.memory_space<semaphore_mem>> -> memref<!tpu.dma_semaphore, #tpu.memory_space<semaphore_mem>>
          tpu.wait_indirect_dma semaphore(%dma_wait3A_307 : memref<!tpu.dma_semaphore, #tpu.memory_space<semaphore_mem>>) src(%arg7 : memref<80xf32, #tpu.memory_space<vmem>>) dst(%dma_wait3A_305 : memref<10000xf32, #tpu.memory_space<vmem_shared>>)
          %dma_wait3A_308 = arith.constant 3 : i32
          %dma_wait3A_309 = arith.constant 0 : i32
          %dma_wait3A_310 = tpu.memref_slice %arg6[%sub3A_178, %dma_wait3A_308, %dma_wait3A_309] : memref<2x5x80xi32, #tpu.memory_space<vmem>> -> memref<1x1x80xi32, #tpu.memory_space<vmem>>
          %dma_wait3A_311 = tpu.memref_squeeze %dma_wait3A_310 : memref<1x1x80xi32, #tpu.memory_space<vmem>> -> memref<80xi32, #tpu.memory_space<vmem>>
          %dma_wait3A_312 = arith.constant 0 : i32
          %dma_wait3A_313 = tpu.memref_slice %arg8[%dma_wait3A_312] : memref<10000xf32, #tpu.memory_space<vmem_shared>> -> memref<10000xf32, #tpu.memory_space<vmem_shared>>
          %dma_wait3A_314 = tpu.memref_slice %arg10[%sub3A_178] : memref<2x!tpu.dma_semaphore, #tpu.memory_space<semaphore_mem>> -> memref<1x!tpu.dma_semaphore, #tpu.memory_space<semaphore_mem>>
          %dma_wait3A_315 = tpu.memref_squeeze %dma_wait3A_314 : memref<1x!tpu.dma_semaphore, #tpu.memory_space<semaphore_mem>> -> memref<!tpu.dma_semaphore, #tpu.memory_space<semaphore_mem>>
          tpu.wait_indirect_dma semaphore(%dma_wait3A_315 : memref<!tpu.dma_semaphore, #tpu.memory_space<semaphore_mem>>) src(%arg7 : memref<80xf32, #tpu.memory_space<vmem>>) dst(%dma_wait3A_313 : memref<10000xf32, #tpu.memory_space<vmem_shared>>)
          %dma_wait3A_316 = arith.constant 4 : i32
          %dma_wait3A_317 = arith.constant 0 : i32
          %dma_wait3A_318 = tpu.memref_slice %arg6[%sub3A_178, %dma_wait3A_316, %dma_wait3A_317] : memref<2x5x80xi32, #tpu.memory_space<vmem>> -> memref<1x1x80xi32, #tpu.memory_space<vmem>>
          %dma_wait3A_319 = tpu.memref_squeeze %dma_wait3A_318 : memref<1x1x80xi32, #tpu.memory_space<vmem>> -> memref<80xi32, #tpu.memory_space<vmem>>
          %dma_wait3A_320 = arith.constant 0 : i32
          %dma_wait3A_321 = tpu.memref_slice %arg8[%dma_wait3A_320] : memref<10000xf32, #tpu.memory_space<vmem_shared>> -> memref<10000xf32, #tpu.memory_space<vmem_shared>>
          %dma_wait3A_322 = tpu.memref_slice %arg10[%sub3A_178] : memref<2x!tpu.dma_semaphore, #tpu.memory_space<semaphore_mem>> -> memref<1x!tpu.dma_semaphore, #tpu.memory_space<semaphore_mem>>
          %dma_wait3A_323 = tpu.memref_squeeze %dma_wait3A_322 : memref<1x!tpu.dma_semaphore, #tpu.memory_space<semaphore_mem>> -> memref<!tpu.dma_semaphore, #tpu.memory_space<semaphore_mem>>
          tpu.wait_indirect_dma semaphore(%dma_wait3A_323 : memref<!tpu.dma_semaphore, #tpu.memory_space<semaphore_mem>>) src(%arg7 : memref<80xf32, #tpu.memory_space<vmem>>) dst(%dma_wait3A_321 : memref<10000xf32, #tpu.memory_space<vmem_shared>>)
        } else {
        }
        %add3A_183 = arith.constant 1 : i32
        %add3A_184 = arith.addi %scan3A_176, %add3A_183 : i32
        %lt3A = arith.constant 25 : i32
        %lt3A_185 = arith.cmpi slt, %add3A_184, %lt3A : i32
        %convert_element_type3A_186 = arith.extui %lt3A_185 : i1 to i32
        %cond3A_187 = arith.constant 0 : i32
        %cond3A_188 = arith.cmpi ne, %convert_element_type3A_186, %cond3A_187 : i32
        scf.if %cond3A_188 {
          %add3A_284 = arith.constant 1 : i32
          %add3A_285 = arith.addi %scan3A_176, %add3A_284 : i32
          %mul3A_286 = arith.constant 400 : i32
          %mul3A_287 = arith.muli %add3A_285, %mul3A_286 : i32
          %add3A_288 = arith.addi %mul3A_22, %mul3A_287 : i32
          %add3A_289 = arith.constant 0 : i32
          %add3A_290 = arith.addi %add3A_288, %add3A_289 : i32
          %dma_start3A_291 = arith.constant 0 : i32
          %dma_start3A_292 = arith.constant 0 : i32
          %dma_start3A_293 = tpu.memref_slice %arg6[%sub3A_178, %dma_start3A_291, %dma_start3A_292] : memref<2x5x80xi32, #tpu.memory_space<vmem>> -> memref<1x1x80xi32, #tpu.memory_space<vmem>>
          %dma_start3A_294 = tpu.memref_squeeze %dma_start3A_293 : memref<1x1x80xi32, #tpu.memory_space<vmem>> -> memref<80xi32, #tpu.memory_space<vmem>>
          %dma_start3A_295 = tpu.memref_slice %arg3[%add3A_290] : memref<160000xi32, #tpu.memory_space<hbm>> -> memref<80xi32, #tpu.memory_space<hbm>>
          %dma_start3A_296 = tpu.memref_slice %arg9[%sub3A_178] : memref<2x!tpu.dma_semaphore, #tpu.memory_space<semaphore_mem>> -> memref<1x!tpu.dma_semaphore, #tpu.memory_space<semaphore_mem>>
          %dma_start3A_297 = tpu.memref_squeeze %dma_start3A_296 : memref<1x!tpu.dma_semaphore, #tpu.memory_space<semaphore_mem>> -> memref<!tpu.dma_semaphore, #tpu.memory_space<semaphore_mem>>
          %dma_start3A_298 = arith.constant 0 : i32
          %dma_start3A_299 = tpu.memref_slice %arg6[%sub3A_178, %dma_start3A_291, %dma_start3A_298] : memref<2x5x80xi32, #tpu.memory_space<vmem>> -> memref<1x1x80xi32, #tpu.memory_space<vmem>>
          %dma_start3A_300 = tpu.memref_squeeze %dma_start3A_299 : memref<1x1x80xi32, #tpu.memory_space<vmem>> -> memref<80xi32, #tpu.memory_space<vmem>>
          %dma_start3A_301 = tpu.memref_slice %arg3[%add3A_290] : memref<160000xi32, #tpu.memory_space<hbm>> -> memref<80xi32, #tpu.memory_space<hbm>>
          tpu.enqueue_dma source(%dma_start3A_301 : memref<80xi32, #tpu.memory_space<hbm>>) target(%dma_start3A_300 : memref<80xi32, #tpu.memory_space<vmem>>) target_semaphore(%dma_start3A_297 : memref<!tpu.dma_semaphore, #tpu.memory_space<semaphore_mem>>)
          %mul3A_302 = arith.constant 400 : i32
          %mul3A_303 = arith.muli %add3A_285, %mul3A_302 : i32
          %add3A_304 = arith.addi %mul3A_22, %mul3A_303 : i32
          %add3A_305 = arith.constant 80 : i32
          %add3A_306 = arith.addi %add3A_304, %add3A_305 : i32
          %dma_start3A_307 = arith.constant 1 : i32
          %dma_start3A_308 = arith.constant 0 : i32
          %dma_start3A_309 = tpu.memref_slice %arg6[%sub3A_178, %dma_start3A_307, %dma_start3A_308] : memref<2x5x80xi32, #tpu.memory_space<vmem>> -> memref<1x1x80xi32, #tpu.memory_space<vmem>>
          %dma_start3A_310 = tpu.memref_squeeze %dma_start3A_309 : memref<1x1x80xi32, #tpu.memory_space<vmem>> -> memref<80xi32, #tpu.memory_space<vmem>>
          %dma_start3A_311 = tpu.memref_slice %arg3[%add3A_306] : memref<160000xi32, #tpu.memory_space<hbm>> -> memref<80xi32, #tpu.memory_space<hbm>>
          %dma_start3A_312 = tpu.memref_slice %arg9[%sub3A_178] : memref<2x!tpu.dma_semaphore, #tpu.memory_space<semaphore_mem>> -> memref<1x!tpu.dma_semaphore, #tpu.memory_space<semaphore_mem>>
          %dma_start3A_313 = tpu.memref_squeeze %dma_start3A_312 : memref<1x!tpu.dma_semaphore, #tpu.memory_space<semaphore_mem>> -> memref<!tpu.dma_semaphore, #tpu.memory_space<semaphore_mem>>
          %dma_start3A_314 = arith.constant 0 : i32
          %dma_start3A_315 = tpu.memref_slice %arg6[%sub3A_178, %dma_start3A_307, %dma_start3A_314] : memref<2x5x80xi32, #tpu.memory_space<vmem>> -> memref<1x1x80xi32, #tpu.memory_space<vmem>>
          %dma_start3A_316 = tpu.memref_squeeze %dma_start3A_315 : memref<1x1x80xi32, #tpu.memory_space<vmem>> -> memref<80xi32, #tpu.memory_space<vmem>>
          %dma_start3A_317 = tpu.memref_slice %arg3[%add3A_306] : memref<160000xi32, #tpu.memory_space<hbm>> -> memref<80xi32, #tpu.memory_space<hbm>>
          tpu.enqueue_dma source(%dma_start3A_317 : memref<80xi32, #tpu.memory_space<hbm>>) target(%dma_start3A_316 : memref<80xi32, #tpu.memory_space<vmem>>) target_semaphore(%dma_start3A_313 : memref<!tpu.dma_semaphore, #tpu.memory_space<semaphore_mem>>)
          %mul3A_318 = arith.constant 400 : i32
          %mul3A_319 = arith.muli %add3A_285, %mul3A_318 : i32
          %add3A_320 = arith.addi %mul3A_22, %mul3A_319 : i32
          %add3A_321 = arith.constant 160 : i32
          %add3A_322 = arith.addi %add3A_320, %add3A_321 : i32
          %dma_start3A_323 = arith.constant 2 : i32
          %dma_start3A_324 = arith.constant 0 : i32
          %dma_start3A_325 = tpu.memref_slice %arg6[%sub3A_178, %dma_start3A_323, %dma_start3A_324] : memref<2x5x80xi32, #tpu.memory_space<vmem>> -> memref<1x1x80xi32, #tpu.memory_space<vmem>>
          %dma_start3A_326 = tpu.memref_squeeze %dma_start3A_325 : memref<1x1x80xi32, #tpu.memory_space<vmem>> -> memref<80xi32, #tpu.memory_space<vmem>>
          %dma_start3A_327 = tpu.memref_slice %arg3[%add3A_322] : memref<160000xi32, #tpu.memory_space<hbm>> -> memref<80xi32, #tpu.memory_space<hbm>>
          %dma_start3A_328 = tpu.memref_slice %arg9[%sub3A_178] : memref<2x!tpu.dma_semaphore, #tpu.memory_space<semaphore_mem>> -> memref<1x!tpu.dma_semaphore, #tpu.memory_space<semaphore_mem>>
          %dma_start3A_329 = tpu.memref_squeeze %dma_start3A_328 : memref<1x!tpu.dma_semaphore, #tpu.memory_space<semaphore_mem>> -> memref<!tpu.dma_semaphore, #tpu.memory_space<semaphore_mem>>
          %dma_start3A_330 = arith.constant 0 : i32
          %dma_start3A_331 = tpu.memref_slice %arg6[%sub3A_178, %dma_start3A_323, %dma_start3A_330] : memref<2x5x80xi32, #tpu.memory_space<vmem>> -> memref<1x1x80xi32, #tpu.memory_space<vmem>>
          %dma_start3A_332 = tpu.memref_squeeze %dma_start3A_331 : memref<1x1x80xi32, #tpu.memory_space<vmem>> -> memref<80xi32, #tpu.memory_space<vmem>>
          %dma_start3A_333 = tpu.memref_slice %arg3[%add3A_322] : memref<160000xi32, #tpu.memory_space<hbm>> -> memref<80xi32, #tpu.memory_space<hbm>>
          tpu.enqueue_dma source(%dma_start3A_333 : memref<80xi32, #tpu.memory_space<hbm>>) target(%dma_start3A_332 : memref<80xi32, #tpu.memory_space<vmem>>) target_semaphore(%dma_start3A_329 : memref<!tpu.dma_semaphore, #tpu.memory_space<semaphore_mem>>)
          %mul3A_334 = arith.constant 400 : i32
          %mul3A_335 = arith.muli %add3A_285, %mul3A_334 : i32
          %add3A_336 = arith.addi %mul3A_22, %mul3A_335 : i32
          %add3A_337 = arith.constant 240 : i32
          %add3A_338 = arith.addi %add3A_336, %add3A_337 : i32
          %dma_start3A_339 = arith.constant 3 : i32
          %dma_start3A_340 = arith.constant 0 : i32
          %dma_start3A_341 = tpu.memref_slice %arg6[%sub3A_178, %dma_start3A_339, %dma_start3A_340] : memref<2x5x80xi32, #tpu.memory_space<vmem>> -> memref<1x1x80xi32, #tpu.memory_space<vmem>>
          %dma_start3A_342 = tpu.memref_squeeze %dma_start3A_341 : memref<1x1x80xi32, #tpu.memory_space<vmem>> -> memref<80xi32, #tpu.memory_space<vmem>>
          %dma_start3A_343 = tpu.memref_slice %arg3[%add3A_338] : memref<160000xi32, #tpu.memory_space<hbm>> -> memref<80xi32, #tpu.memory_space<hbm>>
          %dma_start3A_344 = tpu.memref_slice %arg9[%sub3A_178] : memref<2x!tpu.dma_semaphore, #tpu.memory_space<semaphore_mem>> -> memref<1x!tpu.dma_semaphore, #tpu.memory_space<semaphore_mem>>
          %dma_start3A_345 = tpu.memref_squeeze %dma_start3A_344 : memref<1x!tpu.dma_semaphore, #tpu.memory_space<semaphore_mem>> -> memref<!tpu.dma_semaphore, #tpu.memory_space<semaphore_mem>>
          %dma_start3A_346 = arith.constant 0 : i32
          %dma_start3A_347 = tpu.memref_slice %arg6[%sub3A_178, %dma_start3A_339, %dma_start3A_346] : memref<2x5x80xi32, #tpu.memory_space<vmem>> -> memref<1x1x80xi32, #tpu.memory_space<vmem>>
          %dma_start3A_348 = tpu.memref_squeeze %dma_start3A_347 : memref<1x1x80xi32, #tpu.memory_space<vmem>> -> memref<80xi32, #tpu.memory_space<vmem>>
          %dma_start3A_349 = tpu.memref_slice %arg3[%add3A_338] : memref<160000xi32, #tpu.memory_space<hbm>> -> memref<80xi32, #tpu.memory_space<hbm>>
          tpu.enqueue_dma source(%dma_start3A_349 : memref<80xi32, #tpu.memory_space<hbm>>) target(%dma_start3A_348 : memref<80xi32, #tpu.memory_space<vmem>>) target_semaphore(%dma_start3A_345 : memref<!tpu.dma_semaphore, #tpu.memory_space<semaphore_mem>>)
          %mul3A_350 = arith.constant 400 : i32
          %mul3A_351 = arith.muli %add3A_285, %mul3A_350 : i32
          %add3A_352 = arith.addi %mul3A_22, %mul3A_351 : i32
          %add3A_353 = arith.constant 320 : i32
          %add3A_354 = arith.addi %add3A_352, %add3A_353 : i32
          %dma_start3A_355 = arith.constant 4 : i32
          %dma_start3A_356 = arith.constant 0 : i32
          %dma_start3A_357 = tpu.memref_slice %arg6[%sub3A_178, %dma_start3A_355, %dma_start3A_356] : memref<2x5x80xi32, #tpu.memory_space<vmem>> -> memref<1x1x80xi32, #tpu.memory_space<vmem>>
          %dma_start3A_358 = tpu.memref_squeeze %dma_start3A_357 : memref<1x1x80xi32, #tpu.memory_space<vmem>> -> memref<80xi32, #tpu.memory_space<vmem>>
          %dma_start3A_359 = tpu.memref_slice %arg3[%add3A_354] : memref<160000xi32, #tpu.memory_space<hbm>> -> memref<80xi32, #tpu.memory_space<hbm>>
          %dma_start3A_360 = tpu.memref_slice %arg9[%sub3A_178] : memref<2x!tpu.dma_semaphore, #tpu.memory_space<semaphore_mem>> -> memref<1x!tpu.dma_semaphore, #tpu.memory_space<semaphore_mem>>
          %dma_start3A_361 = tpu.memref_squeeze %dma_start3A_360 : memref<1x!tpu.dma_semaphore, #tpu.memory_space<semaphore_mem>> -> memref<!tpu.dma_semaphore, #tpu.memory_space<semaphore_mem>>
          %dma_start3A_362 = arith.constant 0 : i32
          %dma_start3A_363 = tpu.memref_slice %arg6[%sub3A_178, %dma_start3A_355, %dma_start3A_362] : memref<2x5x80xi32, #tpu.memory_space<vmem>> -> memref<1x1x80xi32, #tpu.memory_space<vmem>>
          %dma_start3A_364 = tpu.memref_squeeze %dma_start3A_363 : memref<1x1x80xi32, #tpu.memory_space<vmem>> -> memref<80xi32, #tpu.memory_space<vmem>>
          %dma_start3A_365 = tpu.memref_slice %arg3[%add3A_354] : memref<160000xi32, #tpu.memory_space<hbm>> -> memref<80xi32, #tpu.memory_space<hbm>>
          tpu.enqueue_dma source(%dma_start3A_365 : memref<80xi32, #tpu.memory_space<hbm>>) target(%dma_start3A_364 : memref<80xi32, #tpu.memory_space<vmem>>) target_semaphore(%dma_start3A_361 : memref<!tpu.dma_semaphore, #tpu.memory_space<semaphore_mem>>)
        } else {
        }
        %dma_wait3A_189 = arith.constant 0 : i32
        %dma_wait3A_190 = arith.constant 0 : i32
        %dma_wait3A_191 = tpu.memref_slice %arg6[%rem3A_177, %dma_wait3A_189, %dma_wait3A_190] : memref<2x5x80xi32, #tpu.memory_space<vmem>> -> memref<1x1x80xi32, #tpu.memory_space<vmem>>
        %dma_wait3A_192 = tpu.memref_squeeze %dma_wait3A_191 : memref<1x1x80xi32, #tpu.memory_space<vmem>> -> memref<80xi32, #tpu.memory_space<vmem>>
        %dma_wait3A_193 = tpu.memref_slice %arg3[%mul3A_22] : memref<160000xi32, #tpu.memory_space<hbm>> -> memref<80xi32, #tpu.memory_space<hbm>>
        %dma_wait3A_194 = tpu.memref_slice %arg9[%rem3A_177] : memref<2x!tpu.dma_semaphore, #tpu.memory_space<semaphore_mem>> -> memref<1x!tpu.dma_semaphore, #tpu.memory_space<semaphore_mem>>
        %dma_wait3A_195 = tpu.memref_squeeze %dma_wait3A_194 : memref<1x!tpu.dma_semaphore, #tpu.memory_space<semaphore_mem>> -> memref<!tpu.dma_semaphore, #tpu.memory_space<semaphore_mem>>
        %dma_wait3A_196 = arith.constant 0 : i32
        %dma_wait3A_197 = tpu.memref_slice %arg6[%rem3A_177, %dma_wait3A_189, %dma_wait3A_196] : memref<2x5x80xi32, #tpu.memory_space<vmem>> -> memref<1x1x80xi32, #tpu.memory_space<vmem>>
        %dma_wait3A_198 = tpu.memref_squeeze %dma_wait3A_197 : memref<1x1x80xi32, #tpu.memory_space<vmem>> -> memref<80xi32, #tpu.memory_space<vmem>>
        %dma_wait3A_199 = tpu.memref_slice %arg3[%mul3A_22] : memref<160000xi32, #tpu.memory_space<hbm>> -> memref<80xi32, #tpu.memory_space<hbm>>
        tpu.wait_dma2 semaphore(%dma_wait3A_195 : memref<!tpu.dma_semaphore, #tpu.memory_space<semaphore_mem>>) src(%dma_wait3A_199 : memref<80xi32, #tpu.memory_space<hbm>>) dst(%dma_wait3A_198 : memref<80xi32, #tpu.memory_space<vmem>>)
        %dma_wait3A_200 = arith.constant 1 : i32
        %dma_wait3A_201 = arith.constant 0 : i32
        %dma_wait3A_202 = tpu.memref_slice %arg6[%rem3A_177, %dma_wait3A_200, %dma_wait3A_201] : memref<2x5x80xi32, #tpu.memory_space<vmem>> -> memref<1x1x80xi32, #tpu.memory_space<vmem>>
        %dma_wait3A_203 = tpu.memref_squeeze %dma_wait3A_202 : memref<1x1x80xi32, #tpu.memory_space<vmem>> -> memref<80xi32, #tpu.memory_space<vmem>>
        %dma_wait3A_204 = tpu.memref_slice %arg3[%mul3A_22] : memref<160000xi32, #tpu.memory_space<hbm>> -> memref<80xi32, #tpu.memory_space<hbm>>
        %dma_wait3A_205 = tpu.memref_slice %arg9[%rem3A_177] : memref<2x!tpu.dma_semaphore, #tpu.memory_space<semaphore_mem>> -> memref<1x!tpu.dma_semaphore, #tpu.memory_space<semaphore_mem>>
        %dma_wait3A_206 = tpu.memref_squeeze %dma_wait3A_205 : memref<1x!tpu.dma_semaphore, #tpu.memory_space<semaphore_mem>> -> memref<!tpu.dma_semaphore, #tpu.memory_space<semaphore_mem>>
        %dma_wait3A_207 = arith.constant 0 : i32
        %dma_wait3A_208 = tpu.memref_slice %arg6[%rem3A_177, %dma_wait3A_200, %dma_wait3A_207] : memref<2x5x80xi32, #tpu.memory_space<vmem>> -> memref<1x1x80xi32, #tpu.memory_space<vmem>>
        %dma_wait3A_209 = tpu.memref_squeeze %dma_wait3A_208 : memref<1x1x80xi32, #tpu.memory_space<vmem>> -> memref<80xi32, #tpu.memory_space<vmem>>
        %dma_wait3A_210 = tpu.memref_slice %arg3[%mul3A_22] : memref<160000xi32, #tpu.memory_space<hbm>> -> memref<80xi32, #tpu.memory_space<hbm>>
        tpu.wait_dma2 semaphore(%dma_wait3A_206 : memref<!tpu.dma_semaphore, #tpu.memory_space<semaphore_mem>>) src(%dma_wait3A_210 : memref<80xi32, #tpu.memory_space<hbm>>) dst(%dma_wait3A_209 : memref<80xi32, #tpu.memory_space<vmem>>)
        %dma_wait3A_211 = arith.constant 2 : i32
        %dma_wait3A_212 = arith.constant 0 : i32
        %dma_wait3A_213 = tpu.memref_slice %arg6[%rem3A_177, %dma_wait3A_211, %dma_wait3A_212] : memref<2x5x80xi32, #tpu.memory_space<vmem>> -> memref<1x1x80xi32, #tpu.memory_space<vmem>>
        %dma_wait3A_214 = tpu.memref_squeeze %dma_wait3A_213 : memref<1x1x80xi32, #tpu.memory_space<vmem>> -> memref<80xi32, #tpu.memory_space<vmem>>
        %dma_wait3A_215 = tpu.memref_slice %arg3[%mul3A_22] : memref<160000xi32, #tpu.memory_space<hbm>> -> memref<80xi32, #tpu.memory_space<hbm>>
        %dma_wait3A_216 = tpu.memref_slice %arg9[%rem3A_177] : memref<2x!tpu.dma_semaphore, #tpu.memory_space<semaphore_mem>> -> memref<1x!tpu.dma_semaphore, #tpu.memory_space<semaphore_mem>>
        %dma_wait3A_217 = tpu.memref_squeeze %dma_wait3A_216 : memref<1x!tpu.dma_semaphore, #tpu.memory_space<semaphore_mem>> -> memref<!tpu.dma_semaphore, #tpu.memory_space<semaphore_mem>>
        %dma_wait3A_218 = arith.constant 0 : i32
        %dma_wait3A_219 = tpu.memref_slice %arg6[%rem3A_177, %dma_wait3A_211, %dma_wait3A_218] : memref<2x5x80xi32, #tpu.memory_space<vmem>> -> memref<1x1x80xi32, #tpu.memory_space<vmem>>
        %dma_wait3A_220 = tpu.memref_squeeze %dma_wait3A_219 : memref<1x1x80xi32, #tpu.memory_space<vmem>> -> memref<80xi32, #tpu.memory_space<vmem>>
        %dma_wait3A_221 = tpu.memref_slice %arg3[%mul3A_22] : memref<160000xi32, #tpu.memory_space<hbm>> -> memref<80xi32, #tpu.memory_space<hbm>>
        tpu.wait_dma2 semaphore(%dma_wait3A_217 : memref<!tpu.dma_semaphore, #tpu.memory_space<semaphore_mem>>) src(%dma_wait3A_221 : memref<80xi32, #tpu.memory_space<hbm>>) dst(%dma_wait3A_220 : memref<80xi32, #tpu.memory_space<vmem>>)
        %dma_wait3A_222 = arith.constant 3 : i32
        %dma_wait3A_223 = arith.constant 0 : i32
        %dma_wait3A_224 = tpu.memref_slice %arg6[%rem3A_177, %dma_wait3A_222, %dma_wait3A_223] : memref<2x5x80xi32, #tpu.memory_space<vmem>> -> memref<1x1x80xi32, #tpu.memory_space<vmem>>
        %dma_wait3A_225 = tpu.memref_squeeze %dma_wait3A_224 : memref<1x1x80xi32, #tpu.memory_space<vmem>> -> memref<80xi32, #tpu.memory_space<vmem>>
        %dma_wait3A_226 = tpu.memref_slice %arg3[%mul3A_22] : memref<160000xi32, #tpu.memory_space<hbm>> -> memref<80xi32, #tpu.memory_space<hbm>>
        %dma_wait3A_227 = tpu.memref_slice %arg9[%rem3A_177] : memref<2x!tpu.dma_semaphore, #tpu.memory_space<semaphore_mem>> -> memref<1x!tpu.dma_semaphore, #tpu.memory_space<semaphore_mem>>
        %dma_wait3A_228 = tpu.memref_squeeze %dma_wait3A_227 : memref<1x!tpu.dma_semaphore, #tpu.memory_space<semaphore_mem>> -> memref<!tpu.dma_semaphore, #tpu.memory_space<semaphore_mem>>
        %dma_wait3A_229 = arith.constant 0 : i32
        %dma_wait3A_230 = tpu.memref_slice %arg6[%rem3A_177, %dma_wait3A_222, %dma_wait3A_229] : memref<2x5x80xi32, #tpu.memory_space<vmem>> -> memref<1x1x80xi32, #tpu.memory_space<vmem>>
        %dma_wait3A_231 = tpu.memref_squeeze %dma_wait3A_230 : memref<1x1x80xi32, #tpu.memory_space<vmem>> -> memref<80xi32, #tpu.memory_space<vmem>>
        %dma_wait3A_232 = tpu.memref_slice %arg3[%mul3A_22] : memref<160000xi32, #tpu.memory_space<hbm>> -> memref<80xi32, #tpu.memory_space<hbm>>
        tpu.wait_dma2 semaphore(%dma_wait3A_228 : memref<!tpu.dma_semaphore, #tpu.memory_space<semaphore_mem>>) src(%dma_wait3A_232 : memref<80xi32, #tpu.memory_space<hbm>>) dst(%dma_wait3A_231 : memref<80xi32, #tpu.memory_space<vmem>>)
        %dma_wait3A_233 = arith.constant 4 : i32
        %dma_wait3A_234 = arith.constant 0 : i32
        %dma_wait3A_235 = tpu.memref_slice %arg6[%rem3A_177, %dma_wait3A_233, %dma_wait3A_234] : memref<2x5x80xi32, #tpu.memory_space<vmem>> -> memref<1x1x80xi32, #tpu.memory_space<vmem>>
        %dma_wait3A_236 = tpu.memref_squeeze %dma_wait3A_235 : memref<1x1x80xi32, #tpu.memory_space<vmem>> -> memref<80xi32, #tpu.memory_space<vmem>>
        %dma_wait3A_237 = tpu.memref_slice %arg3[%mul3A_22] : memref<160000xi32, #tpu.memory_space<hbm>> -> memref<80xi32, #tpu.memory_space<hbm>>
        %dma_wait3A_238 = tpu.memref_slice %arg9[%rem3A_177] : memref<2x!tpu.dma_semaphore, #tpu.memory_space<semaphore_mem>> -> memref<1x!tpu.dma_semaphore, #tpu.memory_space<semaphore_mem>>
        %dma_wait3A_239 = tpu.memref_squeeze %dma_wait3A_238 : memref<1x!tpu.dma_semaphore, #tpu.memory_space<semaphore_mem>> -> memref<!tpu.dma_semaphore, #tpu.memory_space<semaphore_mem>>
        %dma_wait3A_240 = arith.constant 0 : i32
        %dma_wait3A_241 = tpu.memref_slice %arg6[%rem3A_177, %dma_wait3A_233, %dma_wait3A_240] : memref<2x5x80xi32, #tpu.memory_space<vmem>> -> memref<1x1x80xi32, #tpu.memory_space<vmem>>
        %dma_wait3A_242 = tpu.memref_squeeze %dma_wait3A_241 : memref<1x1x80xi32, #tpu.memory_space<vmem>> -> memref<80xi32, #tpu.memory_space<vmem>>
        %dma_wait3A_243 = tpu.memref_slice %arg3[%mul3A_22] : memref<160000xi32, #tpu.memory_space<hbm>> -> memref<80xi32, #tpu.memory_space<hbm>>
        tpu.wait_dma2 semaphore(%dma_wait3A_239 : memref<!tpu.dma_semaphore, #tpu.memory_space<semaphore_mem>>) src(%dma_wait3A_243 : memref<80xi32, #tpu.memory_space<hbm>>) dst(%dma_wait3A_242 : memref<80xi32, #tpu.memory_space<vmem>>)
        %dma_start3A_244 = arith.constant 0 : i32
        %dma_start3A_245 = arith.constant 0 : i32
        %dma_start3A_246 = tpu.memref_slice %arg6[%rem3A_177, %dma_start3A_244, %dma_start3A_245] : memref<2x5x80xi32, #tpu.memory_space<vmem>> -> memref<1x1x80xi32, #tpu.memory_space<vmem>>
        %dma_start3A_247 = tpu.memref_squeeze %dma_start3A_246 : memref<1x1x80xi32, #tpu.memory_space<vmem>> -> memref<80xi32, #tpu.memory_space<vmem>>
        %dma_start3A_248 = arith.constant 0 : i32
        %dma_start3A_249 = tpu.memref_slice %arg8[%dma_start3A_248] : memref<10000xf32, #tpu.memory_space<vmem_shared>> -> memref<10000xf32, #tpu.memory_space<vmem_shared>>
        %dma_start3A_250 = tpu.memref_slice %arg10[%rem3A_177] : memref<2x!tpu.dma_semaphore, #tpu.memory_space<semaphore_mem>> -> memref<1x!tpu.dma_semaphore, #tpu.memory_space<semaphore_mem>>
        %dma_start3A_251 = tpu.memref_squeeze %dma_start3A_250 : memref<1x!tpu.dma_semaphore, #tpu.memory_space<semaphore_mem>> -> memref<!tpu.dma_semaphore, #tpu.memory_space<semaphore_mem>>
        tpu.enqueue_indirect_dma source(%arg7 : memref<80xf32, #tpu.memory_space<vmem>>) target(%dma_start3A_249 : memref<10000xf32, #tpu.memory_space<vmem_shared>>) offsets(%dma_start3A_247 : memref<80xi32, #tpu.memory_space<vmem>>) semaphore(%dma_start3A_251 : memref<!tpu.dma_semaphore, #tpu.memory_space<semaphore_mem>>) {add = true}
        %dma_start3A_252 = arith.constant 1 : i32
        %dma_start3A_253 = arith.constant 0 : i32
        %dma_start3A_254 = tpu.memref_slice %arg6[%rem3A_177, %dma_start3A_252, %dma_start3A_253] : memref<2x5x80xi32, #tpu.memory_space<vmem>> -> memref<1x1x80xi32, #tpu.memory_space<vmem>>
        %dma_start3A_255 = tpu.memref_squeeze %dma_start3A_254 : memref<1x1x80xi32, #tpu.memory_space<vmem>> -> memref<80xi32, #tpu.memory_space<vmem>>
        %dma_start3A_256 = arith.constant 0 : i32
        %dma_start3A_257 = tpu.memref_slice %arg8[%dma_start3A_256] : memref<10000xf32, #tpu.memory_space<vmem_shared>> -> memref<10000xf32, #tpu.memory_space<vmem_shared>>
        %dma_start3A_258 = tpu.memref_slice %arg10[%rem3A_177] : memref<2x!tpu.dma_semaphore, #tpu.memory_space<semaphore_mem>> -> memref<1x!tpu.dma_semaphore, #tpu.memory_space<semaphore_mem>>
        %dma_start3A_259 = tpu.memref_squeeze %dma_start3A_258 : memref<1x!tpu.dma_semaphore, #tpu.memory_space<semaphore_mem>> -> memref<!tpu.dma_semaphore, #tpu.memory_space<semaphore_mem>>
        tpu.enqueue_indirect_dma source(%arg7 : memref<80xf32, #tpu.memory_space<vmem>>) target(%dma_start3A_257 : memref<10000xf32, #tpu.memory_space<vmem_shared>>) offsets(%dma_start3A_255 : memref<80xi32, #tpu.memory_space<vmem>>) semaphore(%dma_start3A_259 : memref<!tpu.dma_semaphore, #tpu.memory_space<semaphore_mem>>) {add = true}
        %dma_start3A_260 = arith.constant 2 : i32
        %dma_start3A_261 = arith.constant 0 : i32
        %dma_start3A_262 = tpu.memref_slice %arg6[%rem3A_177, %dma_start3A_260, %dma_start3A_261] : memref<2x5x80xi32, #tpu.memory_space<vmem>> -> memref<1x1x80xi32, #tpu.memory_space<vmem>>
        %dma_start3A_263 = tpu.memref_squeeze %dma_start3A_262 : memref<1x1x80xi32, #tpu.memory_space<vmem>> -> memref<80xi32, #tpu.memory_space<vmem>>
        %dma_start3A_264 = arith.constant 0 : i32
        %dma_start3A_265 = tpu.memref_slice %arg8[%dma_start3A_264] : memref<10000xf32, #tpu.memory_space<vmem_shared>> -> memref<10000xf32, #tpu.memory_space<vmem_shared>>
        %dma_start3A_266 = tpu.memref_slice %arg10[%rem3A_177] : memref<2x!tpu.dma_semaphore, #tpu.memory_space<semaphore_mem>> -> memref<1x!tpu.dma_semaphore, #tpu.memory_space<semaphore_mem>>
        %dma_start3A_267 = tpu.memref_squeeze %dma_start3A_266 : memref<1x!tpu.dma_semaphore, #tpu.memory_space<semaphore_mem>> -> memref<!tpu.dma_semaphore, #tpu.memory_space<semaphore_mem>>
        tpu.enqueue_indirect_dma source(%arg7 : memref<80xf32, #tpu.memory_space<vmem>>) target(%dma_start3A_265 : memref<10000xf32, #tpu.memory_space<vmem_shared>>) offsets(%dma_start3A_263 : memref<80xi32, #tpu.memory_space<vmem>>) semaphore(%dma_start3A_267 : memref<!tpu.dma_semaphore, #tpu.memory_space<semaphore_mem>>) {add = true}
        %dma_start3A_268 = arith.constant 3 : i32
        %dma_start3A_269 = arith.constant 0 : i32
        %dma_start3A_270 = tpu.memref_slice %arg6[%rem3A_177, %dma_start3A_268, %dma_start3A_269] : memref<2x5x80xi32, #tpu.memory_space<vmem>> -> memref<1x1x80xi32, #tpu.memory_space<vmem>>
        %dma_start3A_271 = tpu.memref_squeeze %dma_start3A_270 : memref<1x1x80xi32, #tpu.memory_space<vmem>> -> memref<80xi32, #tpu.memory_space<vmem>>
        %dma_start3A_272 = arith.constant 0 : i32
        %dma_start3A_273 = tpu.memref_slice %arg8[%dma_start3A_272] : memref<10000xf32, #tpu.memory_space<vmem_shared>> -> memref<10000xf32, #tpu.memory_space<vmem_shared>>
        %dma_start3A_274 = tpu.memref_slice %arg10[%rem3A_177] : memref<2x!tpu.dma_semaphore, #tpu.memory_space<semaphore_mem>> -> memref<1x!tpu.dma_semaphore, #tpu.memory_space<semaphore_mem>>
        %dma_start3A_275 = tpu.memref_squeeze %dma_start3A_274 : memref<1x!tpu.dma_semaphore, #tpu.memory_space<semaphore_mem>> -> memref<!tpu.dma_semaphore, #tpu.memory_space<semaphore_mem>>
        tpu.enqueue_indirect_dma source(%arg7 : memref<80xf32, #tpu.memory_space<vmem>>) target(%dma_start3A_273 : memref<10000xf32, #tpu.memory_space<vmem_shared>>) offsets(%dma_start3A_271 : memref<80xi32, #tpu.memory_space<vmem>>) semaphore(%dma_start3A_275 : memref<!tpu.dma_semaphore, #tpu.memory_space<semaphore_mem>>) {add = true}
        %dma_start3A_276 = arith.constant 4 : i32
        %dma_start3A_277 = arith.constant 0 : i32
        %dma_start3A_278 = tpu.memref_slice %arg6[%rem3A_177, %dma_start3A_276, %dma_start3A_277] : memref<2x5x80xi32, #tpu.memory_space<vmem>> -> memref<1x1x80xi32, #tpu.memory_space<vmem>>
        %dma_start3A_279 = tpu.memref_squeeze %dma_start3A_278 : memref<1x1x80xi32, #tpu.memory_space<vmem>> -> memref<80xi32, #tpu.memory_space<vmem>>
        %dma_start3A_280 = arith.constant 0 : i32
        %dma_start3A_281 = tpu.memref_slice %arg8[%dma_start3A_280] : memref<10000xf32, #tpu.memory_space<vmem_shared>> -> memref<10000xf32, #tpu.memory_space<vmem_shared>>
        %dma_start3A_282 = tpu.memref_slice %arg10[%rem3A_177] : memref<2x!tpu.dma_semaphore, #tpu.memory_space<semaphore_mem>> -> memref<1x!tpu.dma_semaphore, #tpu.memory_space<semaphore_mem>>
        %dma_start3A_283 = tpu.memref_squeeze %dma_start3A_282 : memref<1x!tpu.dma_semaphore, #tpu.memory_space<semaphore_mem>> -> memref<!tpu.dma_semaphore, #tpu.memory_space<semaphore_mem>>
        tpu.enqueue_indirect_dma source(%arg7 : memref<80xf32, #tpu.memory_space<vmem>>) target(%dma_start3A_281 : memref<10000xf32, #tpu.memory_space<vmem_shared>>) offsets(%dma_start3A_279 : memref<80xi32, #tpu.memory_space<vmem>>) semaphore(%dma_start3A_283 : memref<!tpu.dma_semaphore, #tpu.memory_space<semaphore_mem>>) {add = true}
      }
      %scan3A_126 = arith.constant 25 : i32
      %dma_wait3A = arith.constant 0 : i32
      %dma_wait3A_127 = arith.constant 0 : i32
      %dma_wait3A_128 = arith.constant 0 : i32
      %dma_wait3A_129 = arith.constant 0 : i32
      %dma_wait3A_130 = tpu.memref_slice %arg6[%dma_wait3A, %dma_wait3A_127, %dma_wait3A_129] : memref<2x5x80xi32, #tpu.memory_space<vmem>> -> memref<1x1x80xi32, #tpu.memory_space<vmem>>
      %dma_wait3A_131 = tpu.memref_squeeze %dma_wait3A_130 : memref<1x1x80xi32, #tpu.memory_space<vmem>> -> memref<80xi32, #tpu.memory_space<vmem>>
      %dma_wait3A_132 = arith.constant 0 : i32
      %dma_wait3A_133 = tpu.memref_slice %arg8[%dma_wait3A_132] : memref<10000xf32, #tpu.memory_space<vmem_shared>> -> memref<10000xf32, #tpu.memory_space<vmem_shared>>
      %dma_wait3A_134 = tpu.memref_slice %arg10[%dma_wait3A_128] : memref<2x!tpu.dma_semaphore, #tpu.memory_space<semaphore_mem>> -> memref<1x!tpu.dma_semaphore, #tpu.memory_space<semaphore_mem>>
      %dma_wait3A_135 = tpu.memref_squeeze %dma_wait3A_134 : memref<1x!tpu.dma_semaphore, #tpu.memory_space<semaphore_mem>> -> memref<!tpu.dma_semaphore, #tpu.memory_space<semaphore_mem>>
      tpu.wait_indirect_dma semaphore(%dma_wait3A_135 : memref<!tpu.dma_semaphore, #tpu.memory_space<semaphore_mem>>) src(%arg7 : memref<80xf32, #tpu.memory_space<vmem>>) dst(%dma_wait3A_133 : memref<10000xf32, #tpu.memory_space<vmem_shared>>)
      %dma_wait3A_136 = arith.constant 0 : i32
      %dma_wait3A_137 = arith.constant 1 : i32
      %dma_wait3A_138 = arith.constant 0 : i32
      %dma_wait3A_139 = arith.constant 0 : i32
      %dma_wait3A_140 = tpu.memref_slice %arg6[%dma_wait3A_136, %dma_wait3A_137, %dma_wait3A_139] : memref<2x5x80xi32, #tpu.memory_space<vmem>> -> memref<1x1x80xi32, #tpu.memory_space<vmem>>
      %dma_wait3A_141 = tpu.memref_squeeze %dma_wait3A_140 : memref<1x1x80xi32, #tpu.memory_space<vmem>> -> memref<80xi32, #tpu.memory_space<vmem>>
      %dma_wait3A_142 = arith.constant 0 : i32
      %dma_wait3A_143 = tpu.memref_slice %arg8[%dma_wait3A_142] : memref<10000xf32, #tpu.memory_space<vmem_shared>> -> memref<10000xf32, #tpu.memory_space<vmem_shared>>
      %dma_wait3A_144 = tpu.memref_slice %arg10[%dma_wait3A_138] : memref<2x!tpu.dma_semaphore, #tpu.memory_space<semaphore_mem>> -> memref<1x!tpu.dma_semaphore, #tpu.memory_space<semaphore_mem>>
      %dma_wait3A_145 = tpu.memref_squeeze %dma_wait3A_144 : memref<1x!tpu.dma_semaphore, #tpu.memory_space<semaphore_mem>> -> memref<!tpu.dma_semaphore, #tpu.memory_space<semaphore_mem>>
      tpu.wait_indirect_dma semaphore(%dma_wait3A_145 : memref<!tpu.dma_semaphore, #tpu.memory_space<semaphore_mem>>) src(%arg7 : memref<80xf32, #tpu.memory_space<vmem>>) dst(%dma_wait3A_143 : memref<10000xf32, #tpu.memory_space<vmem_shared>>)
      %dma_wait3A_146 = arith.constant 0 : i32
      %dma_wait3A_147 = arith.constant 2 : i32
      %dma_wait3A_148 = arith.constant 0 : i32
      %dma_wait3A_149 = arith.constant 0 : i32
      %dma_wait3A_150 = tpu.memref_slice %arg6[%dma_wait3A_146, %dma_wait3A_147, %dma_wait3A_149] : memref<2x5x80xi32, #tpu.memory_space<vmem>> -> memref<1x1x80xi32, #tpu.memory_space<vmem>>
      %dma_wait3A_151 = tpu.memref_squeeze %dma_wait3A_150 : memref<1x1x80xi32, #tpu.memory_space<vmem>> -> memref<80xi32, #tpu.memory_space<vmem>>
      %dma_wait3A_152 = arith.constant 0 : i32
      %dma_wait3A_153 = tpu.memref_slice %arg8[%dma_wait3A_152] : memref<10000xf32, #tpu.memory_space<vmem_shared>> -> memref<10000xf32, #tpu.memory_space<vmem_shared>>
      %dma_wait3A_154 = tpu.memref_slice %arg10[%dma_wait3A_148] : memref<2x!tpu.dma_semaphore, #tpu.memory_space<semaphore_mem>> -> memref<1x!tpu.dma_semaphore, #tpu.memory_space<semaphore_mem>>
      %dma_wait3A_155 = tpu.memref_squeeze %dma_wait3A_154 : memref<1x!tpu.dma_semaphore, #tpu.memory_space<semaphore_mem>> -> memref<!tpu.dma_semaphore, #tpu.memory_space<semaphore_mem>>
      tpu.wait_indirect_dma semaphore(%dma_wait3A_155 : memref<!tpu.dma_semaphore, #tpu.memory_space<semaphore_mem>>) src(%arg7 : memref<80xf32, #tpu.memory_space<vmem>>) dst(%dma_wait3A_153 : memref<10000xf32, #tpu.memory_space<vmem_shared>>)
      %dma_wait3A_156 = arith.constant 0 : i32
      %dma_wait3A_157 = arith.constant 3 : i32
      %dma_wait3A_158 = arith.constant 0 : i32
      %dma_wait3A_159 = arith.constant 0 : i32
      %dma_wait3A_160 = tpu.memref_slice %arg6[%dma_wait3A_156, %dma_wait3A_157, %dma_wait3A_159] : memref<2x5x80xi32, #tpu.memory_space<vmem>> -> memref<1x1x80xi32, #tpu.memory_space<vmem>>
      %dma_wait3A_161 = tpu.memref_squeeze %dma_wait3A_160 : memref<1x1x80xi32, #tpu.memory_space<vmem>> -> memref<80xi32, #tpu.memory_space<vmem>>
      %dma_wait3A_162 = arith.constant 0 : i32
      %dma_wait3A_163 = tpu.memref_slice %arg8[%dma_wait3A_162] : memref<10000xf32, #tpu.memory_space<vmem_shared>> -> memref<10000xf32, #tpu.memory_space<vmem_shared>>
      %dma_wait3A_164 = tpu.memref_slice %arg10[%dma_wait3A_158] : memref<2x!tpu.dma_semaphore, #tpu.memory_space<semaphore_mem>> -> memref<1x!tpu.dma_semaphore, #tpu.memory_space<semaphore_mem>>
      %dma_wait3A_165 = tpu.memref_squeeze %dma_wait3A_164 : memref<1x!tpu.dma_semaphore, #tpu.memory_space<semaphore_mem>> -> memref<!tpu.dma_semaphore, #tpu.memory_space<semaphore_mem>>
      tpu.wait_indirect_dma semaphore(%dma_wait3A_165 : memref<!tpu.dma_semaphore, #tpu.memory_space<semaphore_mem>>) src(%arg7 : memref<80xf32, #tpu.memory_space<vmem>>) dst(%dma_wait3A_163 : memref<10000xf32, #tpu.memory_space<vmem_shared>>)
      %dma_wait3A_166 = arith.constant 0 : i32
      %dma_wait3A_167 = arith.constant 4 : i32
      %dma_wait3A_168 = arith.constant 0 : i32
      %dma_wait3A_169 = arith.constant 0 : i32
      %dma_wait3A_170 = tpu.memref_slice %arg6[%dma_wait3A_166, %dma_wait3A_167, %dma_wait3A_169] : memref<2x5x80xi32, #tpu.memory_space<vmem>> -> memref<1x1x80xi32, #tpu.memory_space<vmem>>
      %dma_wait3A_171 = tpu.memref_squeeze %dma_wait3A_170 : memref<1x1x80xi32, #tpu.memory_space<vmem>> -> memref<80xi32, #tpu.memory_space<vmem>>
      %dma_wait3A_172 = arith.constant 0 : i32
      %dma_wait3A_173 = tpu.memref_slice %arg8[%dma_wait3A_172] : memref<10000xf32, #tpu.memory_space<vmem_shared>> -> memref<10000xf32, #tpu.memory_space<vmem_shared>>
      %dma_wait3A_174 = tpu.memref_slice %arg10[%dma_wait3A_168] : memref<2x!tpu.dma_semaphore, #tpu.memory_space<semaphore_mem>> -> memref<1x!tpu.dma_semaphore, #tpu.memory_space<semaphore_mem>>
      %dma_wait3A_175 = tpu.memref_squeeze %dma_wait3A_174 : memref<1x!tpu.dma_semaphore, #tpu.memory_space<semaphore_mem>> -> memref<!tpu.dma_semaphore, #tpu.memory_space<semaphore_mem>>
      tpu.wait_indirect_dma semaphore(%dma_wait3A_175 : memref<!tpu.dma_semaphore, #tpu.memory_space<semaphore_mem>>) src(%arg7 : memref<80xf32, #tpu.memory_space<vmem>>) dst(%dma_wait3A_173 : memref<10000xf32, #tpu.memory_space<vmem_shared>>)
    } else {
    }
    %barrier3A_33 = arith.constant 0 : index
    tpu.barrier barrier_id(%barrier3A_33)
    %eq3A_34 = arith.constant 0 : i32
    %eq3A_35 = arith.cmpi eq, %arg1, %eq3A_34 : i32
    %convert_element_type3A_36 = arith.extui %eq3A_35 : i1 to i32
    %cond3A_37 = arith.constant 0 : i32
    %cond3A_38 = arith.cmpi ne, %convert_element_type3A_36, %cond3A_37 : i32
    scf.if %cond3A_38 {
      "tpu.region"() ({
        %run_scoped3A = tpu.sem_alloc : memref<!tpu.dma_semaphore, #tpu.memory_space<semaphore_mem>>
        %dma_start3A = arith.constant 0 : i32
        %dma_start3A_39 = tpu.memref_slice %arg5[%arg0, %dma_start3A] : memref<2x10000xf32, #tpu.memory_space<hbm>> -> memref<1x10000xf32, #tpu.memory_space<hbm>>
        %dma_start3A_40 = tpu.memref_squeeze %dma_start3A_39 : memref<1x10000xf32, #tpu.memory_space<hbm>> -> memref<10000xf32, #tpu.memory_space<hbm>>
        tpu.enqueue_dma source(%arg8 : memref<10000xf32, #tpu.memory_space<vmem_shared>>) target(%dma_start3A_40 : memref<10000xf32, #tpu.memory_space<hbm>>) target_semaphore(%run_scoped3A : memref<!tpu.dma_semaphore, #tpu.memory_space<semaphore_mem>>)
        %dma_wait3A = arith.constant 0 : i32
        %dma_wait3A_41 = tpu.memref_slice %arg5[%arg0, %dma_wait3A] : memref<2x10000xf32, #tpu.memory_space<hbm>> -> memref<1x10000xf32, #tpu.memory_space<hbm>>
        %dma_wait3A_42 = tpu.memref_squeeze %dma_wait3A_41 : memref<1x10000xf32, #tpu.memory_space<hbm>> -> memref<10000xf32, #tpu.memory_space<hbm>>
        tpu.wait_dma2 semaphore(%run_scoped3A : memref<!tpu.dma_semaphore, #tpu.memory_space<semaphore_mem>>) src(%arg8 : memref<10000xf32, #tpu.memory_space<vmem_shared>>) dst(%dma_wait3A_42 : memref<10000xf32, #tpu.memory_space<hbm>>)
        tpu.yield
      }) : () -> ()
    } else {
    }
    return
  }
}

module attributes {stable_mosaic.version = 14 : i64} {
  func.func @_scale_body(%arg0: i32, %arg1: memref<1000x256xf32, #tpu.memory_space<vmem>>, %arg2: memref<1000x2xf32, #tpu.memory_space<vmem>>, %arg3: memref<1000x128xf32, #tpu.memory_space<vmem>>, %arg4: memref<1000x128xf32, #tpu.memory_space<vmem>>) attributes {dimension_semantics = [#tpu.dimension_semantics<arbitrary>], iteration_bounds = array<i64: 10>, scalar_prefetch = 0 : i64, scratch_operands = 0 : i64, tpu.core_type = #tpu.core_type<tc>, window_params = [{transform_indices = @transform_0, window_bounds = array<i64: 1000, 256>}, {transform_indices = @transform_1, window_bounds = array<i64: 1000, 2>}, {transform_indices = @transform_2, window_bounds = array<i64: 1000, 128>}, {transform_indices = @transform_3, window_bounds = array<i64: 1000, 128>}]} {
    %get3A = arith.constant 0 : index
    %get3A_0 = arith.constant 0 : index
    %get3A_1 = vector.load %arg2[%get3A, %get3A_0] : memref<1000x2xf32, #tpu.memory_space<vmem>>, vector<1000x2xf32>
    %slice3A = vector.extract_strided_slice %get3A_1 {offsets = [0, 0], sizes = [1000, 1], strides = [1, 1]} : vector<1000x2xf32> to vector<1000x1xf32>
    %max3A = arith.constant 1.000000e+00 : f32
    %max3A_2 = vector.broadcast %max3A : f32 to vector<1000x1xf32>
    %max3A_3 = arith.maximumf %slice3A, %max3A_2 : vector<1000x1xf32>
    %rsqrt3A = math.rsqrt %max3A_3 : vector<1000x1xf32>
    %get3A_4 = arith.constant 0 : index
    %get3A_5 = arith.constant 0 : index
    %get3A_6 = vector.load %arg1[%get3A_4, %get3A_5] : memref<1000x256xf32, #tpu.memory_space<vmem>>, vector<1000x256xf32>
    %mul3A = vector.broadcast %rsqrt3A : vector<1000x1xf32> to vector<1000x256xf32>
    %mul3A_7 = arith.mulf %get3A_6, %mul3A : vector<1000x256xf32>
    %slice3A_8 = vector.extract_strided_slice %mul3A_7 {offsets = [0, 0], sizes = [1000, 128], strides = [1, 1]} : vector<1000x256xf32> to vector<1000x128xf32>
    %swap3A = arith.constant 0 : index
    %swap3A_9 = arith.constant 0 : index
    %swap3A_10 = vector.load %arg3[%swap3A, %swap3A_9] : memref<1000x128xf32, #tpu.memory_space<vmem>>, vector<1000x128xf32>
    tpu.vector_store %arg3[%swap3A, %swap3A_9], %slice3A_8 {strides = array<i32>} : memref<1000x128xf32, #tpu.memory_space<vmem>>, vector<1000x128xf32>,
    %slice3A_11 = vector.extract_strided_slice %mul3A_7 {offsets = [0, 128], sizes = [1000, 128], strides = [1, 1]} : vector<1000x256xf32> to vector<1000x128xf32>
    %swap3A_12 = arith.constant 0 : index
    %swap3A_13 = arith.constant 0 : index
    %swap3A_14 = vector.load %arg4[%swap3A_12, %swap3A_13] : memref<1000x128xf32, #tpu.memory_space<vmem>>, vector<1000x128xf32>
    tpu.vector_store %arg4[%swap3A_12, %swap3A_13], %slice3A_11 {strides = array<i32>} : memref<1000x128xf32, #tpu.memory_space<vmem>>, vector<1000x128xf32>,
    return
  }
  func.func @transform_0(%arg0: i32) -> (i32, i32) {
    %c0_i32 = arith.constant 0 : i32
    %c0_i32_0 = arith.constant 0 : i32
    return %arg0, %c0_i32 : i32, i32
  }
  func.func @transform_1(%arg0: i32) -> (i32, i32) {
    %c0_i32 = arith.constant 0 : i32
    %c0_i32_0 = arith.constant 0 : i32
    return %arg0, %c0_i32 : i32, i32
  }
  func.func @transform_2(%arg0: i32) -> (i32, i32) {
    %c0_i32 = arith.constant 0 : i32
    %c0_i32_0 = arith.constant 0 : i32
    return %arg0, %c0_i32 : i32, i32
  }
  func.func @transform_3(%arg0: i32) -> (i32, i32) {
    %c0_i32 = arith.constant 0 : i32
    %c0_i32_0 = arith.constant 0 : i32
    return %arg0, %c0_i32 : i32, i32
  }
}

module attributes {stable_mosaic.version = 14 : i64} {
  func.func @_matmul_body(%arg0: i32, %arg1: memref<1000x128xf32, #tpu.memory_space<vmem>>, %arg2: memref<1000x128xf32, #tpu.memory_space<vmem>>, %arg3: memref<256x256xf32, #tpu.memory_space<vmem>>, %arg4: memref<1000x1xf32, #tpu.memory_space<vmem>>, %arg5: memref<1000x256xf32, #tpu.memory_space<vmem>>) attributes {dimension_semantics = [#tpu.dimension_semantics<arbitrary>], iteration_bounds = array<i64: 10>, scalar_prefetch = 0 : i64, scratch_operands = 0 : i64, tpu.core_type = #tpu.core_type<tc>, window_params = [{transform_indices = @transform_0, window_bounds = array<i64: 1000, 128>}, {transform_indices = @transform_1, window_bounds = array<i64: 1000, 128>}, {pipeline_mode = #tpu.pipeline_mode<synchronous>, transform_indices = @transform_2, window_bounds = array<i64: 256, 256>}, {transform_indices = @transform_3, window_bounds = array<i64: 1000, 1>}, {transform_indices = @transform_4, window_bounds = array<i64: 1000, 256>}]} {
    %get3A = arith.constant 0 : index
    %get3A_0 = arith.constant 0 : index
    %get3A_1 = vector.load %arg3[%get3A, %get3A_0] : memref<256x256xf32, #tpu.memory_space<vmem>>, vector<256x256xf32>
    %get3A_2 = arith.constant 0 : index
    %get3A_3 = arith.constant 0 : index
    %get3A_4 = vector.load %arg1[%get3A_2, %get3A_3] : memref<1000x128xf32, #tpu.memory_space<vmem>>, vector<1000x128xf32>
    %slice3A = vector.extract_strided_slice %get3A_1 {offsets = [0, 0], sizes = [256, 128], strides = [1, 1]} : vector<256x256xf32> to vector<256x128xf32>
    %dot_general3A = arith.constant dense<0.000000e+00> : vector<1000x256xf32>
    %dot_general3A_5 = tpu.matmul %get3A_4, %slice3A, %dot_general3A {dimension_numbers = #tpu.dot_dimension_numbers<[1], [1], [0], [0], [0, 0, 1, 0], [], []>, transpose_lhs_hint = false} : vector<1000x128xf32>, vector<256x128xf32>, vector<1000x256xf32> -> vector<1000x256xf32>
    %get3A_6 = arith.constant 0 : index
    %get3A_7 = arith.constant 0 : index
    %get3A_8 = vector.load %arg2[%get3A_6, %get3A_7] : memref<1000x128xf32, #tpu.memory_space<vmem>>, vector<1000x128xf32>
    %slice3A_9 = vector.extract_strided_slice %get3A_1 {offsets = [0, 128], sizes = [256, 128], strides = [1, 1]} : vector<256x256xf32> to vector<256x128xf32>
    %dot_general3A_10 = arith.constant dense<0.000000e+00> : vector<1000x256xf32>
    %dot_general3A_11 = tpu.matmul %get3A_8, %slice3A_9, %dot_general3A_10 {dimension_numbers = #tpu.dot_dimension_numbers<[1], [1], [0], [0], [0, 0, 1, 0], [], []>, transpose_lhs_hint = false} : vector<1000x128xf32>, vector<256x128xf32>, vector<1000x256xf32> -> vector<1000x256xf32>
    %add3A = arith.addf %dot_general3A_5, %dot_general3A_11 : vector<1000x256xf32>
    %get3A_12 = arith.constant 0 : index
    %get3A_13 = arith.constant 0 : index
    %get3A_14 = vector.load %arg4[%get3A_12, %get3A_13] : memref<1000x1xf32, #tpu.memory_space<vmem>>, vector<1000x1xf32>
    %max3A = arith.constant 1.000000e+00 : f32
    %max3A_15 = vector.broadcast %max3A : f32 to vector<1000x1xf32>
    %max3A_16 = arith.maximumf %get3A_14, %max3A_15 : vector<1000x1xf32>
    %rsqrt3A = math.rsqrt %max3A_16 : vector<1000x1xf32>
    %mul3A = vector.broadcast %rsqrt3A : vector<1000x1xf32> to vector<1000x256xf32>
    %mul3A_17 = arith.mulf %add3A, %mul3A : vector<1000x256xf32>
    %swap3A = arith.constant 0 : index
    %swap3A_18 = arith.constant 0 : index
    %swap3A_19 = vector.load %arg5[%swap3A, %swap3A_18] : memref<1000x256xf32, #tpu.memory_space<vmem>>, vector<1000x256xf32>
    tpu.vector_store %arg5[%swap3A, %swap3A_18], %mul3A_17 {strides = array<i32>} : memref<1000x256xf32, #tpu.memory_space<vmem>>, vector<1000x256xf32>,
    return
  }
  func.func @transform_0(%arg0: i32) -> (i32, i32) {
    %c0_i32 = arith.constant 0 : i32
    %c0_i32_0 = arith.constant 0 : i32
    return %arg0, %c0_i32 : i32, i32
  }
  func.func @transform_1(%arg0: i32) -> (i32, i32) {
    %c0_i32 = arith.constant 0 : i32
    %c0_i32_0 = arith.constant 0 : i32
    return %arg0, %c0_i32 : i32, i32
  }
  func.func @transform_2(%arg0: i32) -> (i32, i32) {
    %c0_i32 = arith.constant 0 : i32
    %c0_i32_0 = arith.constant 0 : i32
    %c0_i32_1 = arith.constant 0 : i32
    return %c0_i32, %c0_i32_0 : i32, i32
  }
  func.func @transform_3(%arg0: i32) -> (i32, i32) {
    %c0_i32 = arith.constant 0 : i32
    %c0_i32_0 = arith.constant 0 : i32
    return %arg0, %c0_i32 : i32, i32
  }
  func.func @transform_4(%arg0: i32) -> (i32, i32) {
    %c0_i32 = arith.constant 0 : i32
    %c0_i32_0 = arith.constant 0 : i32
    return %arg0, %c0_i32 : i32, i32
  }
}

</mosaic_0001>

<sc_bundles>
// kernel: kernel.6.cloned.1.call-start
scs
__scs_entry_jumppad:
0x0: {  	(pc) =	sbr.rel $0x88, $3  }
0x1: {  	(tag) =	ssettag $0x0;
	lr =	simm.s32 $0x1  }
0x2: {  	[smem:$0x3F9E] =	sst lr;
	_ =	strace $0xD0000000  }
0x3: {  	_ = 	snop  }
0x4: {  	_ = 	snop  }
0x5: {  	_ = 	snop  }
0x6: {  	_ = 	snop  }
0x7: {  	_ = 	snop  }
__scs_overlays_trampoline_lowered:
0x8: {  	[smem:$0x3FAD] =	sst s0  }
0x9: {  	[smem:$0x3FAE] =	sst s1  }
0xa: {  	[smem:$0x3FAF] =	sst s2  }
0xb: {  	[smem:$0x3FB0] =	sst s3  }
0xc: {  	[smem:$0x3FB1] =	sst s4  }
0xd: {  	[smem:$0x3FB2] =	sst s5  }
0xe: {  	[smem:$0x3FB3] =	sst s6  }
0xf: {  	[smem:$0x3FB4] =	sst s7  }
0x10: {  	[smem:$0x3FB5] =	sst s8  }
0x11: {  	[smem:$0x3FB6] =	sst s9;
	s0 =	simm.s32 @!p0 $0x0  }
0x12: {  	s1 =	sld [smem:$0x3F9C];
	s0 =	simm.s32 @p0 $0x1  }
0x13: {  	[smem:$0x3FB7] =	sst s0;
	s0 =	simm.s32 @!p1 $0x0  }
0x14: {  	s2 =	sld [smem:$0x3F9B];
	s0 =	simm.s32 @p1 $0x1  }
0x15: {  	[smem:$0x3FB8] =	sst s0;
	s0 =	simm.s32 @!p2 $0x0  }
0x16: {  	s3 =	sld [smem:$0x3FDB];
	s0 =	simm.s32 @p2 $0x1  }
0x17: {  	s4 =	simm.s32 $0x1BF5;
	[smem:$0x3FBA] =	sst s0  }
0x18: {  	s0 =	sld [smem:$0x3F9D];
	_ =	swait.ge [sflag:s4], $0x0  }
0x19: {  	s7 =	sld [smem:$0x3F9E]  }
0x1a: {  	s8 =	sadd.s32 $0xFFFFE003, lr  }
0x1b: {  	s9 =	sadd.s32 $0xFFFFFEF7, lr;
	s5 =	simm.s32 $0xFFFFFFFF;
	p2 =	slt.u32 s8, $0xFFFFF086  }
0x1c: {  	p1 =	slt.u32 s9, $0xF7A;
	s5 =	simm.s32 @!p2 $0x0  }
0x1d: {  	s5 =	simm.s32 @p1 $0x1;
	p0 =	seq.s32 s7, s2  }
0x1e: {  	s7 =	smul.u32 @!p0 $0xF7A, s2;
	p2 =	seq.s32 @!p0 s5, $0x0  }
0x1f: {  	s9 =	smul.u32 $0xF7A, s1;
	s8 =	simm.s32 @!p0 $0x1BF5;
	p2 =	por !p2, p0  }
0x20: {  	[sflag:s8] =	ssyncset.s32 @!p0 $0xFFFFF086;
	s6 =	sadd.s32 @!p0 s3, s7;
	s7 =	simm.s32 @!p0 $0x108  }
0x21: {  	s3 =	sadd.s32 s3, s9;
	s6 =	sadd.s32 @!p0 $0x88, s6;
	s7 =	simm.s32 @p2 $0x1082  }
0x22: {  	[simem:s7], [sflag:s8] =	dma.local @!p0 [hbm:s6], $0xF7A  }
0x23: {  	s9 =	sor.u32 $0xD0000000, s2;
	s6 =	simm.s32 $0x108;
	_ =	swait.ge @!p0 [sflag:s8], $0x0  }
0x24: {  	s3 =	sadd.s32 $0x88, s3;
	s6 =	simm.s32 @!p1 $0x1082;
	[sflag:s4] =	ssyncset.s32 $0xFFFFF086  }
0x25: {  	[simem:s6], [sflag:s4] =	dma.local [hbm:s3], $0xF7A  }
0x26: {  	[smem:$0x3F9E] =	sst s1;
	(tag) =	ssettag s2;
	_ =	strace s9  }
0x27: {  	s1 =	sld [smem:$0x3FAE]  }
0x28: {  	s2 =	sld [smem:$0x3FAF]  }
0x29: {  	s4 =	sld [smem:$0x3FB1]  }
0x2a: {  	p0 =	seq.s32 s5, $0x0;
	s5 =	sld [smem:$0x3FB2]  }
0x2b: {  	s6 =	sld [smem:$0x3FB3]  }
0x2c: {  	s7 =	sld [smem:$0x3FB4]  }
0x2d: {  	s3 =	simm.s32 $0x108;
	s8 =	sld [smem:$0x3FB5]  }
0x2e: {  	s3 =	simm.s32 @!p0 $0x1082;
	s9 =	sld [smem:$0x3FB6]  }
0x2f: {  	lr =	sadd.s32 s0, s3;
	s0 =	sld [smem:$0x3FAD]  }
0x30: {  	s3 =	sld [smem:$0x3FB0]  }
0x31: {  	[smem:$0x3FB9] =	sst s10  }
0x32: {  	s10 =	sld [smem:$0x3FB7];
	_ =	sdelay $0x3  }
0x33: {  	p0 =	seq.s32 s10, $0x1;
	s10 =	sld [smem:$0x3FB9];
	_ =	sdelay $0x3  }
0x34: {  	[smem:$0x3FB9] =	sst s10  }
0x35: {  	s10 =	sld [smem:$0x3FB8];
	_ =	sdelay $0x3  }
0x36: {  	p1 =	seq.s32 s10, $0x1;
	s10 =	sld [smem:$0x3FB9];
	_ =	sdelay $0x3  }
0x37: {  	[smem:$0x3FB9] =	sst s10  }
0x38: {  	s10 =	sld [smem:$0x3FBA]  }
0x39: {  	_ = 	snop;
	(pc) =	sbr.ind lr, $3  }
0x3a: {  	_ = 	snop  }
0x3b: {  	_ = 	snop  }
0x3c: {  	p2 =	seq.s32 s10, $0x1;
	s10 =	sld [smem:$0x3FB9]  }
0x3d: {  	_ =	shalt  }
0x3e: {  	_ =	shalt  }
0x3f: {  	_ =	shalt  }
0x40: {  	_ =	shalt  }
0x41: {  	_ =	shalt  }
0x42: {  	_ =	shalt  }
0x43: {  	_ =	shalt  }
0x44: {  	_ =	shalt  }
0x45: {  	_ =	shalt  }
0x46: {  	_ =	shalt  }
0x47: {  	_ =	shalt  }
0x48: {  	_ =	shalt  }
0x49: {  	_ =	shalt  }
0x4a: {  	_ =	shalt  }
0x4b: {  	_ =	shalt  }
0x4c: {  	_ =	shalt  }
0x4d: {  	_ =	shalt  }
0x4e: {  	_ =	shalt  }
0x4f: {  	_ =	shalt  }
0x50: {  	_ =	shalt  }
0x51: {  	_ =	shalt  }
0x52: {  	_ =	shalt  }
0x53: {  	_ =	shalt  }
0x54: {  	_ =	shalt  }
0x55: {  	_ =	shalt  }
0x56: {  	_ =	shalt  }
0x57: {  	_ =	shalt  }
0x58: {  	_ =	shalt  }
0x59: {  	_ =	shalt  }
0x5a: {  	_ =	shalt  }
0x5b: {  	_ =	shalt  }
0x5c: {  	_ =	shalt  }
0x5d: {  	_ =	shalt  }
0x5e: {  	_ =	shalt  }
0x5f: {  	_ =	shalt  }
0x60: {  	_ =	shalt  }
0x61: {  	_ =	shalt  }
0x62: {  	_ =	shalt  }
0x63: {  	_ =	shalt  }
0x64: {  	_ =	shalt  }
0x65: {  	_ =	shalt  }
0x66: {  	_ =	shalt  }
0x67: {  	_ =	shalt  }
0x68: {  	_ =	shalt  }
0x69: {  	_ =	shalt  }
0x6a: {  	_ =	shalt  }
0x6b: {  	_ =	shalt  }
0x6c: {  	_ =	shalt  }
0x6d: {  	_ =	shalt  }
0x6e: {  	_ =	shalt  }
0x6f: {  	_ =	shalt  }
0x70: {  	_ =	shalt  }
0x71: {  	_ =	shalt  }
0x72: {  	_ =	shalt  }
0x73: {  	_ =	shalt  }
0x74: {  	_ =	shalt  }
0x75: {  	_ =	shalt  }
0x76: {  	_ =	shalt  }
0x77: {  	_ =	shalt  }
0x78: {  	_ =	shalt  }
0x79: {  	_ =	shalt  }
0x7a: {  	_ =	shalt  }
0x7b: {  	_ =	shalt  }
0x7c: {  	_ =	shalt  }
0x7d: {  	_ =	shalt  }
0x7e: {  	_ =	shalt  }
0x7f: {  	_ =	shalt  }
0x80: {  	_ =	shalt  }
0x81: {  	_ =	shalt  }
0x82: {  	_ =	shalt  }
0x83: {  	_ =	shalt  }
0x84: {  	_ =	shalt  }
0x85: {  	_ =	shalt  }
0x86: {  	_ =	shalt  }
0x87: {  	_ =	shalt  }
.Lfunc_end0:
.L_simem_size_0:
called_computation_lowered:
.L_overlay_start_0:
0x88: {  	s2 =	sld [smem:$0x3FD9]  }
0x89: {  	s3 =	sld [smem:$0x3FFE];
	_ =	sdelay $0x1  }
0x8a: {  	s1 =	srdreg.scid  }
0x8b: {  	s0 =	sand.u32 $0x1, s1  }
0x8c: {  	s17 =	sshll.u32 s0, $0xA;
	s2 =	sadd.s32 s3, s2  }
0x8d: {  	s2 =	sadd.s32 s2, s17  }
0x8e: {  	[smem:$0x3FC5] =	sst s2  }
0x8f: {  	_ = 	snop  }
0x90: {  	s2 =	sld [smem:$0x3FD0];
	(tm) =	ssettm $0x1  }
0x91: {  	s18 =	sld [smem:$0x3FFB];
	_ =	sdelay $0x3  }
0x92: {  	_ =	strace s18  }
0x93: {  	s3 =	sld [smem:$0x3FFC];
	_ =	sdelay $0x3  }
0x94: {  	_ =	strace s3  }
0x95: {  	s3 =	sld [smem:$0x3FFD];
	_ =	sdelay $0x3  }
0x96: {  	_ =	strace s3  }
0x97: {  	_ =	strace $0x8FFFFFFF  }
0x98: {  	s19 =	sld [smem:$0x3FDB];
	_ =	sdelay $0x1  }
0x99: {  	s4 =	simm.s32 $_scs_section_size  }
0x9a: {  	s5 =	simm.s32 $_size__tile_overlayer_lowered;
	s6 =	simm.s32 $_tile_overlayer_lowered  }
0x9b: {  	s22 =	simm.s32 $0x1BFF;
	s21 =	sshll.u32 s6, $0x1;
	s3 =	sadd.s32 s4, s19  }
0x9c: {  	s7 =	simm.s32 $0x0;
	s20 =	sshll.u32 s5, $0x1;
	s5 =	sadd.s32 s21, s3  }
0x9d: {  	[timem:s7], [sflag:s22] =	dma.local [hbm:s5], s20  }
0x9e: {  	_ =	swait.ge [sflag:s22], s20  }
0x9f: {  	s4 =	ssub.s32 $0x0, s20;
	[sflag:s22] =	ssyncset.done $0x0  }
0xa0: {  	[sflag:s22] =	ssyncadd.s32 s4;
	_ =	sdelay $0x1  }
0xa1: {  	s23 =	simm.s32 $0x1B8B  }
0xa2: {  	_ =	swait.ge [sflag:s23], $0x1  }
0xa3: {  	[sflag:s23] =	ssyncset.done $0x0  }
0xa4: {  	s25 =	simm.s32 $0x1B8E;
	s24 =	sld [smem:$0x3FFE];
	[sflag:s23] =	ssyncadd.s32 $0xFFFFFFFF  }
0xa5: {  	s26 =	simm.s32 $execute0_lowered;
	[smem:$0x3FD2] =	sst s25  }
0xa6: {  	s5 =	sshll.u32 s26, $0x1;
	_ =	strace $0x80000046;
	[dreg:$0x1] =	wrdreg $0xFFFFFFFF  }
0xa7: {  	s28 =	simm.s32 $_size_execute0_lowered;
	s3 =	sadd.s32 s3, s5;
	[dreg:$0x0] =	wrdreg $0x0  }
0xa8: {  	s5 =	sshll.u32 s28, $0x1;
	[dreg:$0x2] =	wrdreg s3  }
0xa9: {  	[dreg:$0x3] =	wrdreg s5  }
0xaa: {  	[dreg:$0x4] =	wrdreg $0xC0  }
0xab: {  	_ =	task [dreg:s7], $0x5FFFF  }
0xac: {  	[dreg:$0x1] =	wrdreg $0xFFFFFFFF  }
0xad: {  	[dreg:$0x0] =	wrdreg $0x60  }
0xae: {  	[dreg:$0x2] =	wrdreg s24  }
0xaf: {  	[dreg:$0x3] =	wrdreg s2  }
0xb0: {  	[dreg:$0x4] =	wrdreg $0x8800  }
0xb1: {  	[dreg:$0x5] =	wrdreg $0x9  }
0xb2: {  	_ =	task.clear_ibuf [dreg:s7], $0x6FFFF;
	_ =	strace $0x90000046  }
0xb3: {  	s29 =	simm.s32 $0x9;
	_ =	strace $0x80000048  }
0xb4: {  	_ =	swait.ge [sflag:s29], $0x1  }
0xb5: {  	[sflag:s29] =	ssyncadd.s32 $0xFFFFFFFF  }
0xb6: {  	_ =	strace $0x90000048  }
0xb7: {  	_ =	sfence  }
0xb8: {  	s30 =	sld [smem:$0x0];
	_ =	sdelay $0x2  }
0xb9: {  	s31 =	sshll.u32 s1, $0xD;
	s1 =	sshrl.u32 s1, $0x2  }
0xba: {  	s3 =	sand.u32 $0x4000, s31;
	s1 =	sadd.s32 s1, s30  }
0xbb: {  	s0 =	sor.u32 s3, s0;
	s1 =	sshll.u32 s1, $0x11  }
0xbc: {  	s0 =	sor.u32 s1, s0  }
0xbd: {  	s0 =	sadd.s32 $0x8F2B, s0  }
0xbe: {  	[sflag:s0] =	ssyncadd.remote.s32 $0x1  }
0xbf: {  	_ =	sfence.sel $0xFFFF  }
0xc0: {  	[dreg:$0x0] =	wrdreg $0xFFFFFFFF;
	(pc) =	sbr.abs _section_cstart, $3  }
0xc1: {  	[dreg:$0x1] =	wrdreg $0xFFFFFFFF  }
0xc2: {  	_ =	task.clear_ibuf [dreg:s7], $0x2FFFF;
	_ =	strace $0x9FFFFFFF  }
0xc3: {  	(tm) =	ssettm $0x7FFFFFFF  }
tec
execute0_lowered:
.L_overlay_start_1:
0x0: {  	(tag) =	ssettag $0x1  }
0x1: {  	s0 =	rddreg [dreg:$0x0]  }
0x2: {  	s2 =	rddreg [dreg:$0x2]  }
0x3: {  	s3 =	simm.s32 $0x0;
	s4 =	srdreg.scid;
	s19 =	stileid.u32  }
0x4: {  	s20 =	simm.s32 $0x80;
	s21 =	simm.s32 $0x100;
	s22 =	simm.s32 $0x180  }
0x5: {  	s23 =	simm.s32 $0x200;
	s24 =	simm.s32 $0x50;
	s25 =	simm.s32 $0x800  }
0x6: {  	s26 =	simm.s32 $0x3;
	s28 =	simm.s32 $0x0;
	[smem:$0x7FF] =	sst s3  }
0x7: {  	s7 =	sand.u32 $0x1, s4;
	s4 =	sadd.s32 $0x6200, s0;
	s5 =	smul.u32 $0x2710, s19  }
0x8: {  	s6 =	sadd.s32 $0x1200, s0;
	p1 =	sne.s32 s19, $0x0;
	_ =	strace $0x80000047  }
0x9: {  	s8 =	ssub.s32 $0x2, s7;
	s9 =	sshll.u32 s7, $0x4;
	p0 =	seq.s32 s7, $0x1  }
0xa: {  	s19 =	sshrl.u32 @!p1 s2, $0x3;
	s10 =	sshrl.u32 s8, $0x1;
	s12 =	sshrl.u32 s5, $0x3  }
0xb: {  	s0 =	sadd.s32 s9, s0;
	s18 =	ssub.s32 s8, s10;
	s1 =	sadd.s32 s4, s12  }
0xc: {  	s13 =	sadd.s32 $0xA, s12;
	s14 =	sadd.s32 $0x14, s12;
	s15 =	sadd.s32 $0x1E, s12  }
.Ltmp0:
0xd: {  	s16 =	sadd.s32 $0x28, s12;
	s12 =	sadd.s32 s6, s12;
	(pc) =	sbr.rel .LBB2_1-.Ltmp0, $4  }
0xe: {  	s17 =	sadd.s32 $0xB200, s0;
	[dreg:$0x4] =	wrdreg s1;
	s31 =	sadd.s32 s4, s13  }
0xf: {  	s9 =	sadd.s32 s4, s14;
	s10 =	sadd.s32 s4, s15;
	s11 =	sadd.s32 s4, s16  }
0x10: {  	s13 =	sadd.s32 s6, s13;
	s14 =	sadd.s32 s6, s14;
	s15 =	sadd.s32 s6, s15  }
0x11: {  	v0 =	vimm.f32 $1.000000000e+00;
	s16 =	sadd.s32 s6, s16;
	s18 =	smax.u32 s18, $0x1;
	[dreg:$0x5] =	wrdreg s31  }
.LBB2_10:
0x12: {  	_ =	swait.ge [sflag:s26], $0x50  }
0x13: {  	[sflag:s26] =	ssyncset.done $0x0  }
0x14: {  	[sflag:s26] =	ssyncadd.s32 $0xFFFFFFB0  }
0x15: {  	_ =	swait.ge [sflag:s26], $0x50  }
0x16: {  	[sflag:s26] =	ssyncset.done $0x0  }
0x17: {  	[sflag:s26] =	ssyncadd.s32 $0xFFFFFFB0  }
0x18: {  	_ =	swait.ge [sflag:s26], $0x50  }
0x19: {  	[sflag:s26] =	ssyncset.done $0x0  }
0x1a: {  	[sflag:s26] =	ssyncadd.s32 $0xFFFFFFB0  }
0x1b: {  	_ =	swait.ge [sflag:s26], $0x50  }
0x1c: {  	[sflag:s26] =	ssyncset.done $0x0  }
0x1d: {  	[sflag:s26] =	ssyncadd.s32 $0xFFFFFFB0  }
0x1e: {  	_ =	swait.ge [sflag:s26], $0x50  }
0x1f: {  	s0 =	simm.s32 @!p1 $0x1;
	s1 =	simm.s32 @!p1 $0x20;
	[sflag:s26] =	ssyncset.done $0x0  }
0x20: {  	s7 =	simm.s32 @!p1 $0x10;
	s28 =	sadd.s32 $0x1, s28;
	[sflag:s26] =	ssyncadd.s32 $0xFFFFFFB0  }
0x21: {  	s8 =	simm.s32 @!p1 $0x1C05;
	p2 =	sne.s32 s28, s18;
	[bflag:$0x0] =	sbarrier.arrive $0xFFFF  }
0x22: {  	[hbm:s17@s1], [sflag:s8] =	dma.strided @!p1 [spmem:s19@s7], $0x4F0, s0, $0x10   }
.Ltmp1:
0x23: {  	_ = 	snop;
	(pc) =	sbr.rel @!p2 .LBB2_11-.Ltmp1, $4  }
0x24: {  	s0 =	simm.s32 @!p1 $0x5  }
0x25: {  	_ =	swait.ge @!p1 [sflag:s0], $0x4F0  }
0x26: {  	[sflag:s0] =	ssyncset.done @!p1 $0x0  }
0x27: {  	[sflag:s0] =	ssyncadd.s32 @!p1 $0xFFFFFB10  }
.LBB2_1:
0x28: {  	s0 =	simm.s32 @!p1 $0x1C05;
	s1 =	rddreg [dreg:$0x1]  }
0x29: {  	[spmem:s19], [sflag:s0] =	dma.local @!p1 [hbm:s1], $0x4F0  }
0x2a: {  	s0 =	simm.s32 @!p1 $0x5  }
0x2b: {  	_ =	swait.ge @!p1 [sflag:s0], $0x4F0  }
0x2c: {  	[sflag:s0] =	ssyncset.done @!p1 $0x0  }
0x2d: {  	[sflag:s0] =	ssyncadd.s32 @!p1 $0xFFFFFB10  }
0x2e: {  	[tilespmem:$0x800] =	vst v0  }
0x2f: {  	[tilespmem:$0x810] =	vst v0  }
.Ltmp2:
0x30: {  	[tilespmem:$0x820] =	vst v0;
	(pc) =	sbr.rel @!p0 .LBB2_2-.Ltmp2, $4  }
0x31: {  	[tilespmem:$0x830] =	vst v0  }
0x32: {  	[tilespmem:$0x840] =	vst v0  }
0x33: {  	[bflag:$0x0] =	sbarrier.arrive $0xFFFF  }
0x34: {  	s31 =	simm.s32 $0x0  }
0x35: {  	[tilespmem:s31], [sflag:$0x1] =	stream.linear.gather [hbm4b:s12+s31], $0x50, $0x38;
	[tilespmem:$0xAF8] =	vst v63  }
0x36: {  	_ = 	snop  }
0x37: {  	[tilespmem:s20], [sflag:$0x1] =	stream.linear.gather [hbm4b:s13+s31], $0x50, $0x38;
	[tilespmem:$0xAF8] =	vst v63  }
0x38: {  	_ = 	snop  }
0x39: {  	[tilespmem:s21], [sflag:$0x1] =	stream.linear.gather [hbm4b:s14+s31], $0x50, $0x38;
	[tilespmem:$0xAF8] =	vst v63  }
.Ltmp3:
0x3a: {  	_ = 	snop;
	(pc) =	sbr.rel .LBB2_7-.Ltmp3, $4  }
0x3b: {  	_ = 	snop  }
0x3c: {  	[tilespmem:s22], [sflag:$0x1] =	stream.linear.gather [hbm4b:s15+s31], $0x50, $0x38;
	[tilespmem:$0xAF8] =	vst v63  }
0x3d: {  	_ = 	snop  }
0x3e: {  	[tilespmem:s23], [sflag:$0x1] =	stream.linear.gather [hbm4b:s16+s31], $0x50, $0x38;
	[tilespmem:$0xAF8] =	vst v63  }
.LBB2_9:
0x3f: {  	s0 =	sadd.s32 $0x1, s29  }
0x40: {  	_ =	swait.ge [sflag:s0], $0x50  }
0x41: {  	[sflag:s0] =	ssyncset.done $0x0  }
0x42: {  	[sflag:s0] =	ssyncadd.s32 $0xFFFFFFB0  }
0x43: {  	_ =	swait.ge [sflag:s0], $0x50  }
0x44: {  	[sflag:s0] =	ssyncset.done $0x0  }
0x45: {  	[sflag:s0] =	ssyncadd.s32 $0xFFFFFFB0  }
0x46: {  	_ =	swait.ge [sflag:s0], $0x50  }
0x47: {  	[sflag:s0] =	ssyncset.done $0x0  }
0x48: {  	[sflag:s0] =	ssyncadd.s32 $0xFFFFFFB0  }
0x49: {  	_ =	swait.ge [sflag:s0], $0x50  }
0x4a: {  	[sflag:s0] =	ssyncset.done $0x0  }
0x4b: {  	[sflag:s0] =	ssyncadd.s32 $0xFFFFFFB0  }
0x4c: {  	_ =	swait.ge [sflag:s0], $0x50  }
0x4d: {  	[sflag:s0] =	ssyncset.done $0x0  }
0x4e: {  	s1 =	sshll.u32 s29, $0xA;
	[sflag:s0] =	ssyncadd.s32 $0xFFFFFFB0;
	s0 =	sadd.s32 $0x3, s29  }
0x4f: {  	[spmem:s2] =	stream.indirect.scatter.add.f32 [tilespmem:s25], [sflag:s0], $0x1, s1, s24, $0xb8;
	[tilespmem:$0xAF8] =	vst v63  }
0x50: {  	s7 =	sor.u32 $0x80, s1  }
0x51: {  	[spmem:s2] =	stream.indirect.scatter.add.f32 [tilespmem:s25], [sflag:s0], $0x1, s7, s24, $0xb8;
	[tilespmem:$0xAF8] =	vst v63  }
0x52: {  	p2 =	slt.u32 s30, $0x19;
	s8 =	sor.u32 $0x100, s1  }
0x53: {  	[spmem:s2] =	stream.indirect.scatter.add.f32 [tilespmem:s25], [sflag:s0], $0x1, s8, s24, $0xb8;
	[tilespmem:$0xAF8] =	vst v63  }
.Ltmp4:
0x54: {  	_ = 	snop;
	(pc) =	sbr.rel @!p2 .LBB2_10-.Ltmp4, $4  }
0x55: {  	s29 =	sor.u32 $0x180, s1  }
0x56: {  	[spmem:s2] =	stream.indirect.scatter.add.f32 [tilespmem:s25], [sflag:s0], $0x1, s29, s24, $0xb8;
	[tilespmem:$0xAF8] =	vst v63  }
0x57: {  	s31 =	smov.u32 s30;
	s1 =	sor.u32 $0x200, s1  }
0x58: {  	[spmem:s2] =	stream.indirect.scatter.add.f32 [tilespmem:s25], [sflag:s0], $0x1, s1, s24, $0xb8;
	[tilespmem:$0xAF8] =	vst v63  }
.LBB2_7:
0x59: {  	s29 =	sand.u32 $0x1, s31  }
0x5a: {  	p2 =	seq.s32 s31, $0x0;
	s0 =	sxor.u32 $0x1, s29  }
0x5b: {  	s1 =	sadd.s32 @!p2 $0x3, s0  }
0x5c: {  	_ =	swait.ge @!p2 [sflag:s1], $0x50  }
0x5d: {  	[sflag:s1] =	ssyncset.done @!p2 $0x0  }
0x5e: {  	[sflag:s1] =	ssyncadd.s32 @!p2 $0xFFFFFFB0  }
0x5f: {  	_ =	swait.ge @!p2 [sflag:s1], $0x50  }
0x60: {  	[sflag:s1] =	ssyncset.done @!p2 $0x0  }
0x61: {  	[sflag:s1] =	ssyncadd.s32 @!p2 $0xFFFFFFB0  }
0x62: {  	_ =	swait.ge @!p2 [sflag:s1], $0x50  }
0x63: {  	[sflag:s1] =	ssyncset.done @!p2 $0x0  }
0x64: {  	p3 =	seq.s32 @!p2 s31, $0x18;
	[sflag:s1] =	ssyncadd.s32 @!p2 $0xFFFFFFB0  }
0x65: {  	p3 =	por p2, !p3;
	_ =	swait.ge @!p2 [sflag:s1], $0x50  }
.Ltmp5:
0x66: {  	[sflag:s1] =	ssyncset.done @!p2 $0x0;
	(pc) =	sbr.rel @!p3 .LBB2_9-.Ltmp5, $4  }
0x67: {  	[sflag:s1] =	ssyncadd.s32 @!p2 $0xFFFFFFB0  }
0x68: {  	_ =	swait.ge @!p2 [sflag:s1], $0x50  }
0x69: {  	[sflag:s1] =	ssyncset.done @!p2 $0x0  }
0x6a: {  	s30 =	simm.s32 @!p2 $0x19;
	[sflag:s1] =	ssyncadd.s32 @!p2 $0xFFFFFFB0  }
0x6b: {  	s30 =	sadd.s32 @!p2 $0x1, s31  }
0x6c: {  	s30 =	simm.s32 @p2 $0x1  }
0x6d: {  	s1 =	smul.u32 $0x190, s30;
	_ =	sdelay $0x1  }
0x6e: {  	s1 =	sadd.s32 s5, s1  }
0x6f: {  	s1 =	sshrl.u32 s1, $0x3  }
0x70: {  	s7 =	sadd.s32 $0x1, s0;
	s0 =	sshll.u32 s0, $0xA;
	s1 =	sadd.s32 s6, s1  }
0x71: {  	[tilespmem:s0], [sflag:s7] =	stream.linear.gather [hbm4b:s1+s3], $0x50, $0x38;
	[tilespmem:$0xAF8] =	vst v63  }
0x72: {  	s8 =	sor.u32 $0x80, s0;
	s31 =	sadd.s32 $0xA, s1  }
0x73: {  	[tilespmem:s8], [sflag:s7] =	stream.linear.gather [hbm4b:s31+s3], $0x50, $0x38;
	[tilespmem:$0xAF8] =	vst v63  }
0x74: {  	s8 =	sor.u32 $0x100, s0;
	s31 =	sadd.s32 $0x14, s1  }
0x75: {  	[tilespmem:s8], [sflag:s7] =	stream.linear.gather [hbm4b:s31+s3], $0x50, $0x38;
	[tilespmem:$0xAF8] =	vst v63  }
.Ltmp6:
0x76: {  	_ = 	snop;
	(pc) =	sbr.rel .LBB2_9-.Ltmp6, $4  }
0x77: {  	s8 =	sor.u32 $0x180, s0;
	s31 =	sadd.s32 $0x1E, s1  }
0x78: {  	[tilespmem:s8], [sflag:s7] =	stream.linear.gather [hbm4b:s31+s3], $0x50, $0x38;
	[tilespmem:$0xAF8] =	vst v63  }
0x79: {  	s0 =	sor.u32 $0x200, s0;
	s1 =	sadd.s32 $0x28, s1  }
0x7a: {  	[tilespmem:s0], [sflag:s7] =	stream.linear.gather [hbm4b:s1+s3], $0x50, $0x38;
	[tilespmem:$0xAF8] =	vst v63  }
.LBB2_2:
0x7b: {  	s0 =	rddreg [dreg:$0x4]  }
0x7c: {  	[tilespmem:s31], [sflag:$0x1] =	stream.linear.gather [hbm4b:s0+s31], $0x50, $0x38;
	[tilespmem:$0xAF8] =	vst v63  }
0x7d: {  	s30 =	rddreg [dreg:$0x5]  }
0x7e: {  	[tilespmem:s20], [sflag:$0x1] =	stream.linear.gather [hbm4b:s30+s31], $0x50, $0x38;
	[tilespmem:$0xAF8] =	vst v63  }
0x7f: {  	_ = 	snop  }
0x80: {  	[tilespmem:s21], [sflag:$0x1] =	stream.linear.gather [hbm4b:s9+s31], $0x50, $0x38;
	[tilespmem:$0xAF8] =	vst v63  }
.Ltmp7:
0x81: {  	_ = 	snop;
	(pc) =	sbr.rel .LBB2_3-.Ltmp7, $4  }
0x82: {  	_ = 	snop  }
0x83: {  	[tilespmem:s22], [sflag:$0x1] =	stream.linear.gather [hbm4b:s10+s31], $0x50, $0x38;
	[tilespmem:$0xAF8] =	vst v63  }
0x84: {  	_ = 	snop  }
0x85: {  	[tilespmem:s23], [sflag:$0x1] =	stream.linear.gather [hbm4b:s11+s31], $0x50, $0x38;
	[tilespmem:$0xAF8] =	vst v63  }
.LBB2_5:
0x86: {  	s0 =	sadd.s32 $0x1, s29  }
0x87: {  	_ =	swait.ge [sflag:s0], $0x50  }
0x88: {  	[sflag:s0] =	ssyncset.done $0x0  }
0x89: {  	[sflag:s0] =	ssyncadd.s32 $0xFFFFFFB0  }
0x8a: {  	_ =	swait.ge [sflag:s0], $0x50  }
0x8b: {  	[sflag:s0] =	ssyncset.done $0x0  }
0x8c: {  	[sflag:s0] =	ssyncadd.s32 $0xFFFFFFB0  }
0x8d: {  	_ =	swait.ge [sflag:s0], $0x50  }
0x8e: {  	[sflag:s0] =	ssyncset.done $0x0  }
0x8f: {  	[sflag:s0] =	ssyncadd.s32 $0xFFFFFFB0  }
0x90: {  	_ =	swait.ge [sflag:s0], $0x50  }
0x91: {  	[sflag:s0] =	ssyncset.done $0x0  }
0x92: {  	[sflag:s0] =	ssyncadd.s32 $0xFFFFFFB0  }
0x93: {  	_ =	swait.ge [sflag:s0], $0x50  }
0x94: {  	[sflag:s0] =	ssyncset.done $0x0  }
0x95: {  	s1 =	sshll.u32 s29, $0xA;
	[sflag:s0] =	ssyncadd.s32 $0xFFFFFFB0;
	s0 =	sadd.s32 $0x3, s29  }
0x96: {  	[spmem:s2] =	stream.indirect.scatter.add.f32 [tilespmem:s25], [sflag:s0], $0x1, s1, s24, $0xb8;
	[tilespmem:$0xAF8] =	vst v63  }
0x97: {  	s7 =	sor.u32 $0x80, s1  }
0x98: {  	[spmem:s2] =	stream.indirect.scatter.add.f32 [tilespmem:s25], [sflag:s0], $0x1, s7, s24, $0xb8;
	[tilespmem:$0xAF8] =	vst v63  }
0x99: {  	p2 =	slt.u32 s30, $0x19;
	s8 =	sor.u32 $0x100, s1  }
0x9a: {  	[spmem:s2] =	stream.indirect.scatter.add.f32 [tilespmem:s25], [sflag:s0], $0x1, s8, s24, $0xb8;
	[tilespmem:$0xAF8] =	vst v63  }
.Ltmp8:
0x9b: {  	_ = 	snop;
	(pc) =	sbr.rel @!p2 .LBB2_10-.Ltmp8, $4  }
0x9c: {  	s29 =	sor.u32 $0x180, s1  }
0x9d: {  	[spmem:s2] =	stream.indirect.scatter.add.f32 [tilespmem:s25], [sflag:s0], $0x1, s29, s24, $0xb8;
	[tilespmem:$0xAF8] =	vst v63  }
0x9e: {  	s31 =	smov.u32 s30;
	s1 =	sor.u32 $0x200, s1  }
0x9f: {  	[spmem:s2] =	stream.indirect.scatter.add.f32 [tilespmem:s25], [sflag:s0], $0x1, s1, s24, $0xb8;
	[tilespmem:$0xAF8] =	vst v63  }
.LBB2_3:
0xa0: {  	s29 =	sand.u32 $0x1, s31  }
0xa1: {  	p2 =	seq.s32 s31, $0x0;
	s0 =	sxor.u32 $0x1, s29  }
0xa2: {  	s30 =	sadd.s32 @!p2 $0x3, s0  }
0xa3: {  	_ =	swait.ge @!p2 [sflag:s30], $0x50  }
0xa4: {  	[sflag:s30] =	ssyncset.done @!p2 $0x0  }
0xa5: {  	[sflag:s30] =	ssyncadd.s32 @!p2 $0xFFFFFFB0  }
0xa6: {  	_ =	swait.ge @!p2 [sflag:s30], $0x50  }
0xa7: {  	[sflag:s30] =	ssyncset.done @!p2 $0x0  }
0xa8: {  	[sflag:s30] =	ssyncadd.s32 @!p2 $0xFFFFFFB0  }
0xa9: {  	_ =	swait.ge @!p2 [sflag:s30], $0x50  }
0xaa: {  	[sflag:s30] =	ssyncset.done @!p2 $0x0  }
0xab: {  	p3 =	seq.s32 @!p2 s31, $0x18;
	[sflag:s30] =	ssyncadd.s32 @!p2 $0xFFFFFFB0  }
0xac: {  	p3 =	por p2, !p3;
	_ =	swait.ge @!p2 [sflag:s30], $0x50  }
.Ltmp9:
0xad: {  	[sflag:s30] =	ssyncset.done @!p2 $0x0;
	(pc) =	sbr.rel @!p3 .LBB2_5-.Ltmp9, $4  }
0xae: {  	[sflag:s30] =	ssyncadd.s32 @!p2 $0xFFFFFFB0  }
0xaf: {  	_ =	swait.ge @!p2 [sflag:s30], $0x50  }
0xb0: {  	[sflag:s30] =	ssyncset.done @!p2 $0x0  }
0xb1: {  	[sflag:s30] =	ssyncadd.s32 @!p2 $0xFFFFFFB0;
	s30 =	simm.s32 @!p2 $0x19  }
0xb2: {  	s30 =	sadd.s32 @!p2 $0x1, s31  }
0xb3: {  	s30 =	simm.s32 @p2 $0x1  }
0xb4: {  	s8 =	smul.u32 $0x190, s30;
	_ =	sdelay $0x1  }
0xb5: {  	s31 =	sadd.s32 s5, s8  }
0xb6: {  	s31 =	sshrl.u32 s31, $0x3  }
0xb7: {  	s1 =	sadd.s32 $0x1, s0;
	s0 =	sshll.u32 s0, $0xA;
	s31 =	sadd.s32 s4, s31  }
0xb8: {  	[tilespmem:s0], [sflag:s1] =	stream.linear.gather [hbm4b:s31+s3], $0x50, $0x38;
	[tilespmem:$0xAF8] =	vst v63  }
0xb9: {  	s7 =	sor.u32 $0x80, s0;
	s8 =	sadd.s32 $0xA, s31  }
0xba: {  	[tilespmem:s7], [sflag:s1] =	stream.linear.gather [hbm4b:s8+s3], $0x50, $0x38;
	[tilespmem:$0xAF8] =	vst v63  }
0xbb: {  	s7 =	sor.u32 $0x100, s0;
	s8 =	sadd.s32 $0x14, s31  }
0xbc: {  	[tilespmem:s7], [sflag:s1] =	stream.linear.gather [hbm4b:s8+s3], $0x50, $0x38;
	[tilespmem:$0xAF8] =	vst v63  }
.Ltmp10:
0xbd: {  	_ = 	snop;
	(pc) =	sbr.rel .LBB2_5-.Ltmp10, $4  }
0xbe: {  	s7 =	sor.u32 $0x180, s0;
	s8 =	sadd.s32 $0x1E, s31  }
0xbf: {  	[tilespmem:s7], [sflag:s1] =	stream.linear.gather [hbm4b:s8+s3], $0x50, $0x38;
	[tilespmem:$0xAF8] =	vst v63  }
0xc0: {  	s0 =	sor.u32 $0x200, s0;
	s31 =	sadd.s32 $0x28, s31  }
0xc1: {  	[tilespmem:s0], [sflag:s1] =	stream.linear.gather [hbm4b:s31+s3], $0x50, $0x38;
	[tilespmem:$0xAF8] =	vst v63  }
.LBB2_11:
0xc2: {  	_ =	sfence.sel $0x180000  }
0xc3: {  	[bflag:$0x0] =	sbarrier.arrive $0xFFFF  }
0xc4: {  	_ =	strace $0x90000047  }
0xc5: {  	[bflag:$0x2] =	sbarrier.arrive $0xFFFF  }
0xc6: {  	s0 =	rddreg [dreg:$0x3]  }
0xc7: {  	s0 =	sadd.s32 @!p1 $0x100000, s0  }
0xc8: {  	[sflag:s0] =	ssyncadd.tile.s32 @!p1 $0x1;
	_ =	shalt  }
.Lfunc_end2:
_tile_overlayer_lowered:
.L_overlay_start_2:
0xc9: {  	(tag) =	ssettag $0x2  }
0xca: {  	s0 =	rddreg [dreg:$0x0];
	s2 =	stileid.u32  }
0xcb: {  	s1 =	rddreg [dreg:$0x1];
	p0 =	sne.s32 s2, $0x0  }
0xcc: {  	s3 =	rddreg [dreg:$0x2];
	[bflag:$0x3] =	sbarrier.arrive $0xFFFF;
	s2 =	simm.s32 @!p0 $0x1C05  }
0xcd: {  	[timem:s3], [sflag:s2] =	dma.local @!p0 [hbm:s0], s1  }
0xce: {  	s0 =	simm.s32 @!p0 $0x5  }
0xcf: {  	_ =	swait.ge @!p0 [sflag:s0], s1  }
0xd0: {  	s1 =	ssub.s32 @!p0 $0x0, s1;
	[sflag:s0] =	ssyncset.done @!p0 $0x0  }
0xd1: {  	[sflag:s0] =	ssyncadd.s32 @!p0 s1  }
0xd2: {  	[bflag:$0x3] =	sbarrier.arrive $0xFFFF  }
0xd3: {  	_ =	shalt  }

// kernel: kernel.9.cloned.1.call-start
scs
__scs_entry_jumppad:
0x0: {  	(pc) =	sbr.rel $0x88, $3  }
0x1: {  	(tag) =	ssettag $0x0;
	lr =	simm.s32 $0x1  }
0x2: {  	[smem:$0x3F9E] =	sst lr;
	_ =	strace $0xD0000000  }
0x3: {  	_ = 	snop  }
0x4: {  	_ = 	snop  }
0x5: {  	_ = 	snop  }
0x6: {  	_ = 	snop  }
0x7: {  	_ = 	snop  }
__scs_overlays_trampoline_lowered:
0x8: {  	[smem:$0x3FAD] =	sst s0  }
0x9: {  	[smem:$0x3FAE] =	sst s1  }
0xa: {  	[smem:$0x3FAF] =	sst s2  }
0xb: {  	[smem:$0x3FB0] =	sst s3  }
0xc: {  	[smem:$0x3FB1] =	sst s4  }
0xd: {  	[smem:$0x3FB2] =	sst s5  }
0xe: {  	[smem:$0x3FB3] =	sst s6  }
0xf: {  	[smem:$0x3FB4] =	sst s7  }
0x10: {  	[smem:$0x3FB5] =	sst s8  }
0x11: {  	[smem:$0x3FB6] =	sst s9;
	s0 =	simm.s32 @!p0 $0x0  }
0x12: {  	s1 =	sld [smem:$0x3F9C];
	s0 =	simm.s32 @p0 $0x1  }
0x13: {  	[smem:$0x3FB7] =	sst s0;
	s0 =	simm.s32 @!p1 $0x0  }
0x14: {  	s2 =	sld [smem:$0x3F9B];
	s0 =	simm.s32 @p1 $0x1  }
0x15: {  	[smem:$0x3FB8] =	sst s0;
	s0 =	simm.s32 @!p2 $0x0  }
0x16: {  	s3 =	sld [smem:$0x3FDB];
	s0 =	simm.s32 @p2 $0x1  }
0x17: {  	s4 =	simm.s32 $0x1BF5;
	[smem:$0x3FBA] =	sst s0  }
0x18: {  	s0 =	sld [smem:$0x3F9D];
	_ =	swait.ge [sflag:s4], $0x0  }
0x19: {  	s7 =	sld [smem:$0x3F9E]  }
0x1a: {  	s8 =	sadd.s32 $0xFFFFE003, lr  }
0x1b: {  	s9 =	sadd.s32 $0xFFFFFEF7, lr;
	s5 =	simm.s32 $0xFFFFFFFF;
	p2 =	slt.u32 s8, $0xFFFFF086  }
0x1c: {  	p1 =	slt.u32 s9, $0xF7A;
	s5 =	simm.s32 @!p2 $0x0  }
0x1d: {  	s5 =	simm.s32 @p1 $0x1;
	p0 =	seq.s32 s7, s2  }
0x1e: {  	s7 =	smul.u32 @!p0 $0xF7A, s2;
	p2 =	seq.s32 @!p0 s5, $0x0  }
0x1f: {  	s9 =	smul.u32 $0xF7A, s1;
	s8 =	simm.s32 @!p0 $0x1BF5;
	p2 =	por !p2, p0  }
0x20: {  	[sflag:s8] =	ssyncset.s32 @!p0 $0xFFFFF086;
	s6 =	sadd.s32 @!p0 s3, s7;
	s7 =	simm.s32 @!p0 $0x108  }
0x21: {  	s3 =	sadd.s32 s3, s9;
	s6 =	sadd.s32 @!p0 $0x88, s6;
	s7 =	simm.s32 @p2 $0x1082  }
0x22: {  	[simem:s7], [sflag:s8] =	dma.local @!p0 [hbm:s6], $0xF7A  }
0x23: {  	s9 =	sor.u32 $0xD0000000, s2;
	s6 =	simm.s32 $0x108;
	_ =	swait.ge @!p0 [sflag:s8], $0x0  }
0x24: {  	s3 =	sadd.s32 $0x88, s3;
	s6 =	simm.s32 @!p1 $0x1082;
	[sflag:s4] =	ssyncset.s32 $0xFFFFF086  }
0x25: {  	[simem:s6], [sflag:s4] =	dma.local [hbm:s3], $0xF7A  }
0x26: {  	[smem:$0x3F9E] =	sst s1;
	(tag) =	ssettag s2;
	_ =	strace s9  }
0x27: {  	s1 =	sld [smem:$0x3FAE]  }
0x28: {  	s2 =	sld [smem:$0x3FAF]  }
0x29: {  	s4 =	sld [smem:$0x3FB1]  }
0x2a: {  	p0 =	seq.s32 s5, $0x0;
	s5 =	sld [smem:$0x3FB2]  }
0x2b: {  	s6 =	sld [smem:$0x3FB3]  }
0x2c: {  	s7 =	sld [smem:$0x3FB4]  }
0x2d: {  	s3 =	simm.s32 $0x108;
	s8 =	sld [smem:$0x3FB5]  }
0x2e: {  	s3 =	simm.s32 @!p0 $0x1082;
	s9 =	sld [smem:$0x3FB6]  }
0x2f: {  	lr =	sadd.s32 s0, s3;
	s0 =	sld [smem:$0x3FAD]  }
0x30: {  	s3 =	sld [smem:$0x3FB0]  }
0x31: {  	[smem:$0x3FB9] =	sst s10  }
0x32: {  	s10 =	sld [smem:$0x3FB7];
	_ =	sdelay $0x3  }
0x33: {  	p0 =	seq.s32 s10, $0x1;
	s10 =	sld [smem:$0x3FB9];
	_ =	sdelay $0x3  }
0x34: {  	[smem:$0x3FB9] =	sst s10  }
0x35: {  	s10 =	sld [smem:$0x3FB8];
	_ =	sdelay $0x3  }
0x36: {  	p1 =	seq.s32 s10, $0x1;
	s10 =	sld [smem:$0x3FB9];
	_ =	sdelay $0x3  }
0x37: {  	[smem:$0x3FB9] =	sst s10  }
0x38: {  	s10 =	sld [smem:$0x3FBA]  }
0x39: {  	_ = 	snop;
	(pc) =	sbr.ind lr, $3  }
0x3a: {  	_ = 	snop  }
0x3b: {  	_ = 	snop  }
0x3c: {  	p2 =	seq.s32 s10, $0x1;
	s10 =	sld [smem:$0x3FB9]  }
0x3d: {  	_ =	shalt  }
0x3e: {  	_ =	shalt  }
0x3f: {  	_ =	shalt  }
0x40: {  	_ =	shalt  }
0x41: {  	_ =	shalt  }
0x42: {  	_ =	shalt  }
0x43: {  	_ =	shalt  }
0x44: {  	_ =	shalt  }
0x45: {  	_ =	shalt  }
0x46: {  	_ =	shalt  }
0x47: {  	_ =	shalt  }
0x48: {  	_ =	shalt  }
0x49: {  	_ =	shalt  }
0x4a: {  	_ =	shalt  }
0x4b: {  	_ =	shalt  }
0x4c: {  	_ =	shalt  }
0x4d: {  	_ =	shalt  }
0x4e: {  	_ =	shalt  }
0x4f: {  	_ =	shalt  }
0x50: {  	_ =	shalt  }
0x51: {  	_ =	shalt  }
0x52: {  	_ =	shalt  }
0x53: {  	_ =	shalt  }
0x54: {  	_ =	shalt  }
0x55: {  	_ =	shalt  }
0x56: {  	_ =	shalt  }
0x57: {  	_ =	shalt  }
0x58: {  	_ =	shalt  }
0x59: {  	_ =	shalt  }
0x5a: {  	_ =	shalt  }
0x5b: {  	_ =	shalt  }
0x5c: {  	_ =	shalt  }
0x5d: {  	_ =	shalt  }
0x5e: {  	_ =	shalt  }
0x5f: {  	_ =	shalt  }
0x60: {  	_ =	shalt  }
0x61: {  	_ =	shalt  }
0x62: {  	_ =	shalt  }
0x63: {  	_ =	shalt  }
0x64: {  	_ =	shalt  }
0x65: {  	_ =	shalt  }
0x66: {  	_ =	shalt  }
0x67: {  	_ =	shalt  }
0x68: {  	_ =	shalt  }
0x69: {  	_ =	shalt  }
0x6a: {  	_ =	shalt  }
0x6b: {  	_ =	shalt  }
0x6c: {  	_ =	shalt  }
0x6d: {  	_ =	shalt  }
0x6e: {  	_ =	shalt  }
0x6f: {  	_ =	shalt  }
0x70: {  	_ =	shalt  }
0x71: {  	_ =	shalt  }
0x72: {  	_ =	shalt  }
0x73: {  	_ =	shalt  }
0x74: {  	_ =	shalt  }
0x75: {  	_ =	shalt  }
0x76: {  	_ =	shalt  }
0x77: {  	_ =	shalt  }
0x78: {  	_ =	shalt  }
0x79: {  	_ =	shalt  }
0x7a: {  	_ =	shalt  }
0x7b: {  	_ =	shalt  }
0x7c: {  	_ =	shalt  }
0x7d: {  	_ =	shalt  }
0x7e: {  	_ =	shalt  }
0x7f: {  	_ =	shalt  }
0x80: {  	_ =	shalt  }
0x81: {  	_ =	shalt  }
0x82: {  	_ =	shalt  }
0x83: {  	_ =	shalt  }
0x84: {  	_ =	shalt  }
0x85: {  	_ =	shalt  }
0x86: {  	_ =	shalt  }
0x87: {  	_ =	shalt  }
.Lfunc_end0:
.L_simem_size_0:
called_computation.1_lowered:
.L_overlay_start_0:
0x88: {  	s2 =	sld [smem:$0x3FD9]  }
0x89: {  	s3 =	sld [smem:$0x3FFE];
	_ =	sdelay $0x1  }
0x8a: {  	s1 =	srdreg.scid  }
0x8b: {  	s0 =	sand.u32 $0x1, s1  }
0x8c: {  	s17 =	sshll.u32 s0, $0xA;
	s2 =	sadd.s32 s3, s2  }
0x8d: {  	s2 =	sadd.s32 s2, s17  }
0x8e: {  	[smem:$0x3FC5] =	sst s2  }
0x8f: {  	_ = 	snop  }
0x90: {  	s2 =	sld [smem:$0x3FD0];
	(tm) =	ssettm $0x1  }
0x91: {  	s18 =	sld [smem:$0x3FFB];
	_ =	sdelay $0x3  }
0x92: {  	_ =	strace s18  }
0x93: {  	s3 =	sld [smem:$0x3FFC];
	_ =	sdelay $0x3  }
0x94: {  	_ =	strace s3  }
0x95: {  	s3 =	sld [smem:$0x3FFD];
	_ =	sdelay $0x3  }
0x96: {  	_ =	strace s3  }
0x97: {  	_ =	strace $0x8FFFFFFF  }
0x98: {  	s19 =	sld [smem:$0x3FDB];
	_ =	sdelay $0x1  }
0x99: {  	s4 =	simm.s32 $_scs_section_size  }
0x9a: {  	s5 =	simm.s32 $_size__tile_overlayer_lowered;
	s6 =	simm.s32 $_tile_overlayer_lowered  }
0x9b: {  	s22 =	simm.s32 $0x1BFF;
	s21 =	sshll.u32 s6, $0x1;
	s3 =	sadd.s32 s4, s19  }
0x9c: {  	s7 =	simm.s32 $0x0;
	s20 =	sshll.u32 s5, $0x1;
	s5 =	sadd.s32 s21, s3  }
0x9d: {  	[timem:s7], [sflag:s22] =	dma.local [hbm:s5], s20  }
0x9e: {  	_ =	swait.ge [sflag:s22], s20  }
0x9f: {  	s4 =	ssub.s32 $0x0, s20;
	[sflag:s22] =	ssyncset.done $0x0  }
0xa0: {  	[sflag:s22] =	ssyncadd.s32 s4;
	_ =	sdelay $0x1  }
0xa1: {  	s23 =	simm.s32 $0x1B8B  }
0xa2: {  	_ =	swait.ge [sflag:s23], $0x1  }
0xa3: {  	[sflag:s23] =	ssyncset.done $0x0  }
0xa4: {  	s25 =	simm.s32 $0x1B8E;
	s24 =	sld [smem:$0x3FFE];
	[sflag:s23] =	ssyncadd.s32 $0xFFFFFFFF  }
0xa5: {  	s26 =	simm.s32 $execute0_lowered;
	[smem:$0x3FD2] =	sst s25  }
0xa6: {  	s5 =	sshll.u32 s26, $0x1;
	_ =	strace $0x80000049;
	[dreg:$0x1] =	wrdreg $0xFFFFFFFF  }
0xa7: {  	s28 =	simm.s32 $_size_execute0_lowered;
	s3 =	sadd.s32 s3, s5;
	[dreg:$0x0] =	wrdreg $0x0  }
0xa8: {  	s5 =	sshll.u32 s28, $0x1;
	[dreg:$0x2] =	wrdreg s3  }
0xa9: {  	[dreg:$0x3] =	wrdreg s5  }
0xaa: {  	[dreg:$0x4] =	wrdreg $0xC0  }
0xab: {  	_ =	task [dreg:s7], $0x5FFFF  }
0xac: {  	[dreg:$0x1] =	wrdreg $0xFFFFFFFF  }
0xad: {  	[dreg:$0x0] =	wrdreg $0x60  }
0xae: {  	[dreg:$0x2] =	wrdreg s2  }
0xaf: {  	[dreg:$0x3] =	wrdreg s24  }
0xb0: {  	[dreg:$0x4] =	wrdreg $0xA8000  }
0xb1: {  	[dreg:$0x5] =	wrdreg $0x9  }
0xb2: {  	_ =	task.clear_ibuf [dreg:s7], $0x6FFFF;
	_ =	strace $0x90000049  }
0xb3: {  	s29 =	simm.s32 $0x9;
	_ =	strace $0x8000004B  }
0xb4: {  	_ =	swait.ge [sflag:s29], $0x1  }
0xb5: {  	[sflag:s29] =	ssyncadd.s32 $0xFFFFFFFF  }
0xb6: {  	_ =	strace $0x9000004B  }
0xb7: {  	_ =	sfence  }
0xb8: {  	s30 =	sld [smem:$0x0];
	_ =	sdelay $0x2  }
0xb9: {  	s31 =	sshll.u32 s1, $0xD;
	s1 =	sshrl.u32 s1, $0x2  }
0xba: {  	s3 =	sand.u32 $0x4000, s31;
	s1 =	sadd.s32 s1, s30  }
0xbb: {  	s0 =	sor.u32 s3, s0;
	s1 =	sshll.u32 s1, $0x11  }
0xbc: {  	s0 =	sor.u32 s1, s0  }
0xbd: {  	s0 =	sadd.s32 $0x8F2B, s0  }
0xbe: {  	[sflag:s0] =	ssyncadd.remote.s32 $0x1  }
0xbf: {  	_ =	sfence.sel $0xFFFF  }
0xc0: {  	[dreg:$0x0] =	wrdreg $0xFFFFFFFF;
	(pc) =	sbr.abs _section_cstart, $3  }
0xc1: {  	[dreg:$0x1] =	wrdreg $0xFFFFFFFF  }
0xc2: {  	_ =	task.clear_ibuf [dreg:s7], $0x2FFFF;
	_ =	strace $0x9FFFFFFF  }
0xc3: {  	(tm) =	ssettm $0x7FFFFFFF  }
tec
execute0_lowered:
.L_overlay_start_1:
0x0: {  	(tag) =	ssettag $0x1  }
0x1: {  	s1 =	rddreg [dreg:$0x0]  }
0x2: {  	s0 =	rddreg [dreg:$0x1]  }
0x3: {  	s2 =	rddreg [dreg:$0x2];
	s4 =	simm.s32 $0x0  }
0x4: {  	s21 =	stileid.u32;
	s6 =	srdreg.scid;
	s29 =	simm.s32 $0x1  }
0x5: {  	s30 =	simm.s32 $0x50;
	[smem:$0x7FF] =	sst s4;
	s3 =	smul.u32 $0x2780, s21  }
0x6: {  	s5 =	sadd.s32 $0xBC00, s0;
	s16 =	sadd.s32 $0x6200, s0;
	s7 =	smul.u32 $0x4F000, s21  }
0x7: {  	s6 =	sand.u32 $0x1, s6;
	s17 =	sadd.s32 $0x1200, s0;
	s10 =	smul.u32 $0x2710, s21  }
0x8: {  	s22 =	sadd.s32 $0x128400, s2;
	s23 =	sadd.s32 $0x57E80, s0;
	s19 =	smul.u32 $0x4E2, s21  }
0x9: {  	s25 =	sadd.s32 $0xA6280, s0;
	_ =	strace $0x8000004A;
	[dreg:$0x6] =	wrdreg s22  }
0xa: {  	p0 =	seq.s32 s21, $0xF;
	s8 =	ssub.s32 $0x2, s6;
	[dreg:$0x7] =	wrdreg s23  }
0xb: {  	[dreg:$0x9] =	wrdreg s25;
	p1 =	sne.s32 s6, $0x0;
	s23 =	simm.s32 $0xA  }
0xc: {  	s3 =	sadd.s32 s3, s0;
	s9 =	sshrl.u32 s8, $0x1;
	s7 =	sshrl.u32 s7, $0x2  }
0xd: {  	s14 =	sshrl.u32 s10, $0x3;
	s0 =	sadd.s32 $0x7F080, s0;
	s26 =	sadd.s32 s19, s17  }
0xe: {  	s28 =	sadd.s32 s19, s16;
	s18 =	ssub.s32 s8, s9;
	s7 =	sadd.s32 s7, s2  }
0xf: {  	s20 =	sadd.s32 $0x32E00, s3;
	s10 =	sadd.s32 s16, s14;
	s11 =	sadd.s32 s17, s14  }
0x10: {  	s13 =	sadd.s32 $0xA, s14;
	s15 =	sadd.s32 $0x14, s14;
	s24 =	sadd.s32 $0x81200, s3  }
0x11: {  	s3 =	sadd.s32 $0x5A000, s3;
	[dreg:$0xb] =	wrdreg s0;
	s31 =	sadd.s32 $0x1E, s28  }
.Ltmp0:
0x12: {  	s0 =	simm.s32 $0x2;
	[dreg:$0x4] =	wrdreg s7;
	(pc) =	sbr.rel .LBB2_1-.Ltmp0, $4  }
0x13: {  	[dreg:$0x5] =	wrdreg s20;
	s12 =	sadd.s32 s16, s13;
	s13 =	sadd.s32 s17, s13  }
0x14: {  	s14 =	sadd.s32 s16, s15;
	s15 =	sadd.s32 s17, s15;
	[dreg:$0x8] =	wrdreg s24  }
0x15: {  	[dreg:$0xa] =	wrdreg s3;
	s20 =	smax.u32 s18, $0x1;
	s16 =	sadd.s32 $0x1E, s26  }
0x16: {  	s24 =	simm.s32 $0x80;
	s17 =	simm.s32 $0xD;
	s18 =	simm.s32 $0x0  }
.LBB2_15:
0x17: {  	_ =	swait.ge [sflag:s17], $0x2800  }
0x18: {  	[sflag:s17] =	ssyncset.done $0x0  }
0x19: {  	[sflag:s17] =	ssyncadd.s32 $0xFFFFD800  }
0x1a: {  	_ =	swait.ge [sflag:s23], $0x2800  }
0x1b: {  	[sflag:s23] =	ssyncset.done $0x0  }
0x1c: {  	[sflag:s23] =	ssyncadd.s32 $0xFFFFD800  }
0x1d: {  	[bflag:$0x0] =	sbarrier.arrive $0xFFFF  }
0x1e: {  	s3 =	simm.s32 @p0 $0x1FCE;
	s6 =	rddreg [dreg:$0x9]  }
0x1f: {  	[hbm:s6], [sflag:s3] =	dma.local @p0 [spmem:s26], $0x2080  }
0x20: {  	s3 =	simm.s32 @p0 $0xE  }
0x21: {  	_ =	swait.ge @p0 [sflag:s3], $0x2080  }
0x22: {  	[sflag:s3] =	ssyncset.done @p0 $0x0  }
0x23: {  	[sflag:s3] =	ssyncadd.s32 @p0 $0xFFFFDF80;
	s3 =	rddreg [dreg:$0x8]  }
0x24: {  	[hbm:s3], [sflag:s19] =	dma.local @!p0 [spmem:s25], $0x2780  }
0x25: {  	s3 =	simm.s32 @!p0 $0xE  }
0x26: {  	_ =	swait.ge @!p0 [sflag:s3], $0x2780  }
0x27: {  	[sflag:s3] =	ssyncset.done @!p0 $0x0  }
0x28: {  	[sflag:s3] =	ssyncadd.s32 @!p0 $0xFFFFD880  }
.LBB2_16:
0x29: {  	s18 =	sadd.s32 $0x1, s18  }
0x2a: {  	p2 =	sne.s32 s18, s20  }
.Ltmp1:
0x2b: {  	_ = 	snop;
	(pc) =	sbr.rel @!p2 .LBB2_17-.Ltmp1, $1  }
0x2c: {  	_ =	sdelay $0x3  }
.LBB2_1:
0x2d: {  	s3 =	rddreg [dreg:$0x6]  }
0x2e: {  	s6 =	rddreg [dreg:$0x7];
	s26 =	sshrl.u32 @p0 s3, $0x3;
	s3 =	simm.s32 @p0 $0x1FCE  }
0x2f: {  	[spmem:s26], [sflag:s3] =	dma.local @p0 [hbm:s6], $0x2080  }
0x30: {  	s3 =	simm.s32 @p0 $0xE  }
0x31: {  	_ =	swait.ge @p0 [sflag:s3], $0x2080  }
0x32: {  	s6 =	stileid.u32;
	[sflag:s3] =	ssyncset.done @p0 $0x0  }
0x33: {  	s6 =	sshll.u32 @!p0 s6, $0x6;
	[sflag:s3] =	ssyncadd.s32 @p0 $0xFFFFDF80;
	s3 =	rddreg [dreg:$0x4]  }
0x34: {  	s19 =	sor.u32 @!p0 $0x1C0E, s6;
	s25 =	sshrl.u32 @!p0 s3, $0x3;
	s3 =	rddreg [dreg:$0x5]  }
0x35: {  	[spmem:s25], [sflag:s19] =	dma.local @!p0 [hbm:s3], $0x2780  }
0x36: {  	s3 =	simm.s32 @!p0 $0xE  }
0x37: {  	_ =	swait.ge @!p0 [sflag:s3], $0x2780  }
0x38: {  	[sflag:s3] =	ssyncset.done @!p0 $0x0  }
0x39: {  	[sflag:s3] =	ssyncadd.s32 @!p0 $0xFFFFD880  }
0x3a: {  	[bflag:$0x0] =	sbarrier.arrive $0xFFFF  }
0x3b: {  	[tilespmem:s4], [sflag:$0x1] =	stream.linear.gather [hbm4b:s10+s4], $0x50, $0x38;
	[tilespmem:$0x1E080] =	vst v63  }
0x3c: {  	s8 =	simm.s32 $0x400  }
0x3d: {  	[tilespmem:s8], [sflag:$0x1] =	stream.linear.gather [hbm4b:s11+s4], $0x50, $0x38;
	[tilespmem:$0x1E080] =	vst v63  }
0x3e: {  	_ = 	snop  }
0x3f: {  	[tilespmem:s24], [sflag:$0x2] =	stream.linear.gather [hbm4b:s12+s4], $0x50, $0x38;
	[tilespmem:$0x1E080] =	vst v63  }
0x40: {  	s9 =	simm.s32 $0x480  }
0x41: {  	[tilespmem:s9], [sflag:$0x2] =	stream.linear.gather [hbm4b:s13+s4], $0x50, $0x38;
	[tilespmem:$0x1E080] =	vst v63  }
0x42: {  	s21 =	simm.s32 $0x100  }
0x43: {  	[tilespmem:s21], [sflag:$0x3] =	stream.linear.gather [hbm4b:s14+s4], $0x50, $0x38;
	[tilespmem:$0x1E080] =	vst v63  }
0x44: {  	s22 =	simm.s32 $0x500  }
0x45: {  	[tilespmem:s22], [sflag:$0x3] =	stream.linear.gather [hbm4b:s15+s4], $0x50, $0x38;
	[tilespmem:$0x1E080] =	vst v63  }
0x46: {  	_ =	swait.ge [sflag:s29], $0x50  }
.Ltmp2:
0x47: {  	[sflag:s29] =	ssyncset.done $0x0;
	(pc) =	sbr.rel @p1 .LBB2_9-.Ltmp2, $4  }
0x48: {  	[sflag:s29] =	ssyncadd.s32 $0xFFFFFFB0  }
0x49: {  	_ =	swait.ge [sflag:s29], $0x50  }
0x4a: {  	[sflag:s29] =	ssyncset.done $0x0  }
0x4b: {  	s28 =	simm.s32 $0x0;
	s3 =	simm.s32 $0x800;
	[sflag:s29] =	ssyncadd.s32 $0xFFFFFFB0  }
0x4c: {  	[tilespmem:s3], [sflag:$0x6] =	stream.indirect.gather [hbm4b:s1+s30], $0x80, s28, s30, $0xb8;
	[tilespmem:$0x1E080] =	vst v63  }
0x4d: {  	_ =	swait.ge [sflag:s0], $0x50  }
0x4e: {  	[sflag:s0] =	ssyncset.done $0x0  }
0x4f: {  	[sflag:s0] =	ssyncadd.s32 $0xFFFFFFB0  }
.Ltmp3:
0x50: {  	_ =	swait.ge [sflag:s0], $0x50;
	(pc) =	sbr.rel .LBB2_3-.Ltmp3, $4  }
0x51: {  	[sflag:s0] =	ssyncset.done $0x0  }
0x52: {  	s22 =	simm.s32 $0x3000;
	[sflag:s0] =	ssyncadd.s32 $0xFFFFFFB0  }
0x53: {  	[tilespmem:s22], [sflag:$0x7] =	stream.indirect.gather [hbm4b:s1+s30], $0x80, s24, s30, $0xb8;
	[tilespmem:$0x1E080] =	vst v63  }
0x54: {  	s21 =	smov.u32 s16;
	s22 =	smov.u32 s31  }
.LBB2_4:
0x55: {  	s6 =	sadd.s32 $0x3, s28  }
0x56: {  	s7 =	smul.u32 $0xCD, s6;
	_ =	sdelay $0x1  }
0x57: {  	s7 =	sshrl.u32 s7, $0xA  }
0x58: {  	s7 =	sand.u32 $0x3F, s7  }
0x59: {  	s7 =	smul.u32 $0x5, s7;
	_ =	sdelay $0x1  }
0x5a: {  	s6 =	ssub.s32 s6, s7  }
0x5b: {  	s6 =	sand.u32 $0xFF, s6  }
0x5c: {  	s9 =	sadd.s32 $0x1, s6;
	s6 =	sshll.u32 s6, $0x7  }
0x5d: {  	[tilespmem:s6], [sflag:s9] =	stream.linear.gather [hbm4b:s22+s4], $0x50, $0x38;
	[tilespmem:$0x1E080] =	vst v63  }
0x5e: {  	s3 =	smov.u32 @p2 s28;
	s6 =	sor.u32 $0x400, s6  }
0x5f: {  	[tilespmem:s6], [sflag:s9] =	stream.linear.gather [hbm4b:s21+s4], $0x50, $0x38;
	[tilespmem:$0x1E080] =	vst v63  }
0x60: {  	s6 =	smov.u32 s3  }
.LBB2_6:
0x61: {  	s3 =	sadd.s32 $0x2, s28  }
0x62: {  	s7 =	smul.u32 $0xCD, s3;
	_ =	sdelay $0x1  }
0x63: {  	s7 =	sshrl.u32 s7, $0xA  }
0x64: {  	s7 =	sand.u32 $0x3F, s7  }
0x65: {  	s7 =	smul.u32 $0x5, s7;
	_ =	sdelay $0x1  }
0x66: {  	s7 =	ssub.s32 s3, s7  }
0x67: {  	s7 =	sand.u32 $0xFF, s7  }
0x68: {  	s8 =	sadd.s32 $0x1, s7  }
0x69: {  	_ =	swait.ge [sflag:s8], $0x50  }
0x6a: {  	s3 =	sand.u32 $0x3, s3;
	[sflag:s8] =	ssyncset.done $0x0  }
0x6b: {  	s9 =	smul.u32 $0xA000, s3;
	[sflag:s8] =	ssyncadd.s32 $0xFFFFFFB0  }
0x6c: {  	_ =	swait.ge [sflag:s8], $0x50  }
0x6d: {  	s3 =	sadd.s32 $0x6, s3;
	s9 =	sshrl.u32 s9, $0x2;
	[sflag:s8] =	ssyncset.done $0x0  }
0x6e: {  	s7 =	sshll.u32 s7, $0x7;
	[sflag:s8] =	ssyncadd.s32 $0xFFFFFFB0;
	s8 =	sadd.s32 $0x800, s9  }
0x6f: {  	[tilespmem:s8], [sflag:s3] =	stream.indirect.gather [hbm4b:s1+s30], $0x80, s7, s30, $0xb8;
	[tilespmem:$0x1E080] =	vst v63  }
0x70: {  	s3 =	smov.u32 s6  }
.LBB2_7:
0x71: {  	s6 =	smul.u32 $0xCD, s28;
	_ =	sdelay $0x1  }
0x72: {  	s6 =	sshrl.u32 s6, $0xA  }
0x73: {  	s6 =	sand.u32 $0x3F, s6  }
0x74: {  	s6 =	smul.u32 $0x5, s6;
	_ =	sdelay $0x1  }
0x75: {  	s6 =	ssub.s32 s28, s6;
	s28 =	sadd.s32 $0x1, s28  }
0x76: {  	s7 =	sadd.s32 $0x6, s3;
	s8 =	smul.u32 $0xA000, s3;
	p2 =	sne.s32 s28, $0x7D  }
.Ltmp4:
0x77: {  	s9 =	sadd.s32 $0xA, s3;
	s21 =	sadd.s32 $0xA, s21;
	(pc) =	sbr.rel @!p2 .LBB2_8-.Ltmp4, $4  }
0x78: {  	s22 =	sadd.s32 $0xA, s22;
	_ =	swait.ge [sflag:s7], $0x2800;
	s6 =	sand.u32 $0xF7, s6  }
0x79: {  	[sflag:s7] =	ssyncset.done $0x0;
	s8 =	sshra.s32 s8, $0x2;
	s6 =	sshll.u32 s6, $0x7  }
0x7a: {  	[sflag:s7] =	ssyncadd.s32 $0xFFFFD800;
	s7 =	sadd.s32 $0x800, s8;
	s6 =	sor.u32 $0x400, s6  }
0x7b: {  	[spmem:s2] =	stream.indirect.scatter.add.f32 [tilespmem:s7], [sflag:s9], $0x80, s6, s30, $0xb8;
	[tilespmem:$0x1E080] =	vst v63  }
.LBB2_3:
0x7c: {  	p2 =	slt.u32 s28, $0x2  }
0x7d: {  	p3 =	sgt.u32 @!p2 s28, $0x79  }
0x7e: {  	s3 =	sand.u32 @!p2 $0x3, s28;
	p3 =	por p2, !p3  }
.Ltmp5:
0x7f: {  	s6 =	sxor.u32 @!p2 $0x2, s3;
	(pc) =	sbr.rel @p3 .LBB2_4-.Ltmp5, $4  }
0x80: {  	s6 =	sadd.s32 @!p2 $0xA, s6  }
0x81: {  	_ =	swait.ge @!p2 [sflag:s6], $0x2800  }
0x82: {  	[sflag:s6] =	ssyncset.done @!p2 $0x0  }
0x83: {  	[sflag:s6] =	ssyncadd.s32 @!p2 $0xFFFFD800  }
0x84: {  	p2 =	sne.s32 s28, $0x7A  }
.Ltmp6:
0x85: {  	_ = 	snop;
	(pc) =	sbr.rel @p2 .LBB2_7-.Ltmp6, $4  }
.Ltmp7:
0x86: {  	_ = 	snop;
	(pc) =	sbr.rel @!p2 .LBB2_6-.Ltmp7, $4  }
0x87: {  	_ = 	snop  }
0x88: {  	_ = 	snop  }
0x89: {  	s6 =	simm.s32 $0x2  }
0x8a: {  	_ = 	snop  }
.LBB2_9:
0x8b: {  	[tilespmem:s3], [sflag:$0x6] =	stream.indirect.gather [hbm4b:s5+s30], $0x80, s28, s30, $0xb8;
	[tilespmem:$0x1E080] =	vst v63  }
0x8c: {  	_ =	swait.ge [sflag:s0], $0x50  }
0x8d: {  	[sflag:s0] =	ssyncset.done $0x0  }
0x8e: {  	[sflag:s0] =	ssyncadd.s32 $0xFFFFFFB0  }
.Ltmp8:
0x8f: {  	_ =	swait.ge [sflag:s0], $0x50;
	(pc) =	sbr.rel .LBB2_10-.Ltmp8, $4  }
0x90: {  	[sflag:s0] =	ssyncset.done $0x0  }
0x91: {  	s22 =	simm.s32 $0x3000;
	[sflag:s0] =	ssyncadd.s32 $0xFFFFFFB0  }
0x92: {  	[tilespmem:s22], [sflag:$0x7] =	stream.indirect.gather [hbm4b:s5+s30], $0x80, s24, s30, $0xb8;
	[tilespmem:$0x1E080] =	vst v63  }
0x93: {  	s21 =	smov.u32 s16;
	s22 =	smov.u32 s31  }
.LBB2_11:
0x94: {  	s6 =	sadd.s32 $0x3, s28  }
0x95: {  	s7 =	smul.u32 $0xCD, s6;
	_ =	sdelay $0x1  }
0x96: {  	s7 =	sshrl.u32 s7, $0xA  }
0x97: {  	s7 =	sand.u32 $0x3F, s7  }
0x98: {  	s7 =	smul.u32 $0x5, s7;
	_ =	sdelay $0x1  }
0x99: {  	s6 =	ssub.s32 s6, s7  }
0x9a: {  	s6 =	sand.u32 $0xFF, s6  }
0x9b: {  	s9 =	sadd.s32 $0x1, s6;
	s6 =	sshll.u32 s6, $0x7  }
0x9c: {  	[tilespmem:s6], [sflag:s9] =	stream.linear.gather [hbm4b:s22+s4], $0x50, $0x38;
	[tilespmem:$0x1E080] =	vst v63  }
0x9d: {  	s3 =	smov.u32 @p2 s28;
	s6 =	sor.u32 $0x400, s6  }
0x9e: {  	[tilespmem:s6], [sflag:s9] =	stream.linear.gather [hbm4b:s21+s4], $0x50, $0x38;
	[tilespmem:$0x1E080] =	vst v63  }
0x9f: {  	s6 =	smov.u32 s3  }
.LBB2_13:
0xa0: {  	s3 =	sadd.s32 $0x2, s28  }
0xa1: {  	s7 =	smul.u32 $0xCD, s3;
	_ =	sdelay $0x1  }
0xa2: {  	s7 =	sshrl.u32 s7, $0xA  }
0xa3: {  	s7 =	sand.u32 $0x3F, s7  }
0xa4: {  	s7 =	smul.u32 $0x5, s7;
	_ =	sdelay $0x1  }
0xa5: {  	s7 =	ssub.s32 s3, s7  }
0xa6: {  	s7 =	sand.u32 $0xFF, s7  }
0xa7: {  	s8 =	sadd.s32 $0x1, s7  }
0xa8: {  	_ =	swait.ge [sflag:s8], $0x50  }
0xa9: {  	s3 =	sand.u32 $0x3, s3;
	[sflag:s8] =	ssyncset.done $0x0  }
0xaa: {  	s9 =	smul.u32 $0xA000, s3;
	[sflag:s8] =	ssyncadd.s32 $0xFFFFFFB0  }
0xab: {  	_ =	swait.ge [sflag:s8], $0x50  }
0xac: {  	s3 =	sadd.s32 $0x6, s3;
	s9 =	sshrl.u32 s9, $0x2;
	[sflag:s8] =	ssyncset.done $0x0  }
0xad: {  	s7 =	sshll.u32 s7, $0x7;
	[sflag:s8] =	ssyncadd.s32 $0xFFFFFFB0;
	s8 =	sadd.s32 $0x800, s9  }
0xae: {  	[tilespmem:s8], [sflag:s3] =	stream.indirect.gather [hbm4b:s5+s30], $0x80, s7, s30, $0xb8;
	[tilespmem:$0x1E080] =	vst v63  }
0xaf: {  	s3 =	smov.u32 s6  }
.LBB2_14:
0xb0: {  	s6 =	smul.u32 $0xCD, s28;
	_ =	sdelay $0x1  }
0xb1: {  	s6 =	sshrl.u32 s6, $0xA  }
0xb2: {  	s6 =	sand.u32 $0x3F, s6  }
0xb3: {  	s6 =	smul.u32 $0x5, s6;
	_ =	sdelay $0x1  }
0xb4: {  	s6 =	ssub.s32 s28, s6;
	s28 =	sadd.s32 $0x1, s28  }
0xb5: {  	s7 =	sadd.s32 $0x6, s3;
	s8 =	smul.u32 $0xA000, s3;
	p2 =	sne.s32 s28, $0x7D  }
.Ltmp9:
0xb6: {  	s9 =	sadd.s32 $0xA, s3;
	s21 =	sadd.s32 $0xA, s21;
	(pc) =	sbr.rel @!p2 .LBB2_15-.Ltmp9, $4  }
0xb7: {  	s22 =	sadd.s32 $0xA, s22;
	_ =	swait.ge [sflag:s7], $0x2800;
	s6 =	sand.u32 $0xF7, s6  }
0xb8: {  	[sflag:s7] =	ssyncset.done $0x0;
	s8 =	sshra.s32 s8, $0x2;
	s6 =	sshll.u32 s6, $0x7  }
0xb9: {  	[sflag:s7] =	ssyncadd.s32 $0xFFFFD800;
	s7 =	sadd.s32 $0x800, s8;
	s6 =	sor.u32 $0x400, s6  }
0xba: {  	[spmem:s2] =	stream.indirect.scatter.add.f32 [tilespmem:s7], [sflag:s9], $0x80, s6, s30, $0xb8;
	[tilespmem:$0x1E080] =	vst v63  }
.LBB2_10:
0xbb: {  	p2 =	slt.u32 s28, $0x2  }
0xbc: {  	p3 =	sgt.u32 @!p2 s28, $0x79  }
0xbd: {  	s3 =	sand.u32 @!p2 $0x3, s28;
	p3 =	por p2, !p3  }
.Ltmp10:
0xbe: {  	s6 =	sxor.u32 @!p2 $0x2, s3;
	(pc) =	sbr.rel @p3 .LBB2_11-.Ltmp10, $4  }
0xbf: {  	s6 =	sadd.s32 @!p2 $0xA, s6  }
0xc0: {  	_ =	swait.ge @!p2 [sflag:s6], $0x2800  }
0xc1: {  	[sflag:s6] =	ssyncset.done @!p2 $0x0  }
0xc2: {  	[sflag:s6] =	ssyncadd.s32 @!p2 $0xFFFFD800  }
0xc3: {  	p2 =	sne.s32 s28, $0x7A  }
.Ltmp11:
0xc4: {  	_ = 	snop;
	(pc) =	sbr.rel @p2 .LBB2_14-.Ltmp11, $4  }
.Ltmp12:
0xc5: {  	_ = 	snop;
	(pc) =	sbr.rel @!p2 .LBB2_13-.Ltmp12, $4  }
0xc6: {  	_ = 	snop  }
0xc7: {  	_ = 	snop  }
0xc8: {  	s6 =	simm.s32 $0x2  }
0xc9: {  	_ = 	snop  }
.LBB2_8:
0xca: {  	_ =	swait.ge [sflag:s17], $0x2800  }
0xcb: {  	[sflag:s17] =	ssyncset.done $0x0  }
0xcc: {  	[sflag:s17] =	ssyncadd.s32 $0xFFFFD800  }
0xcd: {  	_ =	swait.ge [sflag:s23], $0x2800  }
0xce: {  	[sflag:s23] =	ssyncset.done $0x0  }
0xcf: {  	[sflag:s23] =	ssyncadd.s32 $0xFFFFD800  }
0xd0: {  	[bflag:$0x0] =	sbarrier.arrive $0xFFFF  }
0xd1: {  	s3 =	simm.s32 @p0 $0x1FCE;
	s6 =	rddreg [dreg:$0xb]  }
0xd2: {  	[hbm:s6], [sflag:s3] =	dma.local @p0 [spmem:s26], $0x2080  }
0xd3: {  	s3 =	simm.s32 @p0 $0xE  }
0xd4: {  	_ =	swait.ge @p0 [sflag:s3], $0x2080  }
0xd5: {  	[sflag:s3] =	ssyncset.done @p0 $0x0  }
0xd6: {  	[sflag:s3] =	ssyncadd.s32 @p0 $0xFFFFDF80;
	s3 =	rddreg [dreg:$0xa]  }
0xd7: {  	[hbm:s3], [sflag:s19] =	dma.local @!p0 [spmem:s25], $0x2780  }
.Ltmp13:
0xd8: {  	_ = 	snop;
	(pc) =	sbr.rel .LBB2_16-.Ltmp13, $4  }
0xd9: {  	s3 =	simm.s32 @!p0 $0xE  }
0xda: {  	_ =	swait.ge @!p0 [sflag:s3], $0x2780  }
0xdb: {  	[sflag:s3] =	ssyncset.done @!p0 $0x0  }
0xdc: {  	[sflag:s3] =	ssyncadd.s32 @!p0 $0xFFFFD880  }
.LBB2_17:
0xdd: {  	_ =	sfence.sel $0x180000  }
0xde: {  	[bflag:$0x0] =	sbarrier.arrive $0xFFFF  }
0xdf: {  	_ =	strace $0x9000004A  }
0xe0: {  	s0 =	stileid.u32;
	[bflag:$0x2] =	sbarrier.arrive $0xFFFF  }
0xe1: {  	p0 =	sne.s32 s0, $0x0;
	s0 =	rddreg [dreg:$0x3]  }
0xe2: {  	s0 =	sadd.s32 @!p0 $0x100000, s0  }
0xe3: {  	[sflag:s0] =	ssyncadd.tile.s32 @!p0 $0x1;
	_ =	shalt  }
.Lfunc_end2:
_tile_overlayer_lowered:
.L_overlay_start_2:
0xe4: {  	(tag) =	ssettag $0x2  }
0xe5: {  	s0 =	rddreg [dreg:$0x0];
	s2 =	stileid.u32  }
0xe6: {  	s1 =	rddreg [dreg:$0x1];
	p0 =	sne.s32 s2, $0x0  }
0xe7: {  	s3 =	rddreg [dreg:$0x2];
	[bflag:$0x3] =	sbarrier.arrive $0xFFFF;
	s2 =	simm.s32 @!p0 $0x1C0E  }
0xe8: {  	[timem:s3], [sflag:s2] =	dma.local @!p0 [hbm:s0], s1  }
0xe9: {  	s0 =	simm.s32 @!p0 $0xE  }
0xea: {  	_ =	swait.ge @!p0 [sflag:s0], s1  }
0xeb: {  	s1 =	ssub.s32 @!p0 $0x0, s1;
	[sflag:s0] =	ssyncset.done @!p0 $0x0  }
0xec: {  	[sflag:s0] =	ssyncadd.s32 @!p0 s1  }
0xed: {  	[bflag:$0x3] =	sbarrier.arrive $0xFFFF  }
0xee: {  	_ =	shalt  }

</sc_bundles>
